<compile_context>
chip_gen: v7x
topology: tpu7x:2x2x1
jax: 0.10.2.dev20260603
libtpu: 0.0.44.dev20260713+nightly
codegen_flags: <defaults>
</compile_context>

<pallas_src>
import functools

import jax
import jax.numpy as jnp
from jax import lax
from jax.experimental import pallas as pl
from jax.experimental.pallas import tpu as pltpu
from jax.experimental.pallas import tpu_sc as plsc

NC = 2
NS = 16
NW = NC * NS
K = 40

_LP = (1.14470976e-05, 0.999166401, -0.48969909, 0.283823183,
       -0.129957198, 0.0298087652)


def _ssp(v):
    z = 0.5 * v
    u = jnp.exp(-jnp.abs(z))
    u2 = u * u
    u4 = u2 * u2
    p = (jnp.float32(_LP[0]) + jnp.float32(_LP[1]) * u
         + (jnp.float32(_LP[2]) + jnp.float32(_LP[3]) * u) * u2
         + (jnp.float32(_LP[4]) + jnp.float32(_LP[5]) * u) * u4)
    return 2.0 * (jnp.maximum(z, 0.0) + p)


def _mm_t(a, b):
    return lax.dot_general(a, b, (((1,), (1,)), ((), ())),
                           preferred_element_type=jnp.float32)



def _nn_body(x_ref, w_ref, o_ref):
    o_ref[...] = _mm_t(x_ref[...], w_ref[...])


def _emlp_body(rbft_ref, wc1_ref, bc1_ref, wc2_ref, bc2_ref, h_ref):
    a = lax.dot_general(rbft_ref[...], wc1_ref[...], (((0,), (1,)), ((), ())),
                        preferred_element_type=jnp.float32)
    a = _ssp(a + bc1_ref[...])
    h_ref[...] = _mm_t(a, wc2_ref[...]) + bc2_ref[...]


def _out_body(p0_ref, p1_ref, x_ref, w2_ref, b2_ref, w3_ref, b3_ref, o_ref):
    cf = (p0_ref[0] + p0_ref[1]) + (p1_ref[0] + p1_ref[1])
    t = _ssp(_mm_t(cf, w2_ref[...]) + b2_ref[...])
    o_ref[...] = x_ref[...] + _mm_t(t, w3_ref[...]) + b3_ref[...]



@functools.cache
def _make_sc(N, D, E):
    EW = E // NW
    CH = EW // K
    RT = (N // NS) // 8 * 8
    TAIL = N - NS * RT
    mesh = plsc.VectorSubcoreMesh(core_axis_name="c", subcore_axis_name="s")

    @functools.partial(
        pl.kernel,
        out_type=jax.ShapeDtypeStruct((NC, N, D), jnp.float32),
        mesh=mesh,
        scratch_types=[
            pltpu.VMEM((EW,), jnp.int32),
            pltpu.VMEM((2, 1, K), jnp.int32),
            pltpu.VMEM((2, K, D), jnp.float32),
            pltpu.VMEM((2, K, D), jnp.float32),
            pltpu.VMEM_SHARED((N, D), jnp.float32),
            pltpu.SemaphoreType.DMA,
            pltpu.SemaphoreType.DMA,
            pltpu.SemaphoreType.DMA,
            pltpu.SemaphoreType.DMA,
            pltpu.SemaphoreType.DMA,
            pltpu.SemaphoreType.DMA,
            pltpu.SemaphoreType.DMA,
            pltpu.SemaphoreType.DMA,
        ],
    )
    def sc_fn(nn_hbm, h_hbm, src_hbm, dst_hbm, zero_hbm, out_hbm,
              src_v, dst_v, gath_v, h_v, acc_sh,
              sem_d0, sem_d1, sem_g0, sem_g1, sem_h0, sem_h1,
              sem_s0, sem_s1):
        cid = lax.axis_index("c")
        sid = lax.axis_index("s")
        wid = cid * NS + sid
        base = wid * EW
        sem_d = (sem_d0, sem_d1)
        sem_g = (sem_g0, sem_g1)
        sem_h = (sem_h0, sem_h1)
        sem_s = (sem_s0, sem_s1)

        pltpu.sync_copy(zero_hbm.at[pl.ds(sid * RT, RT)],
                        acc_sh.at[pl.ds(sid * RT, RT)])
        @pl.when(sid == NS - 1)
        def _():
            pltpu.sync_copy(zero_hbm.at[pl.ds(NS * RT, TAIL)],
                            acc_sh.at[pl.ds(NS * RT, TAIL)])
        pltpu.sync_copy(src_hbm.at[pl.ds(base, EW)], src_v)
        plsc.subcore_barrier()

        def wait_scatter(b):
            pltpu.make_async_copy(gath_v.at[b], acc_sh.at[dst_v.at[b, 0]],
                                  sem_s[b]).wait()

        def issue(c, b):
            @pl.when(c >= 2)
            def _():
                wait_scatter(b)
            pltpu.async_copy(dst_hbm.at[wid * CH + c], dst_v.at[b], sem_d[b])
            pltpu.async_copy(h_hbm.at[pl.ds(base + c * K, K)], h_v.at[b],
                             sem_h[b])
            pltpu.async_copy(nn_hbm.at[src_v.at[pl.ds(c * K, K)]],
                             gath_v.at[b], sem_g[b])

        def process(c, b):
            pltpu.make_async_copy(h_hbm.at[pl.ds(base + c * K, K)],
                                  h_v.at[b], sem_h[b]).wait()
            pltpu.make_async_copy(nn_hbm.at[src_v.at[pl.ds(c * K, K)]],
                                  gath_v.at[b], sem_g[b]).wait()

            def row(r, carry2):
                for j in range(D // 16):
                    s = pl.ds(j * 16, 16)
                    gath_v[b, r, s] = gath_v[b, r, s] * h_v[b, r, s]
                return carry2

            lax.fori_loop(0, K, row, 0)

            pltpu.make_async_copy(dst_hbm.at[wid * CH + c],
                                  dst_v.at[b], sem_d[b]).wait()
            pltpu.async_copy(gath_v.at[b], acc_sh.at[dst_v.at[b, 0]],
                             sem_s[b], add=True)

        issue(0, 0)

        def pair(i, carry):
            c0 = 2 * i
            issue(c0 + 1, 1)
            process(c0, 0)

            @pl.when(c0 + 2 < CH)
            def _():
                issue(c0 + 2, 0)

            process(c0 + 1, 1)
            return carry

        lax.fori_loop(0, CH // 2, pair, 0)
        if CH % 2:
            process(CH - 1, 0)
        wait_scatter(0)
        wait_scatter(1)
        plsc.subcore_barrier()

        pltpu.sync_copy(acc_sh.at[pl.ds(sid * RT, RT)],
                        out_hbm.at[cid, pl.ds(sid * RT, RT)])
        @pl.when(sid == NS - 1)
        def _():
            pltpu.sync_copy(acc_sh.at[pl.ds(NS * RT, TAIL)],
                            out_hbm.at[cid, pl.ds(NS * RT, TAIL)])

    return sc_fn



def kernel(x, edge_index, rbf, W1, Wc1, bc1, Wc2, bc2, W2, b2, W3, b3):
    N, D = x.shape
    E, R = rbf.shape
    EW = E // NW
    CH = EW // K

    new_node = pl.pallas_call(
        _nn_body,
        out_shape=jax.ShapeDtypeStruct((N, D), jnp.float32),
    )(x, W1)

    S = 2
    ES = E // S
    BE = 6400
    rbf_t = rbf.T
    src = edge_index[0]
    dst = edge_index[1]
    zeros = jnp.zeros((N, D), jnp.float32)
    sc_call = _make_sc(N, D, ES)

    partials = []
    for s in range(S):
        h_s = pl.pallas_call(
            _emlp_body,
            grid=(ES // BE,),
            in_specs=[
                pl.BlockSpec((R, BE), lambda i, s=s: (0, s * (ES // BE) + i)),
                pl.BlockSpec((D, R), lambda i: (0, 0)),
                pl.BlockSpec((1, D), lambda i: (0, 0)),
                pl.BlockSpec((D, D), lambda i: (0, 0)),
                pl.BlockSpec((1, D), lambda i: (0, 0)),
            ],
            out_specs=pl.BlockSpec((BE, D), lambda i: (i, 0)),
            out_shape=jax.ShapeDtypeStruct((ES, D), jnp.float32),
        )(rbf_t, Wc1, bc1.reshape(1, D), Wc2, bc2.reshape(1, D))
        src_s = lax.slice(src, (s * ES,), ((s + 1) * ES,))
        dst_s = lax.slice(dst, (s * ES,), ((s + 1) * ES,)).reshape(-1, 1, K)
        partials.append(sc_call(new_node, h_s, src_s, dst_s, zeros))

    BN = 2000
    out = pl.pallas_call(
        _out_body,
        grid=(N // BN,),
        in_specs=[
            pl.BlockSpec((NC, BN, D), lambda i: (0, i, 0)),
            pl.BlockSpec((NC, BN, D), lambda i: (0, i, 0)),
            pl.BlockSpec((BN, D), lambda i: (i, 0)),
            pl.BlockSpec((D, D), lambda i: (0, 0)),
            pl.BlockSpec((1, D), lambda i: (0, 0)),
            pl.BlockSpec((D, D), lambda i: (0, 0)),
            pl.BlockSpec((1, D), lambda i: (0, 0)),
        ],
        out_specs=pl.BlockSpec((BN, D), lambda i: (i, 0)),
        out_shape=jax.ShapeDtypeStruct((N, D), jnp.float32),
    )(partials[0], partials[1], x, W2, b2.reshape(1, D),
      W3, b3.reshape(1, D))

    return out

# --- scband reference (transcript-rebuilt; emitter-appended) ---
"""Pipeline reference for scband-interaction-16449724744296 (READ-ONLY COPY).

The authoritative reference and input builder live on the scoring server;
editing this copy changes nothing except your own understanding.
"""

import jax, jax.numpy as jnp
import numpy as np

N = 10000
E = 320000
D = 128
R = 64


def _ssp(x):
    # torch.nn.Softplus(beta=0.5, threshold=14): (1/beta)*log(1+exp(beta*x)), linear past threshold
    return 2.0 * jnp.logaddexp(0.0, 0.5 * x)


def setup_inputs(seed: int = 0) -> dict:
    key = jax.random.key(seed)
    ks = jax.random.split(key, 16)

    x = jax.random.normal(ks[0], (N, D), dtype=jnp.float32)
    edge_index = jax.random.randint(ks[1], (2, E), 0, N)
    rbf = jax.random.uniform(ks[2], (E, R), dtype=jnp.float32)

    def linW(k, fan_in, fan_out):
        b = 1.0 / np.sqrt(fan_in)
        return jax.random.uniform(k, (fan_out, fan_in), dtype=jnp.float32, minval=-b, maxval=b)

    def linB(k, fan_in, fan_out):
        b = 1.0 / np.sqrt(fan_in)
        return jax.random.uniform(k, (fan_out,), dtype=jnp.float32, minval=-b, maxval=b)

    W1 = linW(ks[3], D, D)                      # node_layer1, no bias
    Wc1 = linW(ks[4], R, D)                     # cfconv linear_layer1
    bc1 = linB(ks[5], R, D)
    Wc2 = linW(ks[6], D, D)                     # cfconv linear_layer2
    bc2 = linB(ks[7], D, D)
    W2 = linW(ks[8], D, D)                      # node_layer2
    b2 = linB(ks[9], D, D)
    W3 = linW(ks[10], D, D)                     # node_layer3
    b3 = linB(ks[11], D, D)

    return {"x": x, "edge_index": edge_index, "rbf": rbf,
            "W1": W1, "Wc1": Wc1, "bc1": bc1, "Wc2": Wc2, "bc2": bc2,
            "W2": W2, "b2": b2, "W3": W3, "b3": b3}


def reference(x, edge_index, rbf, W1, Wc1, bc1, Wc2, bc2, W2, b2, W3, b3):
    src = edge_index[0]
    dst = edge_index[1]

    # g.ndata['new_node'] = node_layer1(node)
    new_node = x @ W1.T

    # CFConv.update_edge: h = lin2(act(lin1(rbf)))
    h = _ssp(rbf @ Wc1.T + bc1) @ Wc2.T + bc2

    # u_mul_e + sum reduce: gather src node feats, multiply by edge filter, scatter-add to dst
    msg = new_node[src] * h
    cf_node = jax.ops.segment_sum(msg, dst, num_segments=x.shape[0])

    cf_node_1 = cf_node @ W2.T + b2
    cf_node_1a = _ssp(cf_node_1)
    new_out = cf_node_1a @ W3.T + b3

    return x + new_out

if __name__ == "__main__":
    import jax
    _d = setup_inputs()
    print(jax.jit(kernel)(*tuple(_d.values())))

</pallas_src>

<mosaic_0001>
#map = affine_map<(d0, d1) -> (0, 0)>
#map1 = affine_map<(d0, d1) -> (0)>
#map2 = affine_map<(d0, d1) -> (0, 0, 0)>
module attributes {stable_mosaic.version = 14 : i64} {
  func.func @sc_fn(%arg0: i32, %arg1: i32, %arg2: memref<10000x128xf32, #tpu.memory_space<hbm>>, %arg3: memref<160000x128xf32, #tpu.memory_space<hbm>>, %arg4: memref<160000xi32, #tpu.memory_space<hbm>>, %arg5: memref<4000x1x40xi32, #tpu.memory_space<hbm>>, %arg6: memref<10000x128xf32, #tpu.memory_space<hbm>>, %arg7: memref<2x10000x128xf32, #tpu.memory_space<hbm>>, %arg8: memref<5000xi32, #tpu.memory_space<vmem>>, %arg9: memref<2x1x40xi32, #tpu.memory_space<vmem>>, %arg10: memref<2x40x128xf32, #tpu.memory_space<vmem>>, %arg11: memref<2x40x128xf32, #tpu.memory_space<vmem>>, %arg12: memref<10000x128xf32, #tpu.memory_space<vmem_shared>>, %arg13: memref<!tpu.dma_semaphore, #tpu.memory_space<semaphore_mem>>, %arg14: memref<!tpu.dma_semaphore, #tpu.memory_space<semaphore_mem>>, %arg15: memref<!tpu.dma_semaphore, #tpu.memory_space<semaphore_mem>>, %arg16: memref<!tpu.dma_semaphore, #tpu.memory_space<semaphore_mem>>, %arg17: memref<!tpu.dma_semaphore, #tpu.memory_space<semaphore_mem>>, %arg18: memref<!tpu.dma_semaphore, #tpu.memory_space<semaphore_mem>>, %arg19: memref<!tpu.dma_semaphore, #tpu.memory_space<semaphore_mem>>, %arg20: memref<!tpu.dma_semaphore, #tpu.memory_space<semaphore_mem>>) attributes {dimension_semantics = [#tpu.dimension_semantics<core_parallel>, #tpu.dimension_semantics<subcore_parallel>], iteration_bounds = array<i64: 2, 16>, scalar_prefetch = 0 : i64, scratch_operands = 13 : i64, tpu.core_type = #tpu.core_type<sc_vector_subcore>, window_params = [{transform_indices = #map}, {transform_indices = #map}, {transform_indices = #map1}, {transform_indices = #map2}, {transform_indices = #map}, {transform_indices = #map2}]} {
    %mul3A = arith.constant 16 : i32
    %mul3A_0 = arith.muli %arg0, %mul3A : i32
    %add3A = arith.addi %mul3A_0, %arg1 : i32
    %mul3A_1 = arith.constant 5000 : i32
    %mul3A_2 = arith.muli %add3A, %mul3A_1 : i32
    %mul3A_3 = arith.constant 624 : i32
    %mul3A_4 = arith.muli %arg1, %mul3A_3 : i32
    %mul3A_5 = arith.constant 624 : i32
    %mul3A_6 = arith.muli %arg1, %mul3A_5 : i32
    "tpu.region"() ({
      %run_scoped3A = tpu.sem_alloc : memref<!tpu.dma_semaphore, #tpu.memory_space<semaphore_mem>>
      %dma_start3A_159 = arith.constant 0 : i32
      %dma_start3A_160 = tpu.memref_slice %arg12[%mul3A_6, %dma_start3A_159] : memref<10000x128xf32, #tpu.memory_space<vmem_shared>> -> memref<624x128xf32, #tpu.memory_space<vmem_shared>>
      %dma_start3A_161 = arith.constant 0 : i32
      %dma_start3A_162 = tpu.memref_slice %arg6[%mul3A_4, %dma_start3A_161] : memref<10000x128xf32, #tpu.memory_space<hbm>> -> memref<624x128xf32, #tpu.memory_space<hbm>>
      tpu.enqueue_dma source(%dma_start3A_162 : memref<624x128xf32, #tpu.memory_space<hbm>>) target(%dma_start3A_160 : memref<624x128xf32, #tpu.memory_space<vmem_shared>>) target_semaphore(%run_scoped3A : memref<!tpu.dma_semaphore, #tpu.memory_space<semaphore_mem>>)
      %dma_wait3A_163 = arith.constant 0 : i32
      %dma_wait3A_164 = tpu.memref_slice %arg12[%mul3A_6, %dma_wait3A_163] : memref<10000x128xf32, #tpu.memory_space<vmem_shared>> -> memref<624x128xf32, #tpu.memory_space<vmem_shared>>
      %dma_wait3A_165 = arith.constant 0 : i32
      %dma_wait3A_166 = tpu.memref_slice %arg6[%mul3A_4, %dma_wait3A_165] : memref<10000x128xf32, #tpu.memory_space<hbm>> -> memref<624x128xf32, #tpu.memory_space<hbm>>
      tpu.wait_dma2 semaphore(%run_scoped3A : memref<!tpu.dma_semaphore, #tpu.memory_space<semaphore_mem>>) src(%dma_wait3A_166 : memref<624x128xf32, #tpu.memory_space<hbm>>) dst(%dma_wait3A_164 : memref<624x128xf32, #tpu.memory_space<vmem_shared>>)
      tpu.yield
    }) : () -> ()
    %eq3A = arith.constant 15 : i32
    %eq3A_7 = arith.cmpi eq, %arg1, %eq3A : i32
    %convert_element_type3A = arith.extui %eq3A_7 : i1 to i32
    %cond3A = arith.constant 0 : i32
    %cond3A_8 = arith.cmpi ne, %convert_element_type3A, %cond3A : i32
    scf.if %cond3A_8 {
      "tpu.region"() ({
        %run_scoped3A = tpu.sem_alloc : memref<!tpu.dma_semaphore, #tpu.memory_space<semaphore_mem>>
        %dma_start3A_159 = arith.constant 9984 : i32
        %dma_start3A_160 = arith.constant 0 : i32
        %dma_start3A_161 = tpu.memref_slice %arg12[%dma_start3A_159, %dma_start3A_160] : memref<10000x128xf32, #tpu.memory_space<vmem_shared>> -> memref<16x128xf32, #tpu.memory_space<vmem_shared>>
        %dma_start3A_162 = arith.constant 9984 : i32
        %dma_start3A_163 = arith.constant 0 : i32
        %dma_start3A_164 = tpu.memref_slice %arg6[%dma_start3A_162, %dma_start3A_163] : memref<10000x128xf32, #tpu.memory_space<hbm>> -> memref<16x128xf32, #tpu.memory_space<hbm>>
        tpu.enqueue_dma source(%dma_start3A_164 : memref<16x128xf32, #tpu.memory_space<hbm>>) target(%dma_start3A_161 : memref<16x128xf32, #tpu.memory_space<vmem_shared>>) target_semaphore(%run_scoped3A : memref<!tpu.dma_semaphore, #tpu.memory_space<semaphore_mem>>)
        %dma_wait3A_165 = arith.constant 9984 : i32
        %dma_wait3A_166 = arith.constant 0 : i32
        %dma_wait3A_167 = tpu.memref_slice %arg12[%dma_wait3A_165, %dma_wait3A_166] : memref<10000x128xf32, #tpu.memory_space<vmem_shared>> -> memref<16x128xf32, #tpu.memory_space<vmem_shared>>
        %dma_wait3A_168 = arith.constant 9984 : i32
        %dma_wait3A_169 = arith.constant 0 : i32
        %dma_wait3A_170 = tpu.memref_slice %arg6[%dma_wait3A_168, %dma_wait3A_169] : memref<10000x128xf32, #tpu.memory_space<hbm>> -> memref<16x128xf32, #tpu.memory_space<hbm>>
        tpu.wait_dma2 semaphore(%run_scoped3A : memref<!tpu.dma_semaphore, #tpu.memory_space<semaphore_mem>>) src(%dma_wait3A_170 : memref<16x128xf32, #tpu.memory_space<hbm>>) dst(%dma_wait3A_167 : memref<16x128xf32, #tpu.memory_space<vmem_shared>>)
        tpu.yield
      }) : () -> ()
    } else {
    }
    "tpu.region"() ({
      %run_scoped3A = tpu.sem_alloc : memref<!tpu.dma_semaphore, #tpu.memory_space<semaphore_mem>>
      %dma_start3A_159 = tpu.memref_slice %arg4[%mul3A_2] : memref<160000xi32, #tpu.memory_space<hbm>> -> memref<5000xi32, #tpu.memory_space<hbm>>
      %dma_start3A_160 = tpu.memref_slice %arg4[%mul3A_2] : memref<160000xi32, #tpu.memory_space<hbm>> -> memref<5000xi32, #tpu.memory_space<hbm>>
      tpu.enqueue_dma source(%dma_start3A_160 : memref<5000xi32, #tpu.memory_space<hbm>>) target(%arg8 : memref<5000xi32, #tpu.memory_space<vmem>>) target_semaphore(%run_scoped3A : memref<!tpu.dma_semaphore, #tpu.memory_space<semaphore_mem>>)
      %dma_wait3A_161 = tpu.memref_slice %arg4[%mul3A_2] : memref<160000xi32, #tpu.memory_space<hbm>> -> memref<5000xi32, #tpu.memory_space<hbm>>
      %dma_wait3A_162 = tpu.memref_slice %arg4[%mul3A_2] : memref<160000xi32, #tpu.memory_space<hbm>> -> memref<5000xi32, #tpu.memory_space<hbm>>
      tpu.wait_dma2 semaphore(%run_scoped3A : memref<!tpu.dma_semaphore, #tpu.memory_space<semaphore_mem>>) src(%dma_wait3A_162 : memref<5000xi32, #tpu.memory_space<hbm>>) dst(%arg8 : memref<5000xi32, #tpu.memory_space<vmem>>)
      tpu.yield
    }) : () -> ()
    %barrier3A = arith.constant 0 : index
    tpu.barrier barrier_id(%barrier3A)
    %mul3A_9 = arith.constant 125 : i32
    %mul3A_10 = arith.muli %add3A, %mul3A_9 : i32
    %add3A_11 = arith.constant 0 : i32
    %add3A_12 = arith.addi %mul3A_10, %add3A_11 : i32
    %dma_start3A = arith.constant 0 : i32
    %dma_start3A_13 = arith.constant 0 : i32
    %dma_start3A_14 = arith.constant 0 : i32
    %dma_start3A_15 = tpu.memref_slice %arg9[%dma_start3A, %dma_start3A_13, %dma_start3A_14] : memref<2x1x40xi32, #tpu.memory_space<vmem>> -> memref<1x1x40xi32, #tpu.memory_space<vmem>>
    %dma_start3A_16 = tpu.memref_squeeze %dma_start3A_15 : memref<1x1x40xi32, #tpu.memory_space<vmem>> -> memref<1x40xi32, #tpu.memory_space<vmem>>
    %dma_start3A_17 = arith.constant 0 : i32
    %dma_start3A_18 = arith.constant 0 : i32
    %dma_start3A_19 = tpu.memref_slice %arg5[%add3A_12, %dma_start3A_17, %dma_start3A_18] : memref<4000x1x40xi32, #tpu.memory_space<hbm>> -> memref<1x1x40xi32, #tpu.memory_space<hbm>>
    %dma_start3A_20 = tpu.memref_squeeze %dma_start3A_19 : memref<1x1x40xi32, #tpu.memory_space<hbm>> -> memref<1x40xi32, #tpu.memory_space<hbm>>
    %dma_start3A_21 = arith.constant 0 : i32
    %dma_start3A_22 = arith.constant 0 : i32
    %dma_start3A_23 = tpu.memref_slice %arg9[%dma_start3A, %dma_start3A_21, %dma_start3A_22] : memref<2x1x40xi32, #tpu.memory_space<vmem>> -> memref<1x1x40xi32, #tpu.memory_space<vmem>>
    %dma_start3A_24 = tpu.memref_squeeze %dma_start3A_23 : memref<1x1x40xi32, #tpu.memory_space<vmem>> -> memref<1x40xi32, #tpu.memory_space<vmem>>
    %dma_start3A_25 = arith.constant 0 : i32
    %dma_start3A_26 = arith.constant 0 : i32
    %dma_start3A_27 = tpu.memref_slice %arg5[%add3A_12, %dma_start3A_25, %dma_start3A_26] : memref<4000x1x40xi32, #tpu.memory_space<hbm>> -> memref<1x1x40xi32, #tpu.memory_space<hbm>>
    %dma_start3A_28 = tpu.memref_squeeze %dma_start3A_27 : memref<1x1x40xi32, #tpu.memory_space<hbm>> -> memref<1x40xi32, #tpu.memory_space<hbm>>
    tpu.enqueue_dma source(%dma_start3A_28 : memref<1x40xi32, #tpu.memory_space<hbm>>) target(%dma_start3A_24 : memref<1x40xi32, #tpu.memory_space<vmem>>) target_semaphore(%arg13 : memref<!tpu.dma_semaphore, #tpu.memory_space<semaphore_mem>>)
    %add3A_29 = arith.constant 0 : i32
    %add3A_30 = arith.addi %mul3A_2, %add3A_29 : i32
    %dma_start3A_31 = arith.constant 0 : i32
    %dma_start3A_32 = arith.constant 0 : i32
    %dma_start3A_33 = arith.constant 0 : i32
    %dma_start3A_34 = tpu.memref_slice %arg11[%dma_start3A_31, %dma_start3A_32, %dma_start3A_33] : memref<2x40x128xf32, #tpu.memory_space<vmem>> -> memref<1x40x128xf32, #tpu.memory_space<vmem>>
    %dma_start3A_35 = tpu.memref_squeeze %dma_start3A_34 : memref<1x40x128xf32, #tpu.memory_space<vmem>> -> memref<40x128xf32, #tpu.memory_space<vmem>>
    %dma_start3A_36 = arith.constant 0 : i32
    %dma_start3A_37 = tpu.memref_slice %arg3[%add3A_30, %dma_start3A_36] : memref<160000x128xf32, #tpu.memory_space<hbm>> -> memref<40x128xf32, #tpu.memory_space<hbm>>
    %dma_start3A_38 = arith.constant 0 : i32
    %dma_start3A_39 = arith.constant 0 : i32
    %dma_start3A_40 = tpu.memref_slice %arg11[%dma_start3A_31, %dma_start3A_38, %dma_start3A_39] : memref<2x40x128xf32, #tpu.memory_space<vmem>> -> memref<1x40x128xf32, #tpu.memory_space<vmem>>
    %dma_start3A_41 = tpu.memref_squeeze %dma_start3A_40 : memref<1x40x128xf32, #tpu.memory_space<vmem>> -> memref<40x128xf32, #tpu.memory_space<vmem>>
    %dma_start3A_42 = arith.constant 0 : i32
    %dma_start3A_43 = tpu.memref_slice %arg3[%add3A_30, %dma_start3A_42] : memref<160000x128xf32, #tpu.memory_space<hbm>> -> memref<40x128xf32, #tpu.memory_space<hbm>>
    tpu.enqueue_dma source(%dma_start3A_43 : memref<40x128xf32, #tpu.memory_space<hbm>>) target(%dma_start3A_41 : memref<40x128xf32, #tpu.memory_space<vmem>>) target_semaphore(%arg17 : memref<!tpu.dma_semaphore, #tpu.memory_space<semaphore_mem>>)
    %dma_start3A_44 = arith.constant 0 : i32
    %dma_start3A_45 = arith.constant 0 : i32
    %dma_start3A_46 = arith.constant 0 : i32
    %dma_start3A_47 = tpu.memref_slice %arg10[%dma_start3A_44, %dma_start3A_45, %dma_start3A_46] : memref<2x40x128xf32, #tpu.memory_space<vmem>> -> memref<1x40x128xf32, #tpu.memory_space<vmem>>
    %dma_start3A_48 = tpu.memref_squeeze %dma_start3A_47 : memref<1x40x128xf32, #tpu.memory_space<vmem>> -> memref<40x128xf32, #tpu.memory_space<vmem>>
    %dma_start3A_49 = arith.constant 0 : i32
    %dma_start3A_50 = tpu.memref_slice %arg8[%dma_start3A_49] : memref<5000xi32, #tpu.memory_space<vmem>> -> memref<40xi32, #tpu.memory_space<vmem>>
    %dma_start3A_51 = arith.constant 0 : i32
    %dma_start3A_52 = arith.constant 0 : i32
    %dma_start3A_53 = tpu.memref_slice %arg2[%dma_start3A_51, %dma_start3A_52] : memref<10000x128xf32, #tpu.memory_space<hbm>> -> memref<10000x128xf32, #tpu.memory_space<hbm>>
    tpu.enqueue_indirect_dma source(%dma_start3A_53 : memref<10000x128xf32, #tpu.memory_space<hbm>>) target(%dma_start3A_48 : memref<40x128xf32, #tpu.memory_space<vmem>>) offsets(%dma_start3A_50 : memref<40xi32, #tpu.memory_space<vmem>>) semaphore(%arg15 : memref<!tpu.dma_semaphore, #tpu.memory_space<semaphore_mem>>)
    %scan3A = arith.constant 0 : i32
    %scan3A_54 = arith.constant 0 : i32
    %scan3A_55 = arith.constant 62 : i32
    %scan3A_56 = arith.addi %scan3A_54, %scan3A_55 : i32
    %scan3A_57 = arith.constant 1 : i32
    scf.for %scan3A_159 = %scan3A_54 to %scan3A_56 step %scan3A_57  : i32 {
      %mul3A_160 = arith.constant 2 : i32
      %mul3A_161 = arith.muli %mul3A_160, %scan3A_159 : i32
      %add3A_162 = arith.constant 1 : i32
      %add3A_163 = arith.addi %mul3A_161, %add3A_162 : i32
      %ge3A = arith.constant 2 : i32
      %ge3A_164 = arith.cmpi sge, %add3A_163, %ge3A : i32
      %convert_element_type3A_165 = arith.extui %ge3A_164 : i1 to i32
      %cond3A_166 = arith.constant 0 : i32
      %cond3A_167 = arith.cmpi ne, %convert_element_type3A_165, %cond3A_166 : i32
      scf.if %cond3A_167 {
        %dma_wait3A_355 = arith.constant 1 : i32
        %dma_wait3A_356 = arith.constant 1 : i32
        %dma_wait3A_357 = arith.constant 0 : i32
        %dma_wait3A_358 = arith.constant 0 : i32
        %dma_wait3A_359 = arith.constant 0 : i32
        %dma_wait3A_360 = tpu.memref_slice %arg10[%dma_wait3A_355, %dma_wait3A_358, %dma_wait3A_359] : memref<2x40x128xf32, #tpu.memory_space<vmem>> -> memref<1x40x128xf32, #tpu.memory_space<vmem>>
        %dma_wait3A_361 = tpu.memref_squeeze %dma_wait3A_360 : memref<1x40x128xf32, #tpu.memory_space<vmem>> -> memref<40x128xf32, #tpu.memory_space<vmem>>
        %dma_wait3A_362 = arith.constant 0 : i32
        %dma_wait3A_363 = tpu.memref_slice %arg9[%dma_wait3A_356, %dma_wait3A_357, %dma_wait3A_362] : memref<2x1x40xi32, #tpu.memory_space<vmem>> -> memref<1x1x40xi32, #tpu.memory_space<vmem>>
        %dma_wait3A_364 = tpu.memref_squeeze %dma_wait3A_363 : memref<1x1x40xi32, #tpu.memory_space<vmem>> -> memref<40xi32, #tpu.memory_space<vmem>>
        %dma_wait3A_365 = arith.constant 0 : i32
        %dma_wait3A_366 = arith.constant 0 : i32
        %dma_wait3A_367 = tpu.memref_slice %arg12[%dma_wait3A_365, %dma_wait3A_366] : memref<10000x128xf32, #tpu.memory_space<vmem_shared>> -> memref<10000x128xf32, #tpu.memory_space<vmem_shared>>
        tpu.wait_indirect_dma semaphore(%arg20 : memref<!tpu.dma_semaphore, #tpu.memory_space<semaphore_mem>>) src(%dma_wait3A_361 : memref<40x128xf32, #tpu.memory_space<vmem>>) dst(%dma_wait3A_367 : memref<10000x128xf32, #tpu.memory_space<vmem_shared>>)
      } else {
      }
      %mul3A_168 = arith.constant 125 : i32
      %mul3A_169 = arith.muli %add3A, %mul3A_168 : i32
      %add3A_170 = arith.addi %mul3A_169, %add3A_163 : i32
      %dma_start3A_171 = arith.constant 1 : i32
      %dma_start3A_172 = arith.constant 0 : i32
      %dma_start3A_173 = arith.constant 0 : i32
      %dma_start3A_174 = tpu.memref_slice %arg9[%dma_start3A_171, %dma_start3A_172, %dma_start3A_173] : memref<2x1x40xi32, #tpu.memory_space<vmem>> -> memref<1x1x40xi32, #tpu.memory_space<vmem>>
      %dma_start3A_175 = tpu.memref_squeeze %dma_start3A_174 : memref<1x1x40xi32, #tpu.memory_space<vmem>> -> memref<1x40xi32, #tpu.memory_space<vmem>>
      %dma_start3A_176 = arith.constant 0 : i32
      %dma_start3A_177 = arith.constant 0 : i32
      %dma_start3A_178 = tpu.memref_slice %arg5[%add3A_170, %dma_start3A_176, %dma_start3A_177] : memref<4000x1x40xi32, #tpu.memory_space<hbm>> -> memref<1x1x40xi32, #tpu.memory_space<hbm>>
      %dma_start3A_179 = tpu.memref_squeeze %dma_start3A_178 : memref<1x1x40xi32, #tpu.memory_space<hbm>> -> memref<1x40xi32, #tpu.memory_space<hbm>>
      %dma_start3A_180 = arith.constant 0 : i32
      %dma_start3A_181 = arith.constant 0 : i32
      %dma_start3A_182 = tpu.memref_slice %arg9[%dma_start3A_171, %dma_start3A_180, %dma_start3A_181] : memref<2x1x40xi32, #tpu.memory_space<vmem>> -> memref<1x1x40xi32, #tpu.memory_space<vmem>>
      %dma_start3A_183 = tpu.memref_squeeze %dma_start3A_182 : memref<1x1x40xi32, #tpu.memory_space<vmem>> -> memref<1x40xi32, #tpu.memory_space<vmem>>
      %dma_start3A_184 = arith.constant 0 : i32
      %dma_start3A_185 = arith.constant 0 : i32
      %dma_start3A_186 = tpu.memref_slice %arg5[%add3A_170, %dma_start3A_184, %dma_start3A_185] : memref<4000x1x40xi32, #tpu.memory_space<hbm>> -> memref<1x1x40xi32, #tpu.memory_space<hbm>>
      %dma_start3A_187 = tpu.memref_squeeze %dma_start3A_186 : memref<1x1x40xi32, #tpu.memory_space<hbm>> -> memref<1x40xi32, #tpu.memory_space<hbm>>
      tpu.enqueue_dma source(%dma_start3A_187 : memref<1x40xi32, #tpu.memory_space<hbm>>) target(%dma_start3A_183 : memref<1x40xi32, #tpu.memory_space<vmem>>) target_semaphore(%arg14 : memref<!tpu.dma_semaphore, #tpu.memory_space<semaphore_mem>>)
      %mul3A_188 = arith.constant 40 : i32
      %mul3A_189 = arith.muli %add3A_163, %mul3A_188 : i32
      %add3A_190 = arith.addi %mul3A_2, %mul3A_189 : i32
      %dma_start3A_191 = arith.constant 1 : i32
      %dma_start3A_192 = arith.constant 0 : i32
      %dma_start3A_193 = arith.constant 0 : i32
      %dma_start3A_194 = tpu.memref_slice %arg11[%dma_start3A_191, %dma_start3A_192, %dma_start3A_193] : memref<2x40x128xf32, #tpu.memory_space<vmem>> -> memref<1x40x128xf32, #tpu.memory_space<vmem>>
      %dma_start3A_195 = tpu.memref_squeeze %dma_start3A_194 : memref<1x40x128xf32, #tpu.memory_space<vmem>> -> memref<40x128xf32, #tpu.memory_space<vmem>>
      %dma_start3A_196 = arith.constant 0 : i32
      %dma_start3A_197 = tpu.memref_slice %arg3[%add3A_190, %dma_start3A_196] : memref<160000x128xf32, #tpu.memory_space<hbm>> -> memref<40x128xf32, #tpu.memory_space<hbm>>
      %dma_start3A_198 = arith.constant 0 : i32
      %dma_start3A_199 = arith.constant 0 : i32
      %dma_start3A_200 = tpu.memref_slice %arg11[%dma_start3A_191, %dma_start3A_198, %dma_start3A_199] : memref<2x40x128xf32, #tpu.memory_space<vmem>> -> memref<1x40x128xf32, #tpu.memory_space<vmem>>
      %dma_start3A_201 = tpu.memref_squeeze %dma_start3A_200 : memref<1x40x128xf32, #tpu.memory_space<vmem>> -> memref<40x128xf32, #tpu.memory_space<vmem>>
      %dma_start3A_202 = arith.constant 0 : i32
      %dma_start3A_203 = tpu.memref_slice %arg3[%add3A_190, %dma_start3A_202] : memref<160000x128xf32, #tpu.memory_space<hbm>> -> memref<40x128xf32, #tpu.memory_space<hbm>>
      tpu.enqueue_dma source(%dma_start3A_203 : memref<40x128xf32, #tpu.memory_space<hbm>>) target(%dma_start3A_201 : memref<40x128xf32, #tpu.memory_space<vmem>>) target_semaphore(%arg18 : memref<!tpu.dma_semaphore, #tpu.memory_space<semaphore_mem>>)
      %mul3A_204 = arith.constant 40 : i32
      %mul3A_205 = arith.muli %add3A_163, %mul3A_204 : i32
      %dma_start3A_206 = arith.constant 1 : i32
      %dma_start3A_207 = arith.constant 0 : i32
      %dma_start3A_208 = arith.constant 0 : i32
      %dma_start3A_209 = tpu.memref_slice %arg10[%dma_start3A_206, %dma_start3A_207, %dma_start3A_208] : memref<2x40x128xf32, #tpu.memory_space<vmem>> -> memref<1x40x128xf32, #tpu.memory_space<vmem>>
      %dma_start3A_210 = tpu.memref_squeeze %dma_start3A_209 : memref<1x40x128xf32, #tpu.memory_space<vmem>> -> memref<40x128xf32, #tpu.memory_space<vmem>>
      %dma_start3A_211 = tpu.memref_slice %arg8[%mul3A_205] : memref<5000xi32, #tpu.memory_space<vmem>> -> memref<40xi32, #tpu.memory_space<vmem>>
      %dma_start3A_212 = arith.constant 0 : i32
      %dma_start3A_213 = arith.constant 0 : i32
      %dma_start3A_214 = tpu.memref_slice %arg2[%dma_start3A_212, %dma_start3A_213] : memref<10000x128xf32, #tpu.memory_space<hbm>> -> memref<10000x128xf32, #tpu.memory_space<hbm>>
      tpu.enqueue_indirect_dma source(%dma_start3A_214 : memref<10000x128xf32, #tpu.memory_space<hbm>>) target(%dma_start3A_210 : memref<40x128xf32, #tpu.memory_space<vmem>>) offsets(%dma_start3A_211 : memref<40xi32, #tpu.memory_space<vmem>>) semaphore(%arg16 : memref<!tpu.dma_semaphore, #tpu.memory_space<semaphore_mem>>)
      %mul3A_215 = arith.constant 40 : i32
      %mul3A_216 = arith.muli %mul3A_161, %mul3A_215 : i32
      %add3A_217 = arith.addi %mul3A_2, %mul3A_216 : i32
      %dma_wait3A_218 = arith.constant 0 : i32
      %dma_wait3A_219 = arith.constant 0 : i32
      %dma_wait3A_220 = arith.constant 0 : i32
      %dma_wait3A_221 = tpu.memref_slice %arg11[%dma_wait3A_218, %dma_wait3A_219, %dma_wait3A_220] : memref<2x40x128xf32, #tpu.memory_space<vmem>> -> memref<1x40x128xf32, #tpu.memory_space<vmem>>
      %dma_wait3A_222 = tpu.memref_squeeze %dma_wait3A_221 : memref<1x40x128xf32, #tpu.memory_space<vmem>> -> memref<40x128xf32, #tpu.memory_space<vmem>>
      %dma_wait3A_223 = arith.constant 0 : i32
      %dma_wait3A_224 = tpu.memref_slice %arg3[%add3A_217, %dma_wait3A_223] : memref<160000x128xf32, #tpu.memory_space<hbm>> -> memref<40x128xf32, #tpu.memory_space<hbm>>
      %dma_wait3A_225 = arith.constant 0 : i32
      %dma_wait3A_226 = arith.constant 0 : i32
      %dma_wait3A_227 = tpu.memref_slice %arg11[%dma_wait3A_218, %dma_wait3A_225, %dma_wait3A_226] : memref<2x40x128xf32, #tpu.memory_space<vmem>> -> memref<1x40x128xf32, #tpu.memory_space<vmem>>
      %dma_wait3A_228 = tpu.memref_squeeze %dma_wait3A_227 : memref<1x40x128xf32, #tpu.memory_space<vmem>> -> memref<40x128xf32, #tpu.memory_space<vmem>>
      %dma_wait3A_229 = arith.constant 0 : i32
      %dma_wait3A_230 = tpu.memref_slice %arg3[%add3A_217, %dma_wait3A_229] : memref<160000x128xf32, #tpu.memory_space<hbm>> -> memref<40x128xf32, #tpu.memory_space<hbm>>
      tpu.wait_dma2 semaphore(%arg17 : memref<!tpu.dma_semaphore, #tpu.memory_space<semaphore_mem>>) src(%dma_wait3A_230 : memref<40x128xf32, #tpu.memory_space<hbm>>) dst(%dma_wait3A_228 : memref<40x128xf32, #tpu.memory_space<vmem>>)
      %mul3A_231 = arith.constant 40 : i32
      %mul3A_232 = arith.muli %mul3A_161, %mul3A_231 : i32
      %dma_wait3A_233 = arith.constant 0 : i32
      %dma_wait3A_234 = arith.constant 0 : i32
      %dma_wait3A_235 = arith.constant 0 : i32
      %dma_wait3A_236 = tpu.memref_slice %arg10[%dma_wait3A_233, %dma_wait3A_234, %dma_wait3A_235] : memref<2x40x128xf32, #tpu.memory_space<vmem>> -> memref<1x40x128xf32, #tpu.memory_space<vmem>>
      %dma_wait3A_237 = tpu.memref_squeeze %dma_wait3A_236 : memref<1x40x128xf32, #tpu.memory_space<vmem>> -> memref<40x128xf32, #tpu.memory_space<vmem>>
      %dma_wait3A_238 = tpu.memref_slice %arg8[%mul3A_232] : memref<5000xi32, #tpu.memory_space<vmem>> -> memref<40xi32, #tpu.memory_space<vmem>>
      %dma_wait3A_239 = arith.constant 0 : i32
      %dma_wait3A_240 = arith.constant 0 : i32
      %dma_wait3A_241 = tpu.memref_slice %arg2[%dma_wait3A_239, %dma_wait3A_240] : memref<10000x128xf32, #tpu.memory_space<hbm>> -> memref<10000x128xf32, #tpu.memory_space<hbm>>
      tpu.wait_indirect_dma semaphore(%arg15 : memref<!tpu.dma_semaphore, #tpu.memory_space<semaphore_mem>>) src(%dma_wait3A_241 : memref<10000x128xf32, #tpu.memory_space<hbm>>) dst(%dma_wait3A_237 : memref<40x128xf32, #tpu.memory_space<vmem>>)
      %scan3A_242 = arith.constant 0 : i32
      %scan3A_243 = arith.constant 0 : i32
      %scan3A_244 = arith.constant 40 : i32
      %scan3A_245 = arith.addi %scan3A_243, %scan3A_244 : i32
      %scan3A_246 = arith.constant 1 : i32
      scf.for %scan3A_355 = %scan3A_243 to %scan3A_245 step %scan3A_246  : i32 {
        %get3A = arith.constant 0 : i32
        %get3A_356 = arith.index_cast %get3A : i32 to index
        %get3A_357 = arith.index_cast %scan3A_355 : i32 to index
        %get3A_358 = arith.constant 0 : index
        %get3A_359 = tpu.vector_load %arg10[%get3A_356, %get3A_357, %get3A_358] {strides = array<i32>} : memref<2x40x128xf32, #tpu.memory_space<vmem>>, vector<1x1x16xf32>,
        %get3A_360 = vector.shape_cast %get3A_359 : vector<1x1x16xf32> to vector<16xf32>
        %get3A_361 = arith.constant 0 : i32
        %get3A_362 = arith.index_cast %get3A_361 : i32 to index
        %get3A_363 = arith.index_cast %scan3A_355 : i32 to index
        %get3A_364 = arith.constant 0 : index
        %get3A_365 = tpu.vector_load %arg11[%get3A_362, %get3A_363, %get3A_364] {strides = array<i32>} : memref<2x40x128xf32, #tpu.memory_space<vmem>>, vector<1x1x16xf32>,
        %get3A_366 = vector.shape_cast %get3A_365 : vector<1x1x16xf32> to vector<16xf32>
        %mul3A_367 = arith.mulf %get3A_360, %get3A_366 : vector<16xf32>
        %swap3A = arith.constant 0 : i32
        %swap3A_368 = arith.index_cast %swap3A : i32 to index
        %swap3A_369 = arith.index_cast %scan3A_355 : i32 to index
        %swap3A_370 = arith.constant 0 : index
        %swap3A_371 = tpu.vector_load %arg10[%swap3A_368, %swap3A_369, %swap3A_370] {strides = array<i32>} : memref<2x40x128xf32, #tpu.memory_space<vmem>>, vector<1x1x16xf32>,
        %swap3A_372 = vector.shape_cast %swap3A_371 : vector<1x1x16xf32> to vector<16xf32>
        %swap3A_373 = vector.shape_cast %mul3A_367 : vector<16xf32> to vector<1x1x16xf32>
        tpu.vector_store %arg10[%swap3A_368, %swap3A_369, %swap3A_370], %swap3A_373 {strides = array<i32>} : memref<2x40x128xf32, #tpu.memory_space<vmem>>, vector<1x1x16xf32>,
        %get3A_374 = arith.constant 0 : i32
        %get3A_375 = arith.index_cast %get3A_374 : i32 to index
        %get3A_376 = arith.index_cast %scan3A_355 : i32 to index
        %get3A_377 = arith.constant 16 : index
        %get3A_378 = tpu.vector_load %arg10[%get3A_375, %get3A_376, %get3A_377] {strides = array<i32>} : memref<2x40x128xf32, #tpu.memory_space<vmem>>, vector<1x1x16xf32>,
        %get3A_379 = vector.shape_cast %get3A_378 : vector<1x1x16xf32> to vector<16xf32>
        %get3A_380 = arith.constant 0 : i32
        %get3A_381 = arith.index_cast %get3A_380 : i32 to index
        %get3A_382 = arith.index_cast %scan3A_355 : i32 to index
        %get3A_383 = arith.constant 16 : index
        %get3A_384 = tpu.vector_load %arg11[%get3A_381, %get3A_382, %get3A_383] {strides = array<i32>} : memref<2x40x128xf32, #tpu.memory_space<vmem>>, vector<1x1x16xf32>,
        %get3A_385 = vector.shape_cast %get3A_384 : vector<1x1x16xf32> to vector<16xf32>
        %mul3A_386 = arith.mulf %get3A_379, %get3A_385 : vector<16xf32>
        %swap3A_387 = arith.constant 0 : i32
        %swap3A_388 = arith.index_cast %swap3A_387 : i32 to index
        %swap3A_389 = arith.index_cast %scan3A_355 : i32 to index
        %swap3A_390 = arith.constant 16 : index
        %swap3A_391 = tpu.vector_load %arg10[%swap3A_388, %swap3A_389, %swap3A_390] {strides = array<i32>} : memref<2x40x128xf32, #tpu.memory_space<vmem>>, vector<1x1x16xf32>,
        %swap3A_392 = vector.shape_cast %swap3A_391 : vector<1x1x16xf32> to vector<16xf32>
        %swap3A_393 = vector.shape_cast %mul3A_386 : vector<16xf32> to vector<1x1x16xf32>
        tpu.vector_store %arg10[%swap3A_388, %swap3A_389, %swap3A_390], %swap3A_393 {strides = array<i32>} : memref<2x40x128xf32, #tpu.memory_space<vmem>>, vector<1x1x16xf32>,
        %get3A_394 = arith.constant 0 : i32
        %get3A_395 = arith.index_cast %get3A_394 : i32 to index
        %get3A_396 = arith.index_cast %scan3A_355 : i32 to index
        %get3A_397 = arith.constant 32 : index
        %get3A_398 = tpu.vector_load %arg10[%get3A_395, %get3A_396, %get3A_397] {strides = array<i32>} : memref<2x40x128xf32, #tpu.memory_space<vmem>>, vector<1x1x16xf32>,
        %get3A_399 = vector.shape_cast %get3A_398 : vector<1x1x16xf32> to vector<16xf32>
        %get3A_400 = arith.constant 0 : i32
        %get3A_401 = arith.index_cast %get3A_400 : i32 to index
        %get3A_402 = arith.index_cast %scan3A_355 : i32 to index
        %get3A_403 = arith.constant 32 : index
        %get3A_404 = tpu.vector_load %arg11[%get3A_401, %get3A_402, %get3A_403] {strides = array<i32>} : memref<2x40x128xf32, #tpu.memory_space<vmem>>, vector<1x1x16xf32>,
        %get3A_405 = vector.shape_cast %get3A_404 : vector<1x1x16xf32> to vector<16xf32>
        %mul3A_406 = arith.mulf %get3A_399, %get3A_405 : vector<16xf32>
        %swap3A_407 = arith.constant 0 : i32
        %swap3A_408 = arith.index_cast %swap3A_407 : i32 to index
        %swap3A_409 = arith.index_cast %scan3A_355 : i32 to index
        %swap3A_410 = arith.constant 32 : index
        %swap3A_411 = tpu.vector_load %arg10[%swap3A_408, %swap3A_409, %swap3A_410] {strides = array<i32>} : memref<2x40x128xf32, #tpu.memory_space<vmem>>, vector<1x1x16xf32>,
        %swap3A_412 = vector.shape_cast %swap3A_411 : vector<1x1x16xf32> to vector<16xf32>
        %swap3A_413 = vector.shape_cast %mul3A_406 : vector<16xf32> to vector<1x1x16xf32>
        tpu.vector_store %arg10[%swap3A_408, %swap3A_409, %swap3A_410], %swap3A_413 {strides = array<i32>} : memref<2x40x128xf32, #tpu.memory_space<vmem>>, vector<1x1x16xf32>,
        %get3A_414 = arith.constant 0 : i32
        %get3A_415 = arith.index_cast %get3A_414 : i32 to index
        %get3A_416 = arith.index_cast %scan3A_355 : i32 to index
        %get3A_417 = arith.constant 48 : index
        %get3A_418 = tpu.vector_load %arg10[%get3A_415, %get3A_416, %get3A_417] {strides = array<i32>} : memref<2x40x128xf32, #tpu.memory_space<vmem>>, vector<1x1x16xf32>,
        %get3A_419 = vector.shape_cast %get3A_418 : vector<1x1x16xf32> to vector<16xf32>
        %get3A_420 = arith.constant 0 : i32
        %get3A_421 = arith.index_cast %get3A_420 : i32 to index
        %get3A_422 = arith.index_cast %scan3A_355 : i32 to index
        %get3A_423 = arith.constant 48 : index
        %get3A_424 = tpu.vector_load %arg11[%get3A_421, %get3A_422, %get3A_423] {strides = array<i32>} : memref<2x40x128xf32, #tpu.memory_space<vmem>>, vector<1x1x16xf32>,
        %get3A_425 = vector.shape_cast %get3A_424 : vector<1x1x16xf32> to vector<16xf32>
        %mul3A_426 = arith.mulf %get3A_419, %get3A_425 : vector<16xf32>
        %swap3A_427 = arith.constant 0 : i32
        %swap3A_428 = arith.index_cast %swap3A_427 : i32 to index
        %swap3A_429 = arith.index_cast %scan3A_355 : i32 to index
        %swap3A_430 = arith.constant 48 : index
        %swap3A_431 = tpu.vector_load %arg10[%swap3A_428, %swap3A_429, %swap3A_430] {strides = array<i32>} : memref<2x40x128xf32, #tpu.memory_space<vmem>>, vector<1x1x16xf32>,
        %swap3A_432 = vector.shape_cast %swap3A_431 : vector<1x1x16xf32> to vector<16xf32>
        %swap3A_433 = vector.shape_cast %mul3A_426 : vector<16xf32> to vector<1x1x16xf32>
        tpu.vector_store %arg10[%swap3A_428, %swap3A_429, %swap3A_430], %swap3A_433 {strides = array<i32>} : memref<2x40x128xf32, #tpu.memory_space<vmem>>, vector<1x1x16xf32>,
        %get3A_434 = arith.constant 0 : i32
        %get3A_435 = arith.index_cast %get3A_434 : i32 to index
        %get3A_436 = arith.index_cast %scan3A_355 : i32 to index
        %get3A_437 = arith.constant 64 : index
        %get3A_438 = tpu.vector_load %arg10[%get3A_435, %get3A_436, %get3A_437] {strides = array<i32>} : memref<2x40x128xf32, #tpu.memory_space<vmem>>, vector<1x1x16xf32>,
        %get3A_439 = vector.shape_cast %get3A_438 : vector<1x1x16xf32> to vector<16xf32>
        %get3A_440 = arith.constant 0 : i32
        %get3A_441 = arith.index_cast %get3A_440 : i32 to index
        %get3A_442 = arith.index_cast %scan3A_355 : i32 to index
        %get3A_443 = arith.constant 64 : index
        %get3A_444 = tpu.vector_load %arg11[%get3A_441, %get3A_442, %get3A_443] {strides = array<i32>} : memref<2x40x128xf32, #tpu.memory_space<vmem>>, vector<1x1x16xf32>,
        %get3A_445 = vector.shape_cast %get3A_444 : vector<1x1x16xf32> to vector<16xf32>
        %mul3A_446 = arith.mulf %get3A_439, %get3A_445 : vector<16xf32>
        %swap3A_447 = arith.constant 0 : i32
        %swap3A_448 = arith.index_cast %swap3A_447 : i32 to index
        %swap3A_449 = arith.index_cast %scan3A_355 : i32 to index
        %swap3A_450 = arith.constant 64 : index
        %swap3A_451 = tpu.vector_load %arg10[%swap3A_448, %swap3A_449, %swap3A_450] {strides = array<i32>} : memref<2x40x128xf32, #tpu.memory_space<vmem>>, vector<1x1x16xf32>,
        %swap3A_452 = vector.shape_cast %swap3A_451 : vector<1x1x16xf32> to vector<16xf32>
        %swap3A_453 = vector.shape_cast %mul3A_446 : vector<16xf32> to vector<1x1x16xf32>
        tpu.vector_store %arg10[%swap3A_448, %swap3A_449, %swap3A_450], %swap3A_453 {strides = array<i32>} : memref<2x40x128xf32, #tpu.memory_space<vmem>>, vector<1x1x16xf32>,
        %get3A_454 = arith.constant 0 : i32
        %get3A_455 = arith.index_cast %get3A_454 : i32 to index
        %get3A_456 = arith.index_cast %scan3A_355 : i32 to index
        %get3A_457 = arith.constant 80 : index
        %get3A_458 = tpu.vector_load %arg10[%get3A_455, %get3A_456, %get3A_457] {strides = array<i32>} : memref<2x40x128xf32, #tpu.memory_space<vmem>>, vector<1x1x16xf32>,
        %get3A_459 = vector.shape_cast %get3A_458 : vector<1x1x16xf32> to vector<16xf32>
        %get3A_460 = arith.constant 0 : i32
        %get3A_461 = arith.index_cast %get3A_460 : i32 to index
        %get3A_462 = arith.index_cast %scan3A_355 : i32 to index
        %get3A_463 = arith.constant 80 : index
        %get3A_464 = tpu.vector_load %arg11[%get3A_461, %get3A_462, %get3A_463] {strides = array<i32>} : memref<2x40x128xf32, #tpu.memory_space<vmem>>, vector<1x1x16xf32>,
        %get3A_465 = vector.shape_cast %get3A_464 : vector<1x1x16xf32> to vector<16xf32>
        %mul3A_466 = arith.mulf %get3A_459, %get3A_465 : vector<16xf32>
        %swap3A_467 = arith.constant 0 : i32
        %swap3A_468 = arith.index_cast %swap3A_467 : i32 to index
        %swap3A_469 = arith.index_cast %scan3A_355 : i32 to index
        %swap3A_470 = arith.constant 80 : index
        %swap3A_471 = tpu.vector_load %arg10[%swap3A_468, %swap3A_469, %swap3A_470] {strides = array<i32>} : memref<2x40x128xf32, #tpu.memory_space<vmem>>, vector<1x1x16xf32>,
        %swap3A_472 = vector.shape_cast %swap3A_471 : vector<1x1x16xf32> to vector<16xf32>
        %swap3A_473 = vector.shape_cast %mul3A_466 : vector<16xf32> to vector<1x1x16xf32>
        tpu.vector_store %arg10[%swap3A_468, %swap3A_469, %swap3A_470], %swap3A_473 {strides = array<i32>} : memref<2x40x128xf32, #tpu.memory_space<vmem>>, vector<1x1x16xf32>,
        %get3A_474 = arith.constant 0 : i32
        %get3A_475 = arith.index_cast %get3A_474 : i32 to index
        %get3A_476 = arith.index_cast %scan3A_355 : i32 to index
        %get3A_477 = arith.constant 96 : index
        %get3A_478 = tpu.vector_load %arg10[%get3A_475, %get3A_476, %get3A_477] {strides = array<i32>} : memref<2x40x128xf32, #tpu.memory_space<vmem>>, vector<1x1x16xf32>,
        %get3A_479 = vector.shape_cast %get3A_478 : vector<1x1x16xf32> to vector<16xf32>
        %get3A_480 = arith.constant 0 : i32
        %get3A_481 = arith.index_cast %get3A_480 : i32 to index
        %get3A_482 = arith.index_cast %scan3A_355 : i32 to index
        %get3A_483 = arith.constant 96 : index
        %get3A_484 = tpu.vector_load %arg11[%get3A_481, %get3A_482, %get3A_483] {strides = array<i32>} : memref<2x40x128xf32, #tpu.memory_space<vmem>>, vector<1x1x16xf32>,
        %get3A_485 = vector.shape_cast %get3A_484 : vector<1x1x16xf32> to vector<16xf32>
        %mul3A_486 = arith.mulf %get3A_479, %get3A_485 : vector<16xf32>
        %swap3A_487 = arith.constant 0 : i32
        %swap3A_488 = arith.index_cast %swap3A_487 : i32 to index
        %swap3A_489 = arith.index_cast %scan3A_355 : i32 to index
        %swap3A_490 = arith.constant 96 : index
        %swap3A_491 = tpu.vector_load %arg10[%swap3A_488, %swap3A_489, %swap3A_490] {strides = array<i32>} : memref<2x40x128xf32, #tpu.memory_space<vmem>>, vector<1x1x16xf32>,
        %swap3A_492 = vector.shape_cast %swap3A_491 : vector<1x1x16xf32> to vector<16xf32>
        %swap3A_493 = vector.shape_cast %mul3A_486 : vector<16xf32> to vector<1x1x16xf32>
        tpu.vector_store %arg10[%swap3A_488, %swap3A_489, %swap3A_490], %swap3A_493 {strides = array<i32>} : memref<2x40x128xf32, #tpu.memory_space<vmem>>, vector<1x1x16xf32>,
        %get3A_494 = arith.constant 0 : i32
        %get3A_495 = arith.index_cast %get3A_494 : i32 to index
        %get3A_496 = arith.index_cast %scan3A_355 : i32 to index
        %get3A_497 = arith.constant 112 : index
        %get3A_498 = tpu.vector_load %arg10[%get3A_495, %get3A_496, %get3A_497] {strides = array<i32>} : memref<2x40x128xf32, #tpu.memory_space<vmem>>, vector<1x1x16xf32>,
        %get3A_499 = vector.shape_cast %get3A_498 : vector<1x1x16xf32> to vector<16xf32>
        %get3A_500 = arith.constant 0 : i32
        %get3A_501 = arith.index_cast %get3A_500 : i32 to index
        %get3A_502 = arith.index_cast %scan3A_355 : i32 to index
        %get3A_503 = arith.constant 112 : index
        %get3A_504 = tpu.vector_load %arg11[%get3A_501, %get3A_502, %get3A_503] {strides = array<i32>} : memref<2x40x128xf32, #tpu.memory_space<vmem>>, vector<1x1x16xf32>,
        %get3A_505 = vector.shape_cast %get3A_504 : vector<1x1x16xf32> to vector<16xf32>
        %mul3A_506 = arith.mulf %get3A_499, %get3A_505 : vector<16xf32>
        %swap3A_507 = arith.constant 0 : i32
        %swap3A_508 = arith.index_cast %swap3A_507 : i32 to index
        %swap3A_509 = arith.index_cast %scan3A_355 : i32 to index
        %swap3A_510 = arith.constant 112 : index
        %swap3A_511 = tpu.vector_load %arg10[%swap3A_508, %swap3A_509, %swap3A_510] {strides = array<i32>} : memref<2x40x128xf32, #tpu.memory_space<vmem>>, vector<1x1x16xf32>,
        %swap3A_512 = vector.shape_cast %swap3A_511 : vector<1x1x16xf32> to vector<16xf32>
        %swap3A_513 = vector.shape_cast %mul3A_506 : vector<16xf32> to vector<1x1x16xf32>
        tpu.vector_store %arg10[%swap3A_508, %swap3A_509, %swap3A_510], %swap3A_513 {strides = array<i32>} : memref<2x40x128xf32, #tpu.memory_space<vmem>>, vector<1x1x16xf32>,
      }
      %scan3A_247 = arith.constant 40 : i32
      %mul3A_248 = arith.constant 125 : i32
      %mul3A_249 = arith.muli %add3A, %mul3A_248 : i32
      %add3A_250 = arith.addi %mul3A_249, %mul3A_161 : i32
      %dma_wait3A_251 = arith.constant 0 : i32
      %dma_wait3A_252 = arith.constant 0 : i32
      %dma_wait3A_253 = arith.constant 0 : i32
      %dma_wait3A_254 = tpu.memref_slice %arg9[%dma_wait3A_251, %dma_wait3A_252, %dma_wait3A_253] : memref<2x1x40xi32, #tpu.memory_space<vmem>> -> memref<1x1x40xi32, #tpu.memory_space<vmem>>
      %dma_wait3A_255 = tpu.memref_squeeze %dma_wait3A_254 : memref<1x1x40xi32, #tpu.memory_space<vmem>> -> memref<1x40xi32, #tpu.memory_space<vmem>>
      %dma_wait3A_256 = arith.constant 0 : i32
      %dma_wait3A_257 = arith.constant 0 : i32
      %dma_wait3A_258 = tpu.memref_slice %arg5[%add3A_250, %dma_wait3A_256, %dma_wait3A_257] : memref<4000x1x40xi32, #tpu.memory_space<hbm>> -> memref<1x1x40xi32, #tpu.memory_space<hbm>>
      %dma_wait3A_259 = tpu.memref_squeeze %dma_wait3A_258 : memref<1x1x40xi32, #tpu.memory_space<hbm>> -> memref<1x40xi32, #tpu.memory_space<hbm>>
      %dma_wait3A_260 = arith.constant 0 : i32
      %dma_wait3A_261 = arith.constant 0 : i32
      %dma_wait3A_262 = tpu.memref_slice %arg9[%dma_wait3A_251, %dma_wait3A_260, %dma_wait3A_261] : memref<2x1x40xi32, #tpu.memory_space<vmem>> -> memref<1x1x40xi32, #tpu.memory_space<vmem>>
      %dma_wait3A_263 = tpu.memref_squeeze %dma_wait3A_262 : memref<1x1x40xi32, #tpu.memory_space<vmem>> -> memref<1x40xi32, #tpu.memory_space<vmem>>
      %dma_wait3A_264 = arith.constant 0 : i32
      %dma_wait3A_265 = arith.constant 0 : i32
      %dma_wait3A_266 = tpu.memref_slice %arg5[%add3A_250, %dma_wait3A_264, %dma_wait3A_265] : memref<4000x1x40xi32, #tpu.memory_space<hbm>> -> memref<1x1x40xi32, #tpu.memory_space<hbm>>
      %dma_wait3A_267 = tpu.memref_squeeze %dma_wait3A_266 : memref<1x1x40xi32, #tpu.memory_space<hbm>> -> memref<1x40xi32, #tpu.memory_space<hbm>>
      tpu.wait_dma2 semaphore(%arg13 : memref<!tpu.dma_semaphore, #tpu.memory_space<semaphore_mem>>) src(%dma_wait3A_267 : memref<1x40xi32, #tpu.memory_space<hbm>>) dst(%dma_wait3A_263 : memref<1x40xi32, #tpu.memory_space<vmem>>)
      %dma_start3A_268 = arith.constant 0 : i32
      %dma_start3A_269 = arith.constant 0 : i32
      %dma_start3A_270 = arith.constant 0 : i32
      %dma_start3A_271 = arith.constant 0 : i32
      %dma_start3A_272 = arith.constant 0 : i32
      %dma_start3A_273 = tpu.memref_slice %arg10[%dma_start3A_268, %dma_start3A_271, %dma_start3A_272] : memref<2x40x128xf32, #tpu.memory_space<vmem>> -> memref<1x40x128xf32, #tpu.memory_space<vmem>>
      %dma_start3A_274 = tpu.memref_squeeze %dma_start3A_273 : memref<1x40x128xf32, #tpu.memory_space<vmem>> -> memref<40x128xf32, #tpu.memory_space<vmem>>
      %dma_start3A_275 = arith.constant 0 : i32
      %dma_start3A_276 = tpu.memref_slice %arg9[%dma_start3A_269, %dma_start3A_270, %dma_start3A_275] : memref<2x1x40xi32, #tpu.memory_space<vmem>> -> memref<1x1x40xi32, #tpu.memory_space<vmem>>
      %dma_start3A_277 = tpu.memref_squeeze %dma_start3A_276 : memref<1x1x40xi32, #tpu.memory_space<vmem>> -> memref<40xi32, #tpu.memory_space<vmem>>
      %dma_start3A_278 = arith.constant 0 : i32
      %dma_start3A_279 = arith.constant 0 : i32
      %dma_start3A_280 = tpu.memref_slice %arg12[%dma_start3A_278, %dma_start3A_279] : memref<10000x128xf32, #tpu.memory_space<vmem_shared>> -> memref<10000x128xf32, #tpu.memory_space<vmem_shared>>
      tpu.enqueue_indirect_dma source(%dma_start3A_274 : memref<40x128xf32, #tpu.memory_space<vmem>>) target(%dma_start3A_280 : memref<10000x128xf32, #tpu.memory_space<vmem_shared>>) offsets(%dma_start3A_277 : memref<40xi32, #tpu.memory_space<vmem>>) semaphore(%arg19 : memref<!tpu.dma_semaphore, #tpu.memory_space<semaphore_mem>>) {add = true}
      %add3A_281 = arith.constant 2 : i32
      %add3A_282 = arith.addi %mul3A_161, %add3A_281 : i32
      %lt3A = arith.constant 125 : i32
      %lt3A_283 = arith.cmpi slt, %add3A_282, %lt3A : i32
      %convert_element_type3A_284 = arith.extui %lt3A_283 : i1 to i32
      %cond3A_285 = arith.constant 0 : i32
      %cond3A_286 = arith.cmpi ne, %convert_element_type3A_284, %cond3A_285 : i32
      scf.if %cond3A_286 {
        %add3A_355 = arith.constant 2 : i32
        %add3A_356 = arith.addi %mul3A_161, %add3A_355 : i32
        %ge3A_357 = arith.constant 2 : i32
        %ge3A_358 = arith.cmpi sge, %add3A_356, %ge3A_357 : i32
        %convert_element_type3A_359 = arith.extui %ge3A_358 : i1 to i32
        %cond3A_360 = arith.constant 0 : i32
        %cond3A_361 = arith.cmpi ne, %convert_element_type3A_359, %cond3A_360 : i32
        scf.if %cond3A_361 {
          %dma_wait3A_409 = arith.constant 0 : i32
          %dma_wait3A_410 = arith.constant 0 : i32
          %dma_wait3A_411 = arith.constant 0 : i32
          %dma_wait3A_412 = arith.constant 0 : i32
          %dma_wait3A_413 = arith.constant 0 : i32
          %dma_wait3A_414 = tpu.memref_slice %arg10[%dma_wait3A_409, %dma_wait3A_412, %dma_wait3A_413] : memref<2x40x128xf32, #tpu.memory_space<vmem>> -> memref<1x40x128xf32, #tpu.memory_space<vmem>>
          %dma_wait3A_415 = tpu.memref_squeeze %dma_wait3A_414 : memref<1x40x128xf32, #tpu.memory_space<vmem>> -> memref<40x128xf32, #tpu.memory_space<vmem>>
          %dma_wait3A_416 = arith.constant 0 : i32
          %dma_wait3A_417 = tpu.memref_slice %arg9[%dma_wait3A_410, %dma_wait3A_411, %dma_wait3A_416] : memref<2x1x40xi32, #tpu.memory_space<vmem>> -> memref<1x1x40xi32, #tpu.memory_space<vmem>>
          %dma_wait3A_418 = tpu.memref_squeeze %dma_wait3A_417 : memref<1x1x40xi32, #tpu.memory_space<vmem>> -> memref<40xi32, #tpu.memory_space<vmem>>
          %dma_wait3A_419 = arith.constant 0 : i32
          %dma_wait3A_420 = arith.constant 0 : i32
          %dma_wait3A_421 = tpu.memref_slice %arg12[%dma_wait3A_419, %dma_wait3A_420] : memref<10000x128xf32, #tpu.memory_space<vmem_shared>> -> memref<10000x128xf32, #tpu.memory_space<vmem_shared>>
          tpu.wait_indirect_dma semaphore(%arg19 : memref<!tpu.dma_semaphore, #tpu.memory_space<semaphore_mem>>) src(%dma_wait3A_415 : memref<40x128xf32, #tpu.memory_space<vmem>>) dst(%dma_wait3A_421 : memref<10000x128xf32, #tpu.memory_space<vmem_shared>>)
        } else {
        }
        %mul3A_362 = arith.constant 125 : i32
        %mul3A_363 = arith.muli %add3A, %mul3A_362 : i32
        %add3A_364 = arith.addi %mul3A_363, %add3A_356 : i32
        %dma_start3A_365 = arith.constant 0 : i32
        %dma_start3A_366 = arith.constant 0 : i32
        %dma_start3A_367 = arith.constant 0 : i32
        %dma_start3A_368 = tpu.memref_slice %arg9[%dma_start3A_365, %dma_start3A_366, %dma_start3A_367] : memref<2x1x40xi32, #tpu.memory_space<vmem>> -> memref<1x1x40xi32, #tpu.memory_space<vmem>>
        %dma_start3A_369 = tpu.memref_squeeze %dma_start3A_368 : memref<1x1x40xi32, #tpu.memory_space<vmem>> -> memref<1x40xi32, #tpu.memory_space<vmem>>
        %dma_start3A_370 = arith.constant 0 : i32
        %dma_start3A_371 = arith.constant 0 : i32
        %dma_start3A_372 = tpu.memref_slice %arg5[%add3A_364, %dma_start3A_370, %dma_start3A_371] : memref<4000x1x40xi32, #tpu.memory_space<hbm>> -> memref<1x1x40xi32, #tpu.memory_space<hbm>>
        %dma_start3A_373 = tpu.memref_squeeze %dma_start3A_372 : memref<1x1x40xi32, #tpu.memory_space<hbm>> -> memref<1x40xi32, #tpu.memory_space<hbm>>
        %dma_start3A_374 = arith.constant 0 : i32
        %dma_start3A_375 = arith.constant 0 : i32
        %dma_start3A_376 = tpu.memref_slice %arg9[%dma_start3A_365, %dma_start3A_374, %dma_start3A_375] : memref<2x1x40xi32, #tpu.memory_space<vmem>> -> memref<1x1x40xi32, #tpu.memory_space<vmem>>
        %dma_start3A_377 = tpu.memref_squeeze %dma_start3A_376 : memref<1x1x40xi32, #tpu.memory_space<vmem>> -> memref<1x40xi32, #tpu.memory_space<vmem>>
        %dma_start3A_378 = arith.constant 0 : i32
        %dma_start3A_379 = arith.constant 0 : i32
        %dma_start3A_380 = tpu.memref_slice %arg5[%add3A_364, %dma_start3A_378, %dma_start3A_379] : memref<4000x1x40xi32, #tpu.memory_space<hbm>> -> memref<1x1x40xi32, #tpu.memory_space<hbm>>
        %dma_start3A_381 = tpu.memref_squeeze %dma_start3A_380 : memref<1x1x40xi32, #tpu.memory_space<hbm>> -> memref<1x40xi32, #tpu.memory_space<hbm>>
        tpu.enqueue_dma source(%dma_start3A_381 : memref<1x40xi32, #tpu.memory_space<hbm>>) target(%dma_start3A_377 : memref<1x40xi32, #tpu.memory_space<vmem>>) target_semaphore(%arg13 : memref<!tpu.dma_semaphore, #tpu.memory_space<semaphore_mem>>)
        %mul3A_382 = arith.constant 40 : i32
        %mul3A_383 = arith.muli %add3A_356, %mul3A_382 : i32
        %add3A_384 = arith.addi %mul3A_2, %mul3A_383 : i32
        %dma_start3A_385 = arith.constant 0 : i32
        %dma_start3A_386 = arith.constant 0 : i32
        %dma_start3A_387 = arith.constant 0 : i32
        %dma_start3A_388 = tpu.memref_slice %arg11[%dma_start3A_385, %dma_start3A_386, %dma_start3A_387] : memref<2x40x128xf32, #tpu.memory_space<vmem>> -> memref<1x40x128xf32, #tpu.memory_space<vmem>>
        %dma_start3A_389 = tpu.memref_squeeze %dma_start3A_388 : memref<1x40x128xf32, #tpu.memory_space<vmem>> -> memref<40x128xf32, #tpu.memory_space<vmem>>
        %dma_start3A_390 = arith.constant 0 : i32
        %dma_start3A_391 = tpu.memref_slice %arg3[%add3A_384, %dma_start3A_390] : memref<160000x128xf32, #tpu.memory_space<hbm>> -> memref<40x128xf32, #tpu.memory_space<hbm>>
        %dma_start3A_392 = arith.constant 0 : i32
        %dma_start3A_393 = arith.constant 0 : i32
        %dma_start3A_394 = tpu.memref_slice %arg11[%dma_start3A_385, %dma_start3A_392, %dma_start3A_393] : memref<2x40x128xf32, #tpu.memory_space<vmem>> -> memref<1x40x128xf32, #tpu.memory_space<vmem>>
        %dma_start3A_395 = tpu.memref_squeeze %dma_start3A_394 : memref<1x40x128xf32, #tpu.memory_space<vmem>> -> memref<40x128xf32, #tpu.memory_space<vmem>>
        %dma_start3A_396 = arith.constant 0 : i32
        %dma_start3A_397 = tpu.memref_slice %arg3[%add3A_384, %dma_start3A_396] : memref<160000x128xf32, #tpu.memory_space<hbm>> -> memref<40x128xf32, #tpu.memory_space<hbm>>
        tpu.enqueue_dma source(%dma_start3A_397 : memref<40x128xf32, #tpu.memory_space<hbm>>) target(%dma_start3A_395 : memref<40x128xf32, #tpu.memory_space<vmem>>) target_semaphore(%arg17 : memref<!tpu.dma_semaphore, #tpu.memory_space<semaphore_mem>>)
        %mul3A_398 = arith.constant 40 : i32
        %mul3A_399 = arith.muli %add3A_356, %mul3A_398 : i32
        %dma_start3A_400 = arith.constant 0 : i32
        %dma_start3A_401 = arith.constant 0 : i32
        %dma_start3A_402 = arith.constant 0 : i32
        %dma_start3A_403 = tpu.memref_slice %arg10[%dma_start3A_400, %dma_start3A_401, %dma_start3A_402] : memref<2x40x128xf32, #tpu.memory_space<vmem>> -> memref<1x40x128xf32, #tpu.memory_space<vmem>>
        %dma_start3A_404 = tpu.memref_squeeze %dma_start3A_403 : memref<1x40x128xf32, #tpu.memory_space<vmem>> -> memref<40x128xf32, #tpu.memory_space<vmem>>
        %dma_start3A_405 = tpu.memref_slice %arg8[%mul3A_399] : memref<5000xi32, #tpu.memory_space<vmem>> -> memref<40xi32, #tpu.memory_space<vmem>>
        %dma_start3A_406 = arith.constant 0 : i32
        %dma_start3A_407 = arith.constant 0 : i32
        %dma_start3A_408 = tpu.memref_slice %arg2[%dma_start3A_406, %dma_start3A_407] : memref<10000x128xf32, #tpu.memory_space<hbm>> -> memref<10000x128xf32, #tpu.memory_space<hbm>>
        tpu.enqueue_indirect_dma source(%dma_start3A_408 : memref<10000x128xf32, #tpu.memory_space<hbm>>) target(%dma_start3A_404 : memref<40x128xf32, #tpu.memory_space<vmem>>) offsets(%dma_start3A_405 : memref<40xi32, #tpu.memory_space<vmem>>) semaphore(%arg15 : memref<!tpu.dma_semaphore, #tpu.memory_space<semaphore_mem>>)
      } else {
      }
      %add3A_287 = arith.constant 1 : i32
      %add3A_288 = arith.addi %mul3A_161, %add3A_287 : i32
      %mul3A_289 = arith.constant 40 : i32
      %mul3A_290 = arith.muli %add3A_288, %mul3A_289 : i32
      %add3A_291 = arith.addi %mul3A_2, %mul3A_290 : i32
      %dma_wait3A_292 = arith.constant 1 : i32
      %dma_wait3A_293 = arith.constant 0 : i32
      %dma_wait3A_294 = arith.constant 0 : i32
      %dma_wait3A_295 = tpu.memref_slice %arg11[%dma_wait3A_292, %dma_wait3A_293, %dma_wait3A_294] : memref<2x40x128xf32, #tpu.memory_space<vmem>> -> memref<1x40x128xf32, #tpu.memory_space<vmem>>
      %dma_wait3A_296 = tpu.memref_squeeze %dma_wait3A_295 : memref<1x40x128xf32, #tpu.memory_space<vmem>> -> memref<40x128xf32, #tpu.memory_space<vmem>>
      %dma_wait3A_297 = arith.constant 0 : i32
      %dma_wait3A_298 = tpu.memref_slice %arg3[%add3A_291, %dma_wait3A_297] : memref<160000x128xf32, #tpu.memory_space<hbm>> -> memref<40x128xf32, #tpu.memory_space<hbm>>
      %dma_wait3A_299 = arith.constant 0 : i32
      %dma_wait3A_300 = arith.constant 0 : i32
      %dma_wait3A_301 = tpu.memref_slice %arg11[%dma_wait3A_292, %dma_wait3A_299, %dma_wait3A_300] : memref<2x40x128xf32, #tpu.memory_space<vmem>> -> memref<1x40x128xf32, #tpu.memory_space<vmem>>
      %dma_wait3A_302 = tpu.memref_squeeze %dma_wait3A_301 : memref<1x40x128xf32, #tpu.memory_space<vmem>> -> memref<40x128xf32, #tpu.memory_space<vmem>>
      %dma_wait3A_303 = arith.constant 0 : i32
      %dma_wait3A_304 = tpu.memref_slice %arg3[%add3A_291, %dma_wait3A_303] : memref<160000x128xf32, #tpu.memory_space<hbm>> -> memref<40x128xf32, #tpu.memory_space<hbm>>
      tpu.wait_dma2 semaphore(%arg18 : memref<!tpu.dma_semaphore, #tpu.memory_space<semaphore_mem>>) src(%dma_wait3A_304 : memref<40x128xf32, #tpu.memory_space<hbm>>) dst(%dma_wait3A_302 : memref<40x128xf32, #tpu.memory_space<vmem>>)
      %mul3A_305 = arith.constant 40 : i32
      %mul3A_306 = arith.muli %add3A_288, %mul3A_305 : i32
      %dma_wait3A_307 = arith.constant 1 : i32
      %dma_wait3A_308 = arith.constant 0 : i32
      %dma_wait3A_309 = arith.constant 0 : i32
      %dma_wait3A_310 = tpu.memref_slice %arg10[%dma_wait3A_307, %dma_wait3A_308, %dma_wait3A_309] : memref<2x40x128xf32, #tpu.memory_space<vmem>> -> memref<1x40x128xf32, #tpu.memory_space<vmem>>
      %dma_wait3A_311 = tpu.memref_squeeze %dma_wait3A_310 : memref<1x40x128xf32, #tpu.memory_space<vmem>> -> memref<40x128xf32, #tpu.memory_space<vmem>>
      %dma_wait3A_312 = tpu.memref_slice %arg8[%mul3A_306] : memref<5000xi32, #tpu.memory_space<vmem>> -> memref<40xi32, #tpu.memory_space<vmem>>
      %dma_wait3A_313 = arith.constant 0 : i32
      %dma_wait3A_314 = arith.constant 0 : i32
      %dma_wait3A_315 = tpu.memref_slice %arg2[%dma_wait3A_313, %dma_wait3A_314] : memref<10000x128xf32, #tpu.memory_space<hbm>> -> memref<10000x128xf32, #tpu.memory_space<hbm>>
      tpu.wait_indirect_dma semaphore(%arg16 : memref<!tpu.dma_semaphore, #tpu.memory_space<semaphore_mem>>) src(%dma_wait3A_315 : memref<10000x128xf32, #tpu.memory_space<hbm>>) dst(%dma_wait3A_311 : memref<40x128xf32, #tpu.memory_space<vmem>>)
      %scan3A_316 = arith.constant 0 : i32
      %scan3A_317 = arith.constant 0 : i32
      %scan3A_318 = arith.constant 40 : i32
      %scan3A_319 = arith.addi %scan3A_317, %scan3A_318 : i32
      %scan3A_320 = arith.constant 1 : i32
      scf.for %scan3A_355 = %scan3A_317 to %scan3A_319 step %scan3A_320  : i32 {
        %get3A = arith.constant 1 : i32
        %get3A_356 = arith.index_cast %get3A : i32 to index
        %get3A_357 = arith.index_cast %scan3A_355 : i32 to index
        %get3A_358 = arith.constant 0 : index
        %get3A_359 = tpu.vector_load %arg10[%get3A_356, %get3A_357, %get3A_358] {strides = array<i32>} : memref<2x40x128xf32, #tpu.memory_space<vmem>>, vector<1x1x16xf32>,
        %get3A_360 = vector.shape_cast %get3A_359 : vector<1x1x16xf32> to vector<16xf32>
        %get3A_361 = arith.constant 1 : i32
        %get3A_362 = arith.index_cast %get3A_361 : i32 to index
        %get3A_363 = arith.index_cast %scan3A_355 : i32 to index
        %get3A_364 = arith.constant 0 : index
        %get3A_365 = tpu.vector_load %arg11[%get3A_362, %get3A_363, %get3A_364] {strides = array<i32>} : memref<2x40x128xf32, #tpu.memory_space<vmem>>, vector<1x1x16xf32>,
        %get3A_366 = vector.shape_cast %get3A_365 : vector<1x1x16xf32> to vector<16xf32>
        %mul3A_367 = arith.mulf %get3A_360, %get3A_366 : vector<16xf32>
        %swap3A = arith.constant 1 : i32
        %swap3A_368 = arith.index_cast %swap3A : i32 to index
        %swap3A_369 = arith.index_cast %scan3A_355 : i32 to index
        %swap3A_370 = arith.constant 0 : index
        %swap3A_371 = tpu.vector_load %arg10[%swap3A_368, %swap3A_369, %swap3A_370] {strides = array<i32>} : memref<2x40x128xf32, #tpu.memory_space<vmem>>, vector<1x1x16xf32>,
        %swap3A_372 = vector.shape_cast %swap3A_371 : vector<1x1x16xf32> to vector<16xf32>
        %swap3A_373 = vector.shape_cast %mul3A_367 : vector<16xf32> to vector<1x1x16xf32>
        tpu.vector_store %arg10[%swap3A_368, %swap3A_369, %swap3A_370], %swap3A_373 {strides = array<i32>} : memref<2x40x128xf32, #tpu.memory_space<vmem>>, vector<1x1x16xf32>,
        %get3A_374 = arith.constant 1 : i32
        %get3A_375 = arith.index_cast %get3A_374 : i32 to index
        %get3A_376 = arith.index_cast %scan3A_355 : i32 to index
        %get3A_377 = arith.constant 16 : index
        %get3A_378 = tpu.vector_load %arg10[%get3A_375, %get3A_376, %get3A_377] {strides = array<i32>} : memref<2x40x128xf32, #tpu.memory_space<vmem>>, vector<1x1x16xf32>,
        %get3A_379 = vector.shape_cast %get3A_378 : vector<1x1x16xf32> to vector<16xf32>
        %get3A_380 = arith.constant 1 : i32
        %get3A_381 = arith.index_cast %get3A_380 : i32 to index
        %get3A_382 = arith.index_cast %scan3A_355 : i32 to index
        %get3A_383 = arith.constant 16 : index
        %get3A_384 = tpu.vector_load %arg11[%get3A_381, %get3A_382, %get3A_383] {strides = array<i32>} : memref<2x40x128xf32, #tpu.memory_space<vmem>>, vector<1x1x16xf32>,
        %get3A_385 = vector.shape_cast %get3A_384 : vector<1x1x16xf32> to vector<16xf32>
        %mul3A_386 = arith.mulf %get3A_379, %get3A_385 : vector<16xf32>
        %swap3A_387 = arith.constant 1 : i32
        %swap3A_388 = arith.index_cast %swap3A_387 : i32 to index
        %swap3A_389 = arith.index_cast %scan3A_355 : i32 to index
        %swap3A_390 = arith.constant 16 : index
        %swap3A_391 = tpu.vector_load %arg10[%swap3A_388, %swap3A_389, %swap3A_390] {strides = array<i32>} : memref<2x40x128xf32, #tpu.memory_space<vmem>>, vector<1x1x16xf32>,
        %swap3A_392 = vector.shape_cast %swap3A_391 : vector<1x1x16xf32> to vector<16xf32>
        %swap3A_393 = vector.shape_cast %mul3A_386 : vector<16xf32> to vector<1x1x16xf32>
        tpu.vector_store %arg10[%swap3A_388, %swap3A_389, %swap3A_390], %swap3A_393 {strides = array<i32>} : memref<2x40x128xf32, #tpu.memory_space<vmem>>, vector<1x1x16xf32>,
        %get3A_394 = arith.constant 1 : i32
        %get3A_395 = arith.index_cast %get3A_394 : i32 to index
        %get3A_396 = arith.index_cast %scan3A_355 : i32 to index
        %get3A_397 = arith.constant 32 : index
        %get3A_398 = tpu.vector_load %arg10[%get3A_395, %get3A_396, %get3A_397] {strides = array<i32>} : memref<2x40x128xf32, #tpu.memory_space<vmem>>, vector<1x1x16xf32>,
        %get3A_399 = vector.shape_cast %get3A_398 : vector<1x1x16xf32> to vector<16xf32>
        %get3A_400 = arith.constant 1 : i32
        %get3A_401 = arith.index_cast %get3A_400 : i32 to index
        %get3A_402 = arith.index_cast %scan3A_355 : i32 to index
        %get3A_403 = arith.constant 32 : index
        %get3A_404 = tpu.vector_load %arg11[%get3A_401, %get3A_402, %get3A_403] {strides = array<i32>} : memref<2x40x128xf32, #tpu.memory_space<vmem>>, vector<1x1x16xf32>,
        %get3A_405 = vector.shape_cast %get3A_404 : vector<1x1x16xf32> to vector<16xf32>
        %mul3A_406 = arith.mulf %get3A_399, %get3A_405 : vector<16xf32>
        %swap3A_407 = arith.constant 1 : i32
        %swap3A_408 = arith.index_cast %swap3A_407 : i32 to index
        %swap3A_409 = arith.index_cast %scan3A_355 : i32 to index
        %swap3A_410 = arith.constant 32 : index
        %swap3A_411 = tpu.vector_load %arg10[%swap3A_408, %swap3A_409, %swap3A_410] {strides = array<i32>} : memref<2x40x128xf32, #tpu.memory_space<vmem>>, vector<1x1x16xf32>,
        %swap3A_412 = vector.shape_cast %swap3A_411 : vector<1x1x16xf32> to vector<16xf32>
        %swap3A_413 = vector.shape_cast %mul3A_406 : vector<16xf32> to vector<1x1x16xf32>
        tpu.vector_store %arg10[%swap3A_408, %swap3A_409, %swap3A_410], %swap3A_413 {strides = array<i32>} : memref<2x40x128xf32, #tpu.memory_space<vmem>>, vector<1x1x16xf32>,
        %get3A_414 = arith.constant 1 : i32
        %get3A_415 = arith.index_cast %get3A_414 : i32 to index
        %get3A_416 = arith.index_cast %scan3A_355 : i32 to index
        %get3A_417 = arith.constant 48 : index
        %get3A_418 = tpu.vector_load %arg10[%get3A_415, %get3A_416, %get3A_417] {strides = array<i32>} : memref<2x40x128xf32, #tpu.memory_space<vmem>>, vector<1x1x16xf32>,
        %get3A_419 = vector.shape_cast %get3A_418 : vector<1x1x16xf32> to vector<16xf32>
        %get3A_420 = arith.constant 1 : i32
        %get3A_421 = arith.index_cast %get3A_420 : i32 to index
        %get3A_422 = arith.index_cast %scan3A_355 : i32 to index
        %get3A_423 = arith.constant 48 : index
        %get3A_424 = tpu.vector_load %arg11[%get3A_421, %get3A_422, %get3A_423] {strides = array<i32>} : memref<2x40x128xf32, #tpu.memory_space<vmem>>, vector<1x1x16xf32>,
        %get3A_425 = vector.shape_cast %get3A_424 : vector<1x1x16xf32> to vector<16xf32>
        %mul3A_426 = arith.mulf %get3A_419, %get3A_425 : vector<16xf32>
        %swap3A_427 = arith.constant 1 : i32
        %swap3A_428 = arith.index_cast %swap3A_427 : i32 to index
        %swap3A_429 = arith.index_cast %scan3A_355 : i32 to index
        %swap3A_430 = arith.constant 48 : index
        %swap3A_431 = tpu.vector_load %arg10[%swap3A_428, %swap3A_429, %swap3A_430] {strides = array<i32>} : memref<2x40x128xf32, #tpu.memory_space<vmem>>, vector<1x1x16xf32>,
        %swap3A_432 = vector.shape_cast %swap3A_431 : vector<1x1x16xf32> to vector<16xf32>
        %swap3A_433 = vector.shape_cast %mul3A_426 : vector<16xf32> to vector<1x1x16xf32>
        tpu.vector_store %arg10[%swap3A_428, %swap3A_429, %swap3A_430], %swap3A_433 {strides = array<i32>} : memref<2x40x128xf32, #tpu.memory_space<vmem>>, vector<1x1x16xf32>,
        %get3A_434 = arith.constant 1 : i32
        %get3A_435 = arith.index_cast %get3A_434 : i32 to index
        %get3A_436 = arith.index_cast %scan3A_355 : i32 to index
        %get3A_437 = arith.constant 64 : index
        %get3A_438 = tpu.vector_load %arg10[%get3A_435, %get3A_436, %get3A_437] {strides = array<i32>} : memref<2x40x128xf32, #tpu.memory_space<vmem>>, vector<1x1x16xf32>,
        %get3A_439 = vector.shape_cast %get3A_438 : vector<1x1x16xf32> to vector<16xf32>
        %get3A_440 = arith.constant 1 : i32
        %get3A_441 = arith.index_cast %get3A_440 : i32 to index
        %get3A_442 = arith.index_cast %scan3A_355 : i32 to index
        %get3A_443 = arith.constant 64 : index
        %get3A_444 = tpu.vector_load %arg11[%get3A_441, %get3A_442, %get3A_443] {strides = array<i32>} : memref<2x40x128xf32, #tpu.memory_space<vmem>>, vector<1x1x16xf32>,
        %get3A_445 = vector.shape_cast %get3A_444 : vector<1x1x16xf32> to vector<16xf32>
        %mul3A_446 = arith.mulf %get3A_439, %get3A_445 : vector<16xf32>
        %swap3A_447 = arith.constant 1 : i32
        %swap3A_448 = arith.index_cast %swap3A_447 : i32 to index
        %swap3A_449 = arith.index_cast %scan3A_355 : i32 to index
        %swap3A_450 = arith.constant 64 : index
        %swap3A_451 = tpu.vector_load %arg10[%swap3A_448, %swap3A_449, %swap3A_450] {strides = array<i32>} : memref<2x40x128xf32, #tpu.memory_space<vmem>>, vector<1x1x16xf32>,
        %swap3A_452 = vector.shape_cast %swap3A_451 : vector<1x1x16xf32> to vector<16xf32>
        %swap3A_453 = vector.shape_cast %mul3A_446 : vector<16xf32> to vector<1x1x16xf32>
        tpu.vector_store %arg10[%swap3A_448, %swap3A_449, %swap3A_450], %swap3A_453 {strides = array<i32>} : memref<2x40x128xf32, #tpu.memory_space<vmem>>, vector<1x1x16xf32>,
        %get3A_454 = arith.constant 1 : i32
        %get3A_455 = arith.index_cast %get3A_454 : i32 to index
        %get3A_456 = arith.index_cast %scan3A_355 : i32 to index
        %get3A_457 = arith.constant 80 : index
        %get3A_458 = tpu.vector_load %arg10[%get3A_455, %get3A_456, %get3A_457] {strides = array<i32>} : memref<2x40x128xf32, #tpu.memory_space<vmem>>, vector<1x1x16xf32>,
        %get3A_459 = vector.shape_cast %get3A_458 : vector<1x1x16xf32> to vector<16xf32>
        %get3A_460 = arith.constant 1 : i32
        %get3A_461 = arith.index_cast %get3A_460 : i32 to index
        %get3A_462 = arith.index_cast %scan3A_355 : i32 to index
        %get3A_463 = arith.constant 80 : index
        %get3A_464 = tpu.vector_load %arg11[%get3A_461, %get3A_462, %get3A_463] {strides = array<i32>} : memref<2x40x128xf32, #tpu.memory_space<vmem>>, vector<1x1x16xf32>,
        %get3A_465 = vector.shape_cast %get3A_464 : vector<1x1x16xf32> to vector<16xf32>
        %mul3A_466 = arith.mulf %get3A_459, %get3A_465 : vector<16xf32>
        %swap3A_467 = arith.constant 1 : i32
        %swap3A_468 = arith.index_cast %swap3A_467 : i32 to index
        %swap3A_469 = arith.index_cast %scan3A_355 : i32 to index
        %swap3A_470 = arith.constant 80 : index
        %swap3A_471 = tpu.vector_load %arg10[%swap3A_468, %swap3A_469, %swap3A_470] {strides = array<i32>} : memref<2x40x128xf32, #tpu.memory_space<vmem>>, vector<1x1x16xf32>,
        %swap3A_472 = vector.shape_cast %swap3A_471 : vector<1x1x16xf32> to vector<16xf32>
        %swap3A_473 = vector.shape_cast %mul3A_466 : vector<16xf32> to vector<1x1x16xf32>
        tpu.vector_store %arg10[%swap3A_468, %swap3A_469, %swap3A_470], %swap3A_473 {strides = array<i32>} : memref<2x40x128xf32, #tpu.memory_space<vmem>>, vector<1x1x16xf32>,
        %get3A_474 = arith.constant 1 : i32
        %get3A_475 = arith.index_cast %get3A_474 : i32 to index
        %get3A_476 = arith.index_cast %scan3A_355 : i32 to index
        %get3A_477 = arith.constant 96 : index
        %get3A_478 = tpu.vector_load %arg10[%get3A_475, %get3A_476, %get3A_477] {strides = array<i32>} : memref<2x40x128xf32, #tpu.memory_space<vmem>>, vector<1x1x16xf32>,
        %get3A_479 = vector.shape_cast %get3A_478 : vector<1x1x16xf32> to vector<16xf32>
        %get3A_480 = arith.constant 1 : i32
        %get3A_481 = arith.index_cast %get3A_480 : i32 to index
        %get3A_482 = arith.index_cast %scan3A_355 : i32 to index
        %get3A_483 = arith.constant 96 : index
        %get3A_484 = tpu.vector_load %arg11[%get3A_481, %get3A_482, %get3A_483] {strides = array<i32>} : memref<2x40x128xf32, #tpu.memory_space<vmem>>, vector<1x1x16xf32>,
        %get3A_485 = vector.shape_cast %get3A_484 : vector<1x1x16xf32> to vector<16xf32>
        %mul3A_486 = arith.mulf %get3A_479, %get3A_485 : vector<16xf32>
        %swap3A_487 = arith.constant 1 : i32
        %swap3A_488 = arith.index_cast %swap3A_487 : i32 to index
        %swap3A_489 = arith.index_cast %scan3A_355 : i32 to index
        %swap3A_490 = arith.constant 96 : index
        %swap3A_491 = tpu.vector_load %arg10[%swap3A_488, %swap3A_489, %swap3A_490] {strides = array<i32>} : memref<2x40x128xf32, #tpu.memory_space<vmem>>, vector<1x1x16xf32>,
        %swap3A_492 = vector.shape_cast %swap3A_491 : vector<1x1x16xf32> to vector<16xf32>
        %swap3A_493 = vector.shape_cast %mul3A_486 : vector<16xf32> to vector<1x1x16xf32>
        tpu.vector_store %arg10[%swap3A_488, %swap3A_489, %swap3A_490], %swap3A_493 {strides = array<i32>} : memref<2x40x128xf32, #tpu.memory_space<vmem>>, vector<1x1x16xf32>,
        %get3A_494 = arith.constant 1 : i32
        %get3A_495 = arith.index_cast %get3A_494 : i32 to index
        %get3A_496 = arith.index_cast %scan3A_355 : i32 to index
        %get3A_497 = arith.constant 112 : index
        %get3A_498 = tpu.vector_load %arg10[%get3A_495, %get3A_496, %get3A_497] {strides = array<i32>} : memref<2x40x128xf32, #tpu.memory_space<vmem>>, vector<1x1x16xf32>,
        %get3A_499 = vector.shape_cast %get3A_498 : vector<1x1x16xf32> to vector<16xf32>
        %get3A_500 = arith.constant 1 : i32
        %get3A_501 = arith.index_cast %get3A_500 : i32 to index
        %get3A_502 = arith.index_cast %scan3A_355 : i32 to index
        %get3A_503 = arith.constant 112 : index
        %get3A_504 = tpu.vector_load %arg11[%get3A_501, %get3A_502, %get3A_503] {strides = array<i32>} : memref<2x40x128xf32, #tpu.memory_space<vmem>>, vector<1x1x16xf32>,
        %get3A_505 = vector.shape_cast %get3A_504 : vector<1x1x16xf32> to vector<16xf32>
        %mul3A_506 = arith.mulf %get3A_499, %get3A_505 : vector<16xf32>
        %swap3A_507 = arith.constant 1 : i32
        %swap3A_508 = arith.index_cast %swap3A_507 : i32 to index
        %swap3A_509 = arith.index_cast %scan3A_355 : i32 to index
        %swap3A_510 = arith.constant 112 : index
        %swap3A_511 = tpu.vector_load %arg10[%swap3A_508, %swap3A_509, %swap3A_510] {strides = array<i32>} : memref<2x40x128xf32, #tpu.memory_space<vmem>>, vector<1x1x16xf32>,
        %swap3A_512 = vector.shape_cast %swap3A_511 : vector<1x1x16xf32> to vector<16xf32>
        %swap3A_513 = vector.shape_cast %mul3A_506 : vector<16xf32> to vector<1x1x16xf32>
        tpu.vector_store %arg10[%swap3A_508, %swap3A_509, %swap3A_510], %swap3A_513 {strides = array<i32>} : memref<2x40x128xf32, #tpu.memory_space<vmem>>, vector<1x1x16xf32>,
      }
      %scan3A_321 = arith.constant 40 : i32
      %mul3A_322 = arith.constant 125 : i32
      %mul3A_323 = arith.muli %add3A, %mul3A_322 : i32
      %add3A_324 = arith.addi %mul3A_323, %add3A_288 : i32
      %dma_wait3A_325 = arith.constant 1 : i32
      %dma_wait3A_326 = arith.constant 0 : i32
      %dma_wait3A_327 = arith.constant 0 : i32
      %dma_wait3A_328 = tpu.memref_slice %arg9[%dma_wait3A_325, %dma_wait3A_326, %dma_wait3A_327] : memref<2x1x40xi32, #tpu.memory_space<vmem>> -> memref<1x1x40xi32, #tpu.memory_space<vmem>>
      %dma_wait3A_329 = tpu.memref_squeeze %dma_wait3A_328 : memref<1x1x40xi32, #tpu.memory_space<vmem>> -> memref<1x40xi32, #tpu.memory_space<vmem>>
      %dma_wait3A_330 = arith.constant 0 : i32
      %dma_wait3A_331 = arith.constant 0 : i32
      %dma_wait3A_332 = tpu.memref_slice %arg5[%add3A_324, %dma_wait3A_330, %dma_wait3A_331] : memref<4000x1x40xi32, #tpu.memory_space<hbm>> -> memref<1x1x40xi32, #tpu.memory_space<hbm>>
      %dma_wait3A_333 = tpu.memref_squeeze %dma_wait3A_332 : memref<1x1x40xi32, #tpu.memory_space<hbm>> -> memref<1x40xi32, #tpu.memory_space<hbm>>
      %dma_wait3A_334 = arith.constant 0 : i32
      %dma_wait3A_335 = arith.constant 0 : i32
      %dma_wait3A_336 = tpu.memref_slice %arg9[%dma_wait3A_325, %dma_wait3A_334, %dma_wait3A_335] : memref<2x1x40xi32, #tpu.memory_space<vmem>> -> memref<1x1x40xi32, #tpu.memory_space<vmem>>
      %dma_wait3A_337 = tpu.memref_squeeze %dma_wait3A_336 : memref<1x1x40xi32, #tpu.memory_space<vmem>> -> memref<1x40xi32, #tpu.memory_space<vmem>>
      %dma_wait3A_338 = arith.constant 0 : i32
      %dma_wait3A_339 = arith.constant 0 : i32
      %dma_wait3A_340 = tpu.memref_slice %arg5[%add3A_324, %dma_wait3A_338, %dma_wait3A_339] : memref<4000x1x40xi32, #tpu.memory_space<hbm>> -> memref<1x1x40xi32, #tpu.memory_space<hbm>>
      %dma_wait3A_341 = tpu.memref_squeeze %dma_wait3A_340 : memref<1x1x40xi32, #tpu.memory_space<hbm>> -> memref<1x40xi32, #tpu.memory_space<hbm>>
      tpu.wait_dma2 semaphore(%arg14 : memref<!tpu.dma_semaphore, #tpu.memory_space<semaphore_mem>>) src(%dma_wait3A_341 : memref<1x40xi32, #tpu.memory_space<hbm>>) dst(%dma_wait3A_337 : memref<1x40xi32, #tpu.memory_space<vmem>>)
      %dma_start3A_342 = arith.constant 1 : i32
      %dma_start3A_343 = arith.constant 1 : i32
      %dma_start3A_344 = arith.constant 0 : i32
      %dma_start3A_345 = arith.constant 0 : i32
      %dma_start3A_346 = arith.constant 0 : i32
      %dma_start3A_347 = tpu.memref_slice %arg10[%dma_start3A_342, %dma_start3A_345, %dma_start3A_346] : memref<2x40x128xf32, #tpu.memory_space<vmem>> -> memref<1x40x128xf32, #tpu.memory_space<vmem>>
      %dma_start3A_348 = tpu.memref_squeeze %dma_start3A_347 : memref<1x40x128xf32, #tpu.memory_space<vmem>> -> memref<40x128xf32, #tpu.memory_space<vmem>>
      %dma_start3A_349 = arith.constant 0 : i32
      %dma_start3A_350 = tpu.memref_slice %arg9[%dma_start3A_343, %dma_start3A_344, %dma_start3A_349] : memref<2x1x40xi32, #tpu.memory_space<vmem>> -> memref<1x1x40xi32, #tpu.memory_space<vmem>>
      %dma_start3A_351 = tpu.memref_squeeze %dma_start3A_350 : memref<1x1x40xi32, #tpu.memory_space<vmem>> -> memref<40xi32, #tpu.memory_space<vmem>>
      %dma_start3A_352 = arith.constant 0 : i32
      %dma_start3A_353 = arith.constant 0 : i32
      %dma_start3A_354 = tpu.memref_slice %arg12[%dma_start3A_352, %dma_start3A_353] : memref<10000x128xf32, #tpu.memory_space<vmem_shared>> -> memref<10000x128xf32, #tpu.memory_space<vmem_shared>>
      tpu.enqueue_indirect_dma source(%dma_start3A_348 : memref<40x128xf32, #tpu.memory_space<vmem>>) target(%dma_start3A_354 : memref<10000x128xf32, #tpu.memory_space<vmem_shared>>) offsets(%dma_start3A_351 : memref<40xi32, #tpu.memory_space<vmem>>) semaphore(%arg20 : memref<!tpu.dma_semaphore, #tpu.memory_space<semaphore_mem>>) {add = true}
    }
    %scan3A_58 = arith.constant 62 : i32
    %add3A_59 = arith.constant 4960 : i32
    %add3A_60 = arith.addi %mul3A_2, %add3A_59 : i32
    %dma_wait3A = arith.constant 0 : i32
    %dma_wait3A_61 = arith.constant 0 : i32
    %dma_wait3A_62 = arith.constant 0 : i32
    %dma_wait3A_63 = tpu.memref_slice %arg11[%dma_wait3A, %dma_wait3A_61, %dma_wait3A_62] : memref<2x40x128xf32, #tpu.memory_space<vmem>> -> memref<1x40x128xf32, #tpu.memory_space<vmem>>
    %dma_wait3A_64 = tpu.memref_squeeze %dma_wait3A_63 : memref<1x40x128xf32, #tpu.memory_space<vmem>> -> memref<40x128xf32, #tpu.memory_space<vmem>>
    %dma_wait3A_65 = arith.constant 0 : i32
    %dma_wait3A_66 = tpu.memref_slice %arg3[%add3A_60, %dma_wait3A_65] : memref<160000x128xf32, #tpu.memory_space<hbm>> -> memref<40x128xf32, #tpu.memory_space<hbm>>
    %dma_wait3A_67 = arith.constant 0 : i32
    %dma_wait3A_68 = arith.constant 0 : i32
    %dma_wait3A_69 = tpu.memref_slice %arg11[%dma_wait3A, %dma_wait3A_67, %dma_wait3A_68] : memref<2x40x128xf32, #tpu.memory_space<vmem>> -> memref<1x40x128xf32, #tpu.memory_space<vmem>>
    %dma_wait3A_70 = tpu.memref_squeeze %dma_wait3A_69 : memref<1x40x128xf32, #tpu.memory_space<vmem>> -> memref<40x128xf32, #tpu.memory_space<vmem>>
    %dma_wait3A_71 = arith.constant 0 : i32
    %dma_wait3A_72 = tpu.memref_slice %arg3[%add3A_60, %dma_wait3A_71] : memref<160000x128xf32, #tpu.memory_space<hbm>> -> memref<40x128xf32, #tpu.memory_space<hbm>>
    tpu.wait_dma2 semaphore(%arg17 : memref<!tpu.dma_semaphore, #tpu.memory_space<semaphore_mem>>) src(%dma_wait3A_72 : memref<40x128xf32, #tpu.memory_space<hbm>>) dst(%dma_wait3A_70 : memref<40x128xf32, #tpu.memory_space<vmem>>)
    %dma_wait3A_73 = arith.constant 0 : i32
    %dma_wait3A_74 = arith.constant 0 : i32
    %dma_wait3A_75 = arith.constant 0 : i32
    %dma_wait3A_76 = tpu.memref_slice %arg10[%dma_wait3A_73, %dma_wait3A_74, %dma_wait3A_75] : memref<2x40x128xf32, #tpu.memory_space<vmem>> -> memref<1x40x128xf32, #tpu.memory_space<vmem>>
    %dma_wait3A_77 = tpu.memref_squeeze %dma_wait3A_76 : memref<1x40x128xf32, #tpu.memory_space<vmem>> -> memref<40x128xf32, #tpu.memory_space<vmem>>
    %dma_wait3A_78 = arith.constant 4960 : i32
    %dma_wait3A_79 = tpu.memref_slice %arg8[%dma_wait3A_78] : memref<5000xi32, #tpu.memory_space<vmem>> -> memref<40xi32, #tpu.memory_space<vmem>>
    %dma_wait3A_80 = arith.constant 0 : i32
    %dma_wait3A_81 = arith.constant 0 : i32
    %dma_wait3A_82 = tpu.memref_slice %arg2[%dma_wait3A_80, %dma_wait3A_81] : memref<10000x128xf32, #tpu.memory_space<hbm>> -> memref<10000x128xf32, #tpu.memory_space<hbm>>
    tpu.wait_indirect_dma semaphore(%arg15 : memref<!tpu.dma_semaphore, #tpu.memory_space<semaphore_mem>>) src(%dma_wait3A_82 : memref<10000x128xf32, #tpu.memory_space<hbm>>) dst(%dma_wait3A_77 : memref<40x128xf32, #tpu.memory_space<vmem>>)
    %scan3A_83 = arith.constant 0 : i32
    %scan3A_84 = arith.constant 0 : i32
    %scan3A_85 = arith.constant 40 : i32
    %scan3A_86 = arith.addi %scan3A_84, %scan3A_85 : i32
    %scan3A_87 = arith.constant 1 : i32
    scf.for %scan3A_159 = %scan3A_84 to %scan3A_86 step %scan3A_87  : i32 {
      %get3A = arith.constant 0 : i32
      %get3A_160 = arith.index_cast %get3A : i32 to index
      %get3A_161 = arith.index_cast %scan3A_159 : i32 to index
      %get3A_162 = arith.constant 0 : index
      %get3A_163 = tpu.vector_load %arg10[%get3A_160, %get3A_161, %get3A_162] {strides = array<i32>} : memref<2x40x128xf32, #tpu.memory_space<vmem>>, vector<1x1x16xf32>,
      %get3A_164 = vector.shape_cast %get3A_163 : vector<1x1x16xf32> to vector<16xf32>
      %get3A_165 = arith.constant 0 : i32
      %get3A_166 = arith.index_cast %get3A_165 : i32 to index
      %get3A_167 = arith.index_cast %scan3A_159 : i32 to index
      %get3A_168 = arith.constant 0 : index
      %get3A_169 = tpu.vector_load %arg11[%get3A_166, %get3A_167, %get3A_168] {strides = array<i32>} : memref<2x40x128xf32, #tpu.memory_space<vmem>>, vector<1x1x16xf32>,
      %get3A_170 = vector.shape_cast %get3A_169 : vector<1x1x16xf32> to vector<16xf32>
      %mul3A_171 = arith.mulf %get3A_164, %get3A_170 : vector<16xf32>
      %swap3A = arith.constant 0 : i32
      %swap3A_172 = arith.index_cast %swap3A : i32 to index
      %swap3A_173 = arith.index_cast %scan3A_159 : i32 to index
      %swap3A_174 = arith.constant 0 : index
      %swap3A_175 = tpu.vector_load %arg10[%swap3A_172, %swap3A_173, %swap3A_174] {strides = array<i32>} : memref<2x40x128xf32, #tpu.memory_space<vmem>>, vector<1x1x16xf32>,
      %swap3A_176 = vector.shape_cast %swap3A_175 : vector<1x1x16xf32> to vector<16xf32>
      %swap3A_177 = vector.shape_cast %mul3A_171 : vector<16xf32> to vector<1x1x16xf32>
      tpu.vector_store %arg10[%swap3A_172, %swap3A_173, %swap3A_174], %swap3A_177 {strides = array<i32>} : memref<2x40x128xf32, #tpu.memory_space<vmem>>, vector<1x1x16xf32>,
      %get3A_178 = arith.constant 0 : i32
      %get3A_179 = arith.index_cast %get3A_178 : i32 to index
      %get3A_180 = arith.index_cast %scan3A_159 : i32 to index
      %get3A_181 = arith.constant 16 : index
      %get3A_182 = tpu.vector_load %arg10[%get3A_179, %get3A_180, %get3A_181] {strides = array<i32>} : memref<2x40x128xf32, #tpu.memory_space<vmem>>, vector<1x1x16xf32>,
      %get3A_183 = vector.shape_cast %get3A_182 : vector<1x1x16xf32> to vector<16xf32>
      %get3A_184 = arith.constant 0 : i32
      %get3A_185 = arith.index_cast %get3A_184 : i32 to index
      %get3A_186 = arith.index_cast %scan3A_159 : i32 to index
      %get3A_187 = arith.constant 16 : index
      %get3A_188 = tpu.vector_load %arg11[%get3A_185, %get3A_186, %get3A_187] {strides = array<i32>} : memref<2x40x128xf32, #tpu.memory_space<vmem>>, vector<1x1x16xf32>,
      %get3A_189 = vector.shape_cast %get3A_188 : vector<1x1x16xf32> to vector<16xf32>
      %mul3A_190 = arith.mulf %get3A_183, %get3A_189 : vector<16xf32>
      %swap3A_191 = arith.constant 0 : i32
      %swap3A_192 = arith.index_cast %swap3A_191 : i32 to index
      %swap3A_193 = arith.index_cast %scan3A_159 : i32 to index
      %swap3A_194 = arith.constant 16 : index
      %swap3A_195 = tpu.vector_load %arg10[%swap3A_192, %swap3A_193, %swap3A_194] {strides = array<i32>} : memref<2x40x128xf32, #tpu.memory_space<vmem>>, vector<1x1x16xf32>,
      %swap3A_196 = vector.shape_cast %swap3A_195 : vector<1x1x16xf32> to vector<16xf32>
      %swap3A_197 = vector.shape_cast %mul3A_190 : vector<16xf32> to vector<1x1x16xf32>
      tpu.vector_store %arg10[%swap3A_192, %swap3A_193, %swap3A_194], %swap3A_197 {strides = array<i32>} : memref<2x40x128xf32, #tpu.memory_space<vmem>>, vector<1x1x16xf32>,
      %get3A_198 = arith.constant 0 : i32
      %get3A_199 = arith.index_cast %get3A_198 : i32 to index
      %get3A_200 = arith.index_cast %scan3A_159 : i32 to index
      %get3A_201 = arith.constant 32 : index
      %get3A_202 = tpu.vector_load %arg10[%get3A_199, %get3A_200, %get3A_201] {strides = array<i32>} : memref<2x40x128xf32, #tpu.memory_space<vmem>>, vector<1x1x16xf32>,
      %get3A_203 = vector.shape_cast %get3A_202 : vector<1x1x16xf32> to vector<16xf32>
      %get3A_204 = arith.constant 0 : i32
      %get3A_205 = arith.index_cast %get3A_204 : i32 to index
      %get3A_206 = arith.index_cast %scan3A_159 : i32 to index
      %get3A_207 = arith.constant 32 : index
      %get3A_208 = tpu.vector_load %arg11[%get3A_205, %get3A_206, %get3A_207] {strides = array<i32>} : memref<2x40x128xf32, #tpu.memory_space<vmem>>, vector<1x1x16xf32>,
      %get3A_209 = vector.shape_cast %get3A_208 : vector<1x1x16xf32> to vector<16xf32>
      %mul3A_210 = arith.mulf %get3A_203, %get3A_209 : vector<16xf32>
      %swap3A_211 = arith.constant 0 : i32
      %swap3A_212 = arith.index_cast %swap3A_211 : i32 to index
      %swap3A_213 = arith.index_cast %scan3A_159 : i32 to index
      %swap3A_214 = arith.constant 32 : index
      %swap3A_215 = tpu.vector_load %arg10[%swap3A_212, %swap3A_213, %swap3A_214] {strides = array<i32>} : memref<2x40x128xf32, #tpu.memory_space<vmem>>, vector<1x1x16xf32>,
      %swap3A_216 = vector.shape_cast %swap3A_215 : vector<1x1x16xf32> to vector<16xf32>
      %swap3A_217 = vector.shape_cast %mul3A_210 : vector<16xf32> to vector<1x1x16xf32>
      tpu.vector_store %arg10[%swap3A_212, %swap3A_213, %swap3A_214], %swap3A_217 {strides = array<i32>} : memref<2x40x128xf32, #tpu.memory_space<vmem>>, vector<1x1x16xf32>,
      %get3A_218 = arith.constant 0 : i32
      %get3A_219 = arith.index_cast %get3A_218 : i32 to index
      %get3A_220 = arith.index_cast %scan3A_159 : i32 to index
      %get3A_221 = arith.constant 48 : index
      %get3A_222 = tpu.vector_load %arg10[%get3A_219, %get3A_220, %get3A_221] {strides = array<i32>} : memref<2x40x128xf32, #tpu.memory_space<vmem>>, vector<1x1x16xf32>,
      %get3A_223 = vector.shape_cast %get3A_222 : vector<1x1x16xf32> to vector<16xf32>
      %get3A_224 = arith.constant 0 : i32
      %get3A_225 = arith.index_cast %get3A_224 : i32 to index
      %get3A_226 = arith.index_cast %scan3A_159 : i32 to index
      %get3A_227 = arith.constant 48 : index
      %get3A_228 = tpu.vector_load %arg11[%get3A_225, %get3A_226, %get3A_227] {strides = array<i32>} : memref<2x40x128xf32, #tpu.memory_space<vmem>>, vector<1x1x16xf32>,
      %get3A_229 = vector.shape_cast %get3A_228 : vector<1x1x16xf32> to vector<16xf32>
      %mul3A_230 = arith.mulf %get3A_223, %get3A_229 : vector<16xf32>
      %swap3A_231 = arith.constant 0 : i32
      %swap3A_232 = arith.index_cast %swap3A_231 : i32 to index
      %swap3A_233 = arith.index_cast %scan3A_159 : i32 to index
      %swap3A_234 = arith.constant 48 : index
      %swap3A_235 = tpu.vector_load %arg10[%swap3A_232, %swap3A_233, %swap3A_234] {strides = array<i32>} : memref<2x40x128xf32, #tpu.memory_space<vmem>>, vector<1x1x16xf32>,
      %swap3A_236 = vector.shape_cast %swap3A_235 : vector<1x1x16xf32> to vector<16xf32>
      %swap3A_237 = vector.shape_cast %mul3A_230 : vector<16xf32> to vector<1x1x16xf32>
      tpu.vector_store %arg10[%swap3A_232, %swap3A_233, %swap3A_234], %swap3A_237 {strides = array<i32>} : memref<2x40x128xf32, #tpu.memory_space<vmem>>, vector<1x1x16xf32>,
      %get3A_238 = arith.constant 0 : i32
      %get3A_239 = arith.index_cast %get3A_238 : i32 to index
      %get3A_240 = arith.index_cast %scan3A_159 : i32 to index
      %get3A_241 = arith.constant 64 : index
      %get3A_242 = tpu.vector_load %arg10[%get3A_239, %get3A_240, %get3A_241] {strides = array<i32>} : memref<2x40x128xf32, #tpu.memory_space<vmem>>, vector<1x1x16xf32>,
      %get3A_243 = vector.shape_cast %get3A_242 : vector<1x1x16xf32> to vector<16xf32>
      %get3A_244 = arith.constant 0 : i32
      %get3A_245 = arith.index_cast %get3A_244 : i32 to index
      %get3A_246 = arith.index_cast %scan3A_159 : i32 to index
      %get3A_247 = arith.constant 64 : index
      %get3A_248 = tpu.vector_load %arg11[%get3A_245, %get3A_246, %get3A_247] {strides = array<i32>} : memref<2x40x128xf32, #tpu.memory_space<vmem>>, vector<1x1x16xf32>,
      %get3A_249 = vector.shape_cast %get3A_248 : vector<1x1x16xf32> to vector<16xf32>
      %mul3A_250 = arith.mulf %get3A_243, %get3A_249 : vector<16xf32>
      %swap3A_251 = arith.constant 0 : i32
      %swap3A_252 = arith.index_cast %swap3A_251 : i32 to index
      %swap3A_253 = arith.index_cast %scan3A_159 : i32 to index
      %swap3A_254 = arith.constant 64 : index
      %swap3A_255 = tpu.vector_load %arg10[%swap3A_252, %swap3A_253, %swap3A_254] {strides = array<i32>} : memref<2x40x128xf32, #tpu.memory_space<vmem>>, vector<1x1x16xf32>,
      %swap3A_256 = vector.shape_cast %swap3A_255 : vector<1x1x16xf32> to vector<16xf32>
      %swap3A_257 = vector.shape_cast %mul3A_250 : vector<16xf32> to vector<1x1x16xf32>
      tpu.vector_store %arg10[%swap3A_252, %swap3A_253, %swap3A_254], %swap3A_257 {strides = array<i32>} : memref<2x40x128xf32, #tpu.memory_space<vmem>>, vector<1x1x16xf32>,
      %get3A_258 = arith.constant 0 : i32
      %get3A_259 = arith.index_cast %get3A_258 : i32 to index
      %get3A_260 = arith.index_cast %scan3A_159 : i32 to index
      %get3A_261 = arith.constant 80 : index
      %get3A_262 = tpu.vector_load %arg10[%get3A_259, %get3A_260, %get3A_261] {strides = array<i32>} : memref<2x40x128xf32, #tpu.memory_space<vmem>>, vector<1x1x16xf32>,
      %get3A_263 = vector.shape_cast %get3A_262 : vector<1x1x16xf32> to vector<16xf32>
      %get3A_264 = arith.constant 0 : i32
      %get3A_265 = arith.index_cast %get3A_264 : i32 to index
      %get3A_266 = arith.index_cast %scan3A_159 : i32 to index
      %get3A_267 = arith.constant 80 : index
      %get3A_268 = tpu.vector_load %arg11[%get3A_265, %get3A_266, %get3A_267] {strides = array<i32>} : memref<2x40x128xf32, #tpu.memory_space<vmem>>, vector<1x1x16xf32>,
      %get3A_269 = vector.shape_cast %get3A_268 : vector<1x1x16xf32> to vector<16xf32>
      %mul3A_270 = arith.mulf %get3A_263, %get3A_269 : vector<16xf32>
      %swap3A_271 = arith.constant 0 : i32
      %swap3A_272 = arith.index_cast %swap3A_271 : i32 to index
      %swap3A_273 = arith.index_cast %scan3A_159 : i32 to index
      %swap3A_274 = arith.constant 80 : index
      %swap3A_275 = tpu.vector_load %arg10[%swap3A_272, %swap3A_273, %swap3A_274] {strides = array<i32>} : memref<2x40x128xf32, #tpu.memory_space<vmem>>, vector<1x1x16xf32>,
      %swap3A_276 = vector.shape_cast %swap3A_275 : vector<1x1x16xf32> to vector<16xf32>
      %swap3A_277 = vector.shape_cast %mul3A_270 : vector<16xf32> to vector<1x1x16xf32>
      tpu.vector_store %arg10[%swap3A_272, %swap3A_273, %swap3A_274], %swap3A_277 {strides = array<i32>} : memref<2x40x128xf32, #tpu.memory_space<vmem>>, vector<1x1x16xf32>,
      %get3A_278 = arith.constant 0 : i32
      %get3A_279 = arith.index_cast %get3A_278 : i32 to index
      %get3A_280 = arith.index_cast %scan3A_159 : i32 to index
      %get3A_281 = arith.constant 96 : index
      %get3A_282 = tpu.vector_load %arg10[%get3A_279, %get3A_280, %get3A_281] {strides = array<i32>} : memref<2x40x128xf32, #tpu.memory_space<vmem>>, vector<1x1x16xf32>,
      %get3A_283 = vector.shape_cast %get3A_282 : vector<1x1x16xf32> to vector<16xf32>
      %get3A_284 = arith.constant 0 : i32
      %get3A_285 = arith.index_cast %get3A_284 : i32 to index
      %get3A_286 = arith.index_cast %scan3A_159 : i32 to index
      %get3A_287 = arith.constant 96 : index
      %get3A_288 = tpu.vector_load %arg11[%get3A_285, %get3A_286, %get3A_287] {strides = array<i32>} : memref<2x40x128xf32, #tpu.memory_space<vmem>>, vector<1x1x16xf32>,
      %get3A_289 = vector.shape_cast %get3A_288 : vector<1x1x16xf32> to vector<16xf32>
      %mul3A_290 = arith.mulf %get3A_283, %get3A_289 : vector<16xf32>
      %swap3A_291 = arith.constant 0 : i32
      %swap3A_292 = arith.index_cast %swap3A_291 : i32 to index
      %swap3A_293 = arith.index_cast %scan3A_159 : i32 to index
      %swap3A_294 = arith.constant 96 : index
      %swap3A_295 = tpu.vector_load %arg10[%swap3A_292, %swap3A_293, %swap3A_294] {strides = array<i32>} : memref<2x40x128xf32, #tpu.memory_space<vmem>>, vector<1x1x16xf32>,
      %swap3A_296 = vector.shape_cast %swap3A_295 : vector<1x1x16xf32> to vector<16xf32>
      %swap3A_297 = vector.shape_cast %mul3A_290 : vector<16xf32> to vector<1x1x16xf32>
      tpu.vector_store %arg10[%swap3A_292, %swap3A_293, %swap3A_294], %swap3A_297 {strides = array<i32>} : memref<2x40x128xf32, #tpu.memory_space<vmem>>, vector<1x1x16xf32>,
      %get3A_298 = arith.constant 0 : i32
      %get3A_299 = arith.index_cast %get3A_298 : i32 to index
      %get3A_300 = arith.index_cast %scan3A_159 : i32 to index
      %get3A_301 = arith.constant 112 : index
      %get3A_302 = tpu.vector_load %arg10[%get3A_299, %get3A_300, %get3A_301] {strides = array<i32>} : memref<2x40x128xf32, #tpu.memory_space<vmem>>, vector<1x1x16xf32>,
      %get3A_303 = vector.shape_cast %get3A_302 : vector<1x1x16xf32> to vector<16xf32>
      %get3A_304 = arith.constant 0 : i32
      %get3A_305 = arith.index_cast %get3A_304 : i32 to index
      %get3A_306 = arith.index_cast %scan3A_159 : i32 to index
      %get3A_307 = arith.constant 112 : index
      %get3A_308 = tpu.vector_load %arg11[%get3A_305, %get3A_306, %get3A_307] {strides = array<i32>} : memref<2x40x128xf32, #tpu.memory_space<vmem>>, vector<1x1x16xf32>,
      %get3A_309 = vector.shape_cast %get3A_308 : vector<1x1x16xf32> to vector<16xf32>
      %mul3A_310 = arith.mulf %get3A_303, %get3A_309 : vector<16xf32>
      %swap3A_311 = arith.constant 0 : i32
      %swap3A_312 = arith.index_cast %swap3A_311 : i32 to index
      %swap3A_313 = arith.index_cast %scan3A_159 : i32 to index
      %swap3A_314 = arith.constant 112 : index
      %swap3A_315 = tpu.vector_load %arg10[%swap3A_312, %swap3A_313, %swap3A_314] {strides = array<i32>} : memref<2x40x128xf32, #tpu.memory_space<vmem>>, vector<1x1x16xf32>,
      %swap3A_316 = vector.shape_cast %swap3A_315 : vector<1x1x16xf32> to vector<16xf32>
      %swap3A_317 = vector.shape_cast %mul3A_310 : vector<16xf32> to vector<1x1x16xf32>
      tpu.vector_store %arg10[%swap3A_312, %swap3A_313, %swap3A_314], %swap3A_317 {strides = array<i32>} : memref<2x40x128xf32, #tpu.memory_space<vmem>>, vector<1x1x16xf32>,
    }
    %scan3A_88 = arith.constant 40 : i32
    %mul3A_89 = arith.constant 125 : i32
    %mul3A_90 = arith.muli %add3A, %mul3A_89 : i32
    %add3A_91 = arith.constant 124 : i32
    %add3A_92 = arith.addi %mul3A_90, %add3A_91 : i32
    %dma_wait3A_93 = arith.constant 0 : i32
    %dma_wait3A_94 = arith.constant 0 : i32
    %dma_wait3A_95 = arith.constant 0 : i32
    %dma_wait3A_96 = tpu.memref_slice %arg9[%dma_wait3A_93, %dma_wait3A_94, %dma_wait3A_95] : memref<2x1x40xi32, #tpu.memory_space<vmem>> -> memref<1x1x40xi32, #tpu.memory_space<vmem>>
    %dma_wait3A_97 = tpu.memref_squeeze %dma_wait3A_96 : memref<1x1x40xi32, #tpu.memory_space<vmem>> -> memref<1x40xi32, #tpu.memory_space<vmem>>
    %dma_wait3A_98 = arith.constant 0 : i32
    %dma_wait3A_99 = arith.constant 0 : i32
    %dma_wait3A_100 = tpu.memref_slice %arg5[%add3A_92, %dma_wait3A_98, %dma_wait3A_99] : memref<4000x1x40xi32, #tpu.memory_space<hbm>> -> memref<1x1x40xi32, #tpu.memory_space<hbm>>
    %dma_wait3A_101 = tpu.memref_squeeze %dma_wait3A_100 : memref<1x1x40xi32, #tpu.memory_space<hbm>> -> memref<1x40xi32, #tpu.memory_space<hbm>>
    %dma_wait3A_102 = arith.constant 0 : i32
    %dma_wait3A_103 = arith.constant 0 : i32
    %dma_wait3A_104 = tpu.memref_slice %arg9[%dma_wait3A_93, %dma_wait3A_102, %dma_wait3A_103] : memref<2x1x40xi32, #tpu.memory_space<vmem>> -> memref<1x1x40xi32, #tpu.memory_space<vmem>>
    %dma_wait3A_105 = tpu.memref_squeeze %dma_wait3A_104 : memref<1x1x40xi32, #tpu.memory_space<vmem>> -> memref<1x40xi32, #tpu.memory_space<vmem>>
    %dma_wait3A_106 = arith.constant 0 : i32
    %dma_wait3A_107 = arith.constant 0 : i32
    %dma_wait3A_108 = tpu.memref_slice %arg5[%add3A_92, %dma_wait3A_106, %dma_wait3A_107] : memref<4000x1x40xi32, #tpu.memory_space<hbm>> -> memref<1x1x40xi32, #tpu.memory_space<hbm>>
    %dma_wait3A_109 = tpu.memref_squeeze %dma_wait3A_108 : memref<1x1x40xi32, #tpu.memory_space<hbm>> -> memref<1x40xi32, #tpu.memory_space<hbm>>
    tpu.wait_dma2 semaphore(%arg13 : memref<!tpu.dma_semaphore, #tpu.memory_space<semaphore_mem>>) src(%dma_wait3A_109 : memref<1x40xi32, #tpu.memory_space<hbm>>) dst(%dma_wait3A_105 : memref<1x40xi32, #tpu.memory_space<vmem>>)
    %dma_start3A_110 = arith.constant 0 : i32
    %dma_start3A_111 = arith.constant 0 : i32
    %dma_start3A_112 = arith.constant 0 : i32
    %dma_start3A_113 = arith.constant 0 : i32
    %dma_start3A_114 = arith.constant 0 : i32
    %dma_start3A_115 = tpu.memref_slice %arg10[%dma_start3A_110, %dma_start3A_113, %dma_start3A_114] : memref<2x40x128xf32, #tpu.memory_space<vmem>> -> memref<1x40x128xf32, #tpu.memory_space<vmem>>
    %dma_start3A_116 = tpu.memref_squeeze %dma_start3A_115 : memref<1x40x128xf32, #tpu.memory_space<vmem>> -> memref<40x128xf32, #tpu.memory_space<vmem>>
    %dma_start3A_117 = arith.constant 0 : i32
    %dma_start3A_118 = tpu.memref_slice %arg9[%dma_start3A_111, %dma_start3A_112, %dma_start3A_117] : memref<2x1x40xi32, #tpu.memory_space<vmem>> -> memref<1x1x40xi32, #tpu.memory_space<vmem>>
    %dma_start3A_119 = tpu.memref_squeeze %dma_start3A_118 : memref<1x1x40xi32, #tpu.memory_space<vmem>> -> memref<40xi32, #tpu.memory_space<vmem>>
    %dma_start3A_120 = arith.constant 0 : i32
    %dma_start3A_121 = arith.constant 0 : i32
    %dma_start3A_122 = tpu.memref_slice %arg12[%dma_start3A_120, %dma_start3A_121] : memref<10000x128xf32, #tpu.memory_space<vmem_shared>> -> memref<10000x128xf32, #tpu.memory_space<vmem_shared>>
    tpu.enqueue_indirect_dma source(%dma_start3A_116 : memref<40x128xf32, #tpu.memory_space<vmem>>) target(%dma_start3A_122 : memref<10000x128xf32, #tpu.memory_space<vmem_shared>>) offsets(%dma_start3A_119 : memref<40xi32, #tpu.memory_space<vmem>>) semaphore(%arg19 : memref<!tpu.dma_semaphore, #tpu.memory_space<semaphore_mem>>) {add = true}
    %dma_wait3A_123 = arith.constant 0 : i32
    %dma_wait3A_124 = arith.constant 0 : i32
    %dma_wait3A_125 = arith.constant 0 : i32
    %dma_wait3A_126 = arith.constant 0 : i32
    %dma_wait3A_127 = arith.constant 0 : i32
    %dma_wait3A_128 = tpu.memref_slice %arg10[%dma_wait3A_123, %dma_wait3A_126, %dma_wait3A_127] : memref<2x40x128xf32, #tpu.memory_space<vmem>> -> memref<1x40x128xf32, #tpu.memory_space<vmem>>
    %dma_wait3A_129 = tpu.memref_squeeze %dma_wait3A_128 : memref<1x40x128xf32, #tpu.memory_space<vmem>> -> memref<40x128xf32, #tpu.memory_space<vmem>>
    %dma_wait3A_130 = arith.constant 0 : i32
    %dma_wait3A_131 = tpu.memref_slice %arg9[%dma_wait3A_124, %dma_wait3A_125, %dma_wait3A_130] : memref<2x1x40xi32, #tpu.memory_space<vmem>> -> memref<1x1x40xi32, #tpu.memory_space<vmem>>
    %dma_wait3A_132 = tpu.memref_squeeze %dma_wait3A_131 : memref<1x1x40xi32, #tpu.memory_space<vmem>> -> memref<40xi32, #tpu.memory_space<vmem>>
    %dma_wait3A_133 = arith.constant 0 : i32
    %dma_wait3A_134 = arith.constant 0 : i32
    %dma_wait3A_135 = tpu.memref_slice %arg12[%dma_wait3A_133, %dma_wait3A_134] : memref<10000x128xf32, #tpu.memory_space<vmem_shared>> -> memref<10000x128xf32, #tpu.memory_space<vmem_shared>>
    tpu.wait_indirect_dma semaphore(%arg19 : memref<!tpu.dma_semaphore, #tpu.memory_space<semaphore_mem>>) src(%dma_wait3A_129 : memref<40x128xf32, #tpu.memory_space<vmem>>) dst(%dma_wait3A_135 : memref<10000x128xf32, #tpu.memory_space<vmem_shared>>)
    %dma_wait3A_136 = arith.constant 1 : i32
    %dma_wait3A_137 = arith.constant 1 : i32
    %dma_wait3A_138 = arith.constant 0 : i32
    %dma_wait3A_139 = arith.constant 0 : i32
    %dma_wait3A_140 = arith.constant 0 : i32
    %dma_wait3A_141 = tpu.memref_slice %arg10[%dma_wait3A_136, %dma_wait3A_139, %dma_wait3A_140] : memref<2x40x128xf32, #tpu.memory_space<vmem>> -> memref<1x40x128xf32, #tpu.memory_space<vmem>>
    %dma_wait3A_142 = tpu.memref_squeeze %dma_wait3A_141 : memref<1x40x128xf32, #tpu.memory_space<vmem>> -> memref<40x128xf32, #tpu.memory_space<vmem>>
    %dma_wait3A_143 = arith.constant 0 : i32
    %dma_wait3A_144 = tpu.memref_slice %arg9[%dma_wait3A_137, %dma_wait3A_138, %dma_wait3A_143] : memref<2x1x40xi32, #tpu.memory_space<vmem>> -> memref<1x1x40xi32, #tpu.memory_space<vmem>>
    %dma_wait3A_145 = tpu.memref_squeeze %dma_wait3A_144 : memref<1x1x40xi32, #tpu.memory_space<vmem>> -> memref<40xi32, #tpu.memory_space<vmem>>
    %dma_wait3A_146 = arith.constant 0 : i32
    %dma_wait3A_147 = arith.constant 0 : i32
    %dma_wait3A_148 = tpu.memref_slice %arg12[%dma_wait3A_146, %dma_wait3A_147] : memref<10000x128xf32, #tpu.memory_space<vmem_shared>> -> memref<10000x128xf32, #tpu.memory_space<vmem_shared>>
    tpu.wait_indirect_dma semaphore(%arg20 : memref<!tpu.dma_semaphore, #tpu.memory_space<semaphore_mem>>) src(%dma_wait3A_142 : memref<40x128xf32, #tpu.memory_space<vmem>>) dst(%dma_wait3A_148 : memref<10000x128xf32, #tpu.memory_space<vmem_shared>>)
    %barrier3A_149 = arith.constant 0 : index
    tpu.barrier barrier_id(%barrier3A_149)
    %mul3A_150 = arith.constant 624 : i32
    %mul3A_151 = arith.muli %arg1, %mul3A_150 : i32
    %mul3A_152 = arith.constant 624 : i32
    %mul3A_153 = arith.muli %arg1, %mul3A_152 : i32
    "tpu.region"() ({
      %run_scoped3A = tpu.sem_alloc : memref<!tpu.dma_semaphore, #tpu.memory_space<semaphore_mem>>
      %dma_start3A_159 = arith.constant 0 : i32
      %dma_start3A_160 = tpu.memref_slice %arg7[%arg0, %mul3A_153, %dma_start3A_159] : memref<2x10000x128xf32, #tpu.memory_space<hbm>> -> memref<1x624x128xf32, #tpu.memory_space<hbm>>
      %dma_start3A_161 = tpu.memref_squeeze %dma_start3A_160 : memref<1x624x128xf32, #tpu.memory_space<hbm>> -> memref<624x128xf32, #tpu.memory_space<hbm>>
      %dma_start3A_162 = arith.constant 0 : i32
      %dma_start3A_163 = tpu.memref_slice %arg12[%mul3A_151, %dma_start3A_162] : memref<10000x128xf32, #tpu.memory_space<vmem_shared>> -> memref<624x128xf32, #tpu.memory_space<vmem_shared>>
      tpu.enqueue_dma source(%dma_start3A_163 : memref<624x128xf32, #tpu.memory_space<vmem_shared>>) target(%dma_start3A_161 : memref<624x128xf32, #tpu.memory_space<hbm>>) target_semaphore(%run_scoped3A : memref<!tpu.dma_semaphore, #tpu.memory_space<semaphore_mem>>)
      %dma_wait3A_164 = arith.constant 0 : i32
      %dma_wait3A_165 = tpu.memref_slice %arg7[%arg0, %mul3A_153, %dma_wait3A_164] : memref<2x10000x128xf32, #tpu.memory_space<hbm>> -> memref<1x624x128xf32, #tpu.memory_space<hbm>>
      %dma_wait3A_166 = tpu.memref_squeeze %dma_wait3A_165 : memref<1x624x128xf32, #tpu.memory_space<hbm>> -> memref<624x128xf32, #tpu.memory_space<hbm>>
      %dma_wait3A_167 = arith.constant 0 : i32
      %dma_wait3A_168 = tpu.memref_slice %arg12[%mul3A_151, %dma_wait3A_167] : memref<10000x128xf32, #tpu.memory_space<vmem_shared>> -> memref<624x128xf32, #tpu.memory_space<vmem_shared>>
      tpu.wait_dma2 semaphore(%run_scoped3A : memref<!tpu.dma_semaphore, #tpu.memory_space<semaphore_mem>>) src(%dma_wait3A_168 : memref<624x128xf32, #tpu.memory_space<vmem_shared>>) dst(%dma_wait3A_166 : memref<624x128xf32, #tpu.memory_space<hbm>>)
      tpu.yield
    }) : () -> ()
    %eq3A_154 = arith.constant 15 : i32
    %eq3A_155 = arith.cmpi eq, %arg1, %eq3A_154 : i32
    %convert_element_type3A_156 = arith.extui %eq3A_155 : i1 to i32
    %cond3A_157 = arith.constant 0 : i32
    %cond3A_158 = arith.cmpi ne, %convert_element_type3A_156, %cond3A_157 : i32
    scf.if %cond3A_158 {
      "tpu.region"() ({
        %run_scoped3A = tpu.sem_alloc : memref<!tpu.dma_semaphore, #tpu.memory_space<semaphore_mem>>
        %dma_start3A_159 = arith.constant 9984 : i32
        %dma_start3A_160 = arith.constant 0 : i32
        %dma_start3A_161 = tpu.memref_slice %arg7[%arg0, %dma_start3A_159, %dma_start3A_160] : memref<2x10000x128xf32, #tpu.memory_space<hbm>> -> memref<1x16x128xf32, #tpu.memory_space<hbm>>
        %dma_start3A_162 = tpu.memref_squeeze %dma_start3A_161 : memref<1x16x128xf32, #tpu.memory_space<hbm>> -> memref<16x128xf32, #tpu.memory_space<hbm>>
        %dma_start3A_163 = arith.constant 9984 : i32
        %dma_start3A_164 = arith.constant 0 : i32
        %dma_start3A_165 = tpu.memref_slice %arg12[%dma_start3A_163, %dma_start3A_164] : memref<10000x128xf32, #tpu.memory_space<vmem_shared>> -> memref<16x128xf32, #tpu.memory_space<vmem_shared>>
        tpu.enqueue_dma source(%dma_start3A_165 : memref<16x128xf32, #tpu.memory_space<vmem_shared>>) target(%dma_start3A_162 : memref<16x128xf32, #tpu.memory_space<hbm>>) target_semaphore(%run_scoped3A : memref<!tpu.dma_semaphore, #tpu.memory_space<semaphore_mem>>)
        %dma_wait3A_166 = arith.constant 9984 : i32
        %dma_wait3A_167 = arith.constant 0 : i32
        %dma_wait3A_168 = tpu.memref_slice %arg7[%arg0, %dma_wait3A_166, %dma_wait3A_167] : memref<2x10000x128xf32, #tpu.memory_space<hbm>> -> memref<1x16x128xf32, #tpu.memory_space<hbm>>
        %dma_wait3A_169 = tpu.memref_squeeze %dma_wait3A_168 : memref<1x16x128xf32, #tpu.memory_space<hbm>> -> memref<16x128xf32, #tpu.memory_space<hbm>>
        %dma_wait3A_170 = arith.constant 9984 : i32
        %dma_wait3A_171 = arith.constant 0 : i32
        %dma_wait3A_172 = tpu.memref_slice %arg12[%dma_wait3A_170, %dma_wait3A_171] : memref<10000x128xf32, #tpu.memory_space<vmem_shared>> -> memref<16x128xf32, #tpu.memory_space<vmem_shared>>
        tpu.wait_dma2 semaphore(%run_scoped3A : memref<!tpu.dma_semaphore, #tpu.memory_space<semaphore_mem>>) src(%dma_wait3A_172 : memref<16x128xf32, #tpu.memory_space<vmem_shared>>) dst(%dma_wait3A_169 : memref<16x128xf32, #tpu.memory_space<hbm>>)
        tpu.yield
      }) : () -> ()
    } else {
    }
    return
  }
}

#map = affine_map<(d0, d1) -> (0, 0)>
#map1 = affine_map<(d0, d1) -> (0)>
#map2 = affine_map<(d0, d1) -> (0, 0, 0)>
module attributes {stable_mosaic.version = 14 : i64} {
  func.func @sc_fn(%arg0: i32, %arg1: i32, %arg2: memref<10000x128xf32, #tpu.memory_space<hbm>>, %arg3: memref<160000x128xf32, #tpu.memory_space<hbm>>, %arg4: memref<160000xi32, #tpu.memory_space<hbm>>, %arg5: memref<4000x1x40xi32, #tpu.memory_space<hbm>>, %arg6: memref<10000x128xf32, #tpu.memory_space<hbm>>, %arg7: memref<2x10000x128xf32, #tpu.memory_space<hbm>>, %arg8: memref<5000xi32, #tpu.memory_space<vmem>>, %arg9: memref<2x1x40xi32, #tpu.memory_space<vmem>>, %arg10: memref<2x40x128xf32, #tpu.memory_space<vmem>>, %arg11: memref<2x40x128xf32, #tpu.memory_space<vmem>>, %arg12: memref<10000x128xf32, #tpu.memory_space<vmem_shared>>, %arg13: memref<!tpu.dma_semaphore, #tpu.memory_space<semaphore_mem>>, %arg14: memref<!tpu.dma_semaphore, #tpu.memory_space<semaphore_mem>>, %arg15: memref<!tpu.dma_semaphore, #tpu.memory_space<semaphore_mem>>, %arg16: memref<!tpu.dma_semaphore, #tpu.memory_space<semaphore_mem>>, %arg17: memref<!tpu.dma_semaphore, #tpu.memory_space<semaphore_mem>>, %arg18: memref<!tpu.dma_semaphore, #tpu.memory_space<semaphore_mem>>, %arg19: memref<!tpu.dma_semaphore, #tpu.memory_space<semaphore_mem>>, %arg20: memref<!tpu.dma_semaphore, #tpu.memory_space<semaphore_mem>>) attributes {dimension_semantics = [#tpu.dimension_semantics<core_parallel>, #tpu.dimension_semantics<subcore_parallel>], iteration_bounds = array<i64: 2, 16>, scalar_prefetch = 0 : i64, scratch_operands = 13 : i64, tpu.core_type = #tpu.core_type<sc_vector_subcore>, window_params = [{transform_indices = #map}, {transform_indices = #map}, {transform_indices = #map1}, {transform_indices = #map2}, {transform_indices = #map}, {transform_indices = #map2}]} {
    %mul3A = arith.constant 16 : i32
    %mul3A_0 = arith.muli %arg0, %mul3A : i32
    %add3A = arith.addi %mul3A_0, %arg1 : i32
    %mul3A_1 = arith.constant 5000 : i32
    %mul3A_2 = arith.muli %add3A, %mul3A_1 : i32
    %mul3A_3 = arith.constant 624 : i32
    %mul3A_4 = arith.muli %arg1, %mul3A_3 : i32
    %mul3A_5 = arith.constant 624 : i32
    %mul3A_6 = arith.muli %arg1, %mul3A_5 : i32
    "tpu.region"() ({
      %run_scoped3A = tpu.sem_alloc : memref<!tpu.dma_semaphore, #tpu.memory_space<semaphore_mem>>
      %dma_start3A_159 = arith.constant 0 : i32
      %dma_start3A_160 = tpu.memref_slice %arg12[%mul3A_6, %dma_start3A_159] : memref<10000x128xf32, #tpu.memory_space<vmem_shared>> -> memref<624x128xf32, #tpu.memory_space<vmem_shared>>
      %dma_start3A_161 = arith.constant 0 : i32
      %dma_start3A_162 = tpu.memref_slice %arg6[%mul3A_4, %dma_start3A_161] : memref<10000x128xf32, #tpu.memory_space<hbm>> -> memref<624x128xf32, #tpu.memory_space<hbm>>
      tpu.enqueue_dma source(%dma_start3A_162 : memref<624x128xf32, #tpu.memory_space<hbm>>) target(%dma_start3A_160 : memref<624x128xf32, #tpu.memory_space<vmem_shared>>) target_semaphore(%run_scoped3A : memref<!tpu.dma_semaphore, #tpu.memory_space<semaphore_mem>>)
      %dma_wait3A_163 = arith.constant 0 : i32
      %dma_wait3A_164 = tpu.memref_slice %arg12[%mul3A_6, %dma_wait3A_163] : memref<10000x128xf32, #tpu.memory_space<vmem_shared>> -> memref<624x128xf32, #tpu.memory_space<vmem_shared>>
      %dma_wait3A_165 = arith.constant 0 : i32
      %dma_wait3A_166 = tpu.memref_slice %arg6[%mul3A_4, %dma_wait3A_165] : memref<10000x128xf32, #tpu.memory_space<hbm>> -> memref<624x128xf32, #tpu.memory_space<hbm>>
      tpu.wait_dma2 semaphore(%run_scoped3A : memref<!tpu.dma_semaphore, #tpu.memory_space<semaphore_mem>>) src(%dma_wait3A_166 : memref<624x128xf32, #tpu.memory_space<hbm>>) dst(%dma_wait3A_164 : memref<624x128xf32, #tpu.memory_space<vmem_shared>>)
      tpu.yield
    }) : () -> ()
    %eq3A = arith.constant 15 : i32
    %eq3A_7 = arith.cmpi eq, %arg1, %eq3A : i32
    %convert_element_type3A = arith.extui %eq3A_7 : i1 to i32
    %cond3A = arith.constant 0 : i32
    %cond3A_8 = arith.cmpi ne, %convert_element_type3A, %cond3A : i32
    scf.if %cond3A_8 {
      "tpu.region"() ({
        %run_scoped3A = tpu.sem_alloc : memref<!tpu.dma_semaphore, #tpu.memory_space<semaphore_mem>>
        %dma_start3A_159 = arith.constant 9984 : i32
        %dma_start3A_160 = arith.constant 0 : i32
        %dma_start3A_161 = tpu.memref_slice %arg12[%dma_start3A_159, %dma_start3A_160] : memref<10000x128xf32, #tpu.memory_space<vmem_shared>> -> memref<16x128xf32, #tpu.memory_space<vmem_shared>>
        %dma_start3A_162 = arith.constant 9984 : i32
        %dma_start3A_163 = arith.constant 0 : i32
        %dma_start3A_164 = tpu.memref_slice %arg6[%dma_start3A_162, %dma_start3A_163] : memref<10000x128xf32, #tpu.memory_space<hbm>> -> memref<16x128xf32, #tpu.memory_space<hbm>>
        tpu.enqueue_dma source(%dma_start3A_164 : memref<16x128xf32, #tpu.memory_space<hbm>>) target(%dma_start3A_161 : memref<16x128xf32, #tpu.memory_space<vmem_shared>>) target_semaphore(%run_scoped3A : memref<!tpu.dma_semaphore, #tpu.memory_space<semaphore_mem>>)
        %dma_wait3A_165 = arith.constant 9984 : i32
        %dma_wait3A_166 = arith.constant 0 : i32
        %dma_wait3A_167 = tpu.memref_slice %arg12[%dma_wait3A_165, %dma_wait3A_166] : memref<10000x128xf32, #tpu.memory_space<vmem_shared>> -> memref<16x128xf32, #tpu.memory_space<vmem_shared>>
        %dma_wait3A_168 = arith.constant 9984 : i32
        %dma_wait3A_169 = arith.constant 0 : i32
        %dma_wait3A_170 = tpu.memref_slice %arg6[%dma_wait3A_168, %dma_wait3A_169] : memref<10000x128xf32, #tpu.memory_space<hbm>> -> memref<16x128xf32, #tpu.memory_space<hbm>>
        tpu.wait_dma2 semaphore(%run_scoped3A : memref<!tpu.dma_semaphore, #tpu.memory_space<semaphore_mem>>) src(%dma_wait3A_170 : memref<16x128xf32, #tpu.memory_space<hbm>>) dst(%dma_wait3A_167 : memref<16x128xf32, #tpu.memory_space<vmem_shared>>)
        tpu.yield
      }) : () -> ()
    } else {
    }
    "tpu.region"() ({
      %run_scoped3A = tpu.sem_alloc : memref<!tpu.dma_semaphore, #tpu.memory_space<semaphore_mem>>
      %dma_start3A_159 = tpu.memref_slice %arg4[%mul3A_2] : memref<160000xi32, #tpu.memory_space<hbm>> -> memref<5000xi32, #tpu.memory_space<hbm>>
      %dma_start3A_160 = tpu.memref_slice %arg4[%mul3A_2] : memref<160000xi32, #tpu.memory_space<hbm>> -> memref<5000xi32, #tpu.memory_space<hbm>>
      tpu.enqueue_dma source(%dma_start3A_160 : memref<5000xi32, #tpu.memory_space<hbm>>) target(%arg8 : memref<5000xi32, #tpu.memory_space<vmem>>) target_semaphore(%run_scoped3A : memref<!tpu.dma_semaphore, #tpu.memory_space<semaphore_mem>>)
      %dma_wait3A_161 = tpu.memref_slice %arg4[%mul3A_2] : memref<160000xi32, #tpu.memory_space<hbm>> -> memref<5000xi32, #tpu.memory_space<hbm>>
      %dma_wait3A_162 = tpu.memref_slice %arg4[%mul3A_2] : memref<160000xi32, #tpu.memory_space<hbm>> -> memref<5000xi32, #tpu.memory_space<hbm>>
      tpu.wait_dma2 semaphore(%run_scoped3A : memref<!tpu.dma_semaphore, #tpu.memory_space<semaphore_mem>>) src(%dma_wait3A_162 : memref<5000xi32, #tpu.memory_space<hbm>>) dst(%arg8 : memref<5000xi32, #tpu.memory_space<vmem>>)
      tpu.yield
    }) : () -> ()
    %barrier3A = arith.constant 0 : index
    tpu.barrier barrier_id(%barrier3A)
    %mul3A_9 = arith.constant 125 : i32
    %mul3A_10 = arith.muli %add3A, %mul3A_9 : i32
    %add3A_11 = arith.constant 0 : i32
    %add3A_12 = arith.addi %mul3A_10, %add3A_11 : i32
    %dma_start3A = arith.constant 0 : i32
    %dma_start3A_13 = arith.constant 0 : i32
    %dma_start3A_14 = arith.constant 0 : i32
    %dma_start3A_15 = tpu.memref_slice %arg9[%dma_start3A, %dma_start3A_13, %dma_start3A_14] : memref<2x1x40xi32, #tpu.memory_space<vmem>> -> memref<1x1x40xi32, #tpu.memory_space<vmem>>
    %dma_start3A_16 = tpu.memref_squeeze %dma_start3A_15 : memref<1x1x40xi32, #tpu.memory_space<vmem>> -> memref<1x40xi32, #tpu.memory_space<vmem>>
    %dma_start3A_17 = arith.constant 0 : i32
    %dma_start3A_18 = arith.constant 0 : i32
    %dma_start3A_19 = tpu.memref_slice %arg5[%add3A_12, %dma_start3A_17, %dma_start3A_18] : memref<4000x1x40xi32, #tpu.memory_space<hbm>> -> memref<1x1x40xi32, #tpu.memory_space<hbm>>
    %dma_start3A_20 = tpu.memref_squeeze %dma_start3A_19 : memref<1x1x40xi32, #tpu.memory_space<hbm>> -> memref<1x40xi32, #tpu.memory_space<hbm>>
    %dma_start3A_21 = arith.constant 0 : i32
    %dma_start3A_22 = arith.constant 0 : i32
    %dma_start3A_23 = tpu.memref_slice %arg9[%dma_start3A, %dma_start3A_21, %dma_start3A_22] : memref<2x1x40xi32, #tpu.memory_space<vmem>> -> memref<1x1x40xi32, #tpu.memory_space<vmem>>
    %dma_start3A_24 = tpu.memref_squeeze %dma_start3A_23 : memref<1x1x40xi32, #tpu.memory_space<vmem>> -> memref<1x40xi32, #tpu.memory_space<vmem>>
    %dma_start3A_25 = arith.constant 0 : i32
    %dma_start3A_26 = arith.constant 0 : i32
    %dma_start3A_27 = tpu.memref_slice %arg5[%add3A_12, %dma_start3A_25, %dma_start3A_26] : memref<4000x1x40xi32, #tpu.memory_space<hbm>> -> memref<1x1x40xi32, #tpu.memory_space<hbm>>
    %dma_start3A_28 = tpu.memref_squeeze %dma_start3A_27 : memref<1x1x40xi32, #tpu.memory_space<hbm>> -> memref<1x40xi32, #tpu.memory_space<hbm>>
    tpu.enqueue_dma source(%dma_start3A_28 : memref<1x40xi32, #tpu.memory_space<hbm>>) target(%dma_start3A_24 : memref<1x40xi32, #tpu.memory_space<vmem>>) target_semaphore(%arg13 : memref<!tpu.dma_semaphore, #tpu.memory_space<semaphore_mem>>)
    %add3A_29 = arith.constant 0 : i32
    %add3A_30 = arith.addi %mul3A_2, %add3A_29 : i32
    %dma_start3A_31 = arith.constant 0 : i32
    %dma_start3A_32 = arith.constant 0 : i32
    %dma_start3A_33 = arith.constant 0 : i32
    %dma_start3A_34 = tpu.memref_slice %arg11[%dma_start3A_31, %dma_start3A_32, %dma_start3A_33] : memref<2x40x128xf32, #tpu.memory_space<vmem>> -> memref<1x40x128xf32, #tpu.memory_space<vmem>>
    %dma_start3A_35 = tpu.memref_squeeze %dma_start3A_34 : memref<1x40x128xf32, #tpu.memory_space<vmem>> -> memref<40x128xf32, #tpu.memory_space<vmem>>
    %dma_start3A_36 = arith.constant 0 : i32
    %dma_start3A_37 = tpu.memref_slice %arg3[%add3A_30, %dma_start3A_36] : memref<160000x128xf32, #tpu.memory_space<hbm>> -> memref<40x128xf32, #tpu.memory_space<hbm>>
    %dma_start3A_38 = arith.constant 0 : i32
    %dma_start3A_39 = arith.constant 0 : i32
    %dma_start3A_40 = tpu.memref_slice %arg11[%dma_start3A_31, %dma_start3A_38, %dma_start3A_39] : memref<2x40x128xf32, #tpu.memory_space<vmem>> -> memref<1x40x128xf32, #tpu.memory_space<vmem>>
    %dma_start3A_41 = tpu.memref_squeeze %dma_start3A_40 : memref<1x40x128xf32, #tpu.memory_space<vmem>> -> memref<40x128xf32, #tpu.memory_space<vmem>>
    %dma_start3A_42 = arith.constant 0 : i32
    %dma_start3A_43 = tpu.memref_slice %arg3[%add3A_30, %dma_start3A_42] : memref<160000x128xf32, #tpu.memory_space<hbm>> -> memref<40x128xf32, #tpu.memory_space<hbm>>
    tpu.enqueue_dma source(%dma_start3A_43 : memref<40x128xf32, #tpu.memory_space<hbm>>) target(%dma_start3A_41 : memref<40x128xf32, #tpu.memory_space<vmem>>) target_semaphore(%arg17 : memref<!tpu.dma_semaphore, #tpu.memory_space<semaphore_mem>>)
    %dma_start3A_44 = arith.constant 0 : i32
    %dma_start3A_45 = arith.constant 0 : i32
    %dma_start3A_46 = arith.constant 0 : i32
    %dma_start3A_47 = tpu.memref_slice %arg10[%dma_start3A_44, %dma_start3A_45, %dma_start3A_46] : memref<2x40x128xf32, #tpu.memory_space<vmem>> -> memref<1x40x128xf32, #tpu.memory_space<vmem>>
    %dma_start3A_48 = tpu.memref_squeeze %dma_start3A_47 : memref<1x40x128xf32, #tpu.memory_space<vmem>> -> memref<40x128xf32, #tpu.memory_space<vmem>>
    %dma_start3A_49 = arith.constant 0 : i32
    %dma_start3A_50 = tpu.memref_slice %arg8[%dma_start3A_49] : memref<5000xi32, #tpu.memory_space<vmem>> -> memref<40xi32, #tpu.memory_space<vmem>>
    %dma_start3A_51 = arith.constant 0 : i32
    %dma_start3A_52 = arith.constant 0 : i32
    %dma_start3A_53 = tpu.memref_slice %arg2[%dma_start3A_51, %dma_start3A_52] : memref<10000x128xf32, #tpu.memory_space<hbm>> -> memref<10000x128xf32, #tpu.memory_space<hbm>>
    tpu.enqueue_indirect_dma source(%dma_start3A_53 : memref<10000x128xf32, #tpu.memory_space<hbm>>) target(%dma_start3A_48 : memref<40x128xf32, #tpu.memory_space<vmem>>) offsets(%dma_start3A_50 : memref<40xi32, #tpu.memory_space<vmem>>) semaphore(%arg15 : memref<!tpu.dma_semaphore, #tpu.memory_space<semaphore_mem>>)
    %scan3A = arith.constant 0 : i32
    %scan3A_54 = arith.constant 0 : i32
    %scan3A_55 = arith.constant 62 : i32
    %scan3A_56 = arith.addi %scan3A_54, %scan3A_55 : i32
    %scan3A_57 = arith.constant 1 : i32
    scf.for %scan3A_159 = %scan3A_54 to %scan3A_56 step %scan3A_57  : i32 {
      %mul3A_160 = arith.constant 2 : i32
      %mul3A_161 = arith.muli %mul3A_160, %scan3A_159 : i32
      %add3A_162 = arith.constant 1 : i32
      %add3A_163 = arith.addi %mul3A_161, %add3A_162 : i32
      %ge3A = arith.constant 2 : i32
      %ge3A_164 = arith.cmpi sge, %add3A_163, %ge3A : i32
      %convert_element_type3A_165 = arith.extui %ge3A_164 : i1 to i32
      %cond3A_166 = arith.constant 0 : i32
      %cond3A_167 = arith.cmpi ne, %convert_element_type3A_165, %cond3A_166 : i32
      scf.if %cond3A_167 {
        %dma_wait3A_355 = arith.constant 1 : i32
        %dma_wait3A_356 = arith.constant 1 : i32
        %dma_wait3A_357 = arith.constant 0 : i32
        %dma_wait3A_358 = arith.constant 0 : i32
        %dma_wait3A_359 = arith.constant 0 : i32
        %dma_wait3A_360 = tpu.memref_slice %arg10[%dma_wait3A_355, %dma_wait3A_358, %dma_wait3A_359] : memref<2x40x128xf32, #tpu.memory_space<vmem>> -> memref<1x40x128xf32, #tpu.memory_space<vmem>>
        %dma_wait3A_361 = tpu.memref_squeeze %dma_wait3A_360 : memref<1x40x128xf32, #tpu.memory_space<vmem>> -> memref<40x128xf32, #tpu.memory_space<vmem>>
        %dma_wait3A_362 = arith.constant 0 : i32
        %dma_wait3A_363 = tpu.memref_slice %arg9[%dma_wait3A_356, %dma_wait3A_357, %dma_wait3A_362] : memref<2x1x40xi32, #tpu.memory_space<vmem>> -> memref<1x1x40xi32, #tpu.memory_space<vmem>>
        %dma_wait3A_364 = tpu.memref_squeeze %dma_wait3A_363 : memref<1x1x40xi32, #tpu.memory_space<vmem>> -> memref<40xi32, #tpu.memory_space<vmem>>
        %dma_wait3A_365 = arith.constant 0 : i32
        %dma_wait3A_366 = arith.constant 0 : i32
        %dma_wait3A_367 = tpu.memref_slice %arg12[%dma_wait3A_365, %dma_wait3A_366] : memref<10000x128xf32, #tpu.memory_space<vmem_shared>> -> memref<10000x128xf32, #tpu.memory_space<vmem_shared>>
        tpu.wait_indirect_dma semaphore(%arg20 : memref<!tpu.dma_semaphore, #tpu.memory_space<semaphore_mem>>) src(%dma_wait3A_361 : memref<40x128xf32, #tpu.memory_space<vmem>>) dst(%dma_wait3A_367 : memref<10000x128xf32, #tpu.memory_space<vmem_shared>>)
      } else {
      }
      %mul3A_168 = arith.constant 125 : i32
      %mul3A_169 = arith.muli %add3A, %mul3A_168 : i32
      %add3A_170 = arith.addi %mul3A_169, %add3A_163 : i32
      %dma_start3A_171 = arith.constant 1 : i32
      %dma_start3A_172 = arith.constant 0 : i32
      %dma_start3A_173 = arith.constant 0 : i32
      %dma_start3A_174 = tpu.memref_slice %arg9[%dma_start3A_171, %dma_start3A_172, %dma_start3A_173] : memref<2x1x40xi32, #tpu.memory_space<vmem>> -> memref<1x1x40xi32, #tpu.memory_space<vmem>>
      %dma_start3A_175 = tpu.memref_squeeze %dma_start3A_174 : memref<1x1x40xi32, #tpu.memory_space<vmem>> -> memref<1x40xi32, #tpu.memory_space<vmem>>
      %dma_start3A_176 = arith.constant 0 : i32
      %dma_start3A_177 = arith.constant 0 : i32
      %dma_start3A_178 = tpu.memref_slice %arg5[%add3A_170, %dma_start3A_176, %dma_start3A_177] : memref<4000x1x40xi32, #tpu.memory_space<hbm>> -> memref<1x1x40xi32, #tpu.memory_space<hbm>>
      %dma_start3A_179 = tpu.memref_squeeze %dma_start3A_178 : memref<1x1x40xi32, #tpu.memory_space<hbm>> -> memref<1x40xi32, #tpu.memory_space<hbm>>
      %dma_start3A_180 = arith.constant 0 : i32
      %dma_start3A_181 = arith.constant 0 : i32
      %dma_start3A_182 = tpu.memref_slice %arg9[%dma_start3A_171, %dma_start3A_180, %dma_start3A_181] : memref<2x1x40xi32, #tpu.memory_space<vmem>> -> memref<1x1x40xi32, #tpu.memory_space<vmem>>
      %dma_start3A_183 = tpu.memref_squeeze %dma_start3A_182 : memref<1x1x40xi32, #tpu.memory_space<vmem>> -> memref<1x40xi32, #tpu.memory_space<vmem>>
      %dma_start3A_184 = arith.constant 0 : i32
      %dma_start3A_185 = arith.constant 0 : i32
      %dma_start3A_186 = tpu.memref_slice %arg5[%add3A_170, %dma_start3A_184, %dma_start3A_185] : memref<4000x1x40xi32, #tpu.memory_space<hbm>> -> memref<1x1x40xi32, #tpu.memory_space<hbm>>
      %dma_start3A_187 = tpu.memref_squeeze %dma_start3A_186 : memref<1x1x40xi32, #tpu.memory_space<hbm>> -> memref<1x40xi32, #tpu.memory_space<hbm>>
      tpu.enqueue_dma source(%dma_start3A_187 : memref<1x40xi32, #tpu.memory_space<hbm>>) target(%dma_start3A_183 : memref<1x40xi32, #tpu.memory_space<vmem>>) target_semaphore(%arg14 : memref<!tpu.dma_semaphore, #tpu.memory_space<semaphore_mem>>)
      %mul3A_188 = arith.constant 40 : i32
      %mul3A_189 = arith.muli %add3A_163, %mul3A_188 : i32
      %add3A_190 = arith.addi %mul3A_2, %mul3A_189 : i32
      %dma_start3A_191 = arith.constant 1 : i32
      %dma_start3A_192 = arith.constant 0 : i32
      %dma_start3A_193 = arith.constant 0 : i32
      %dma_start3A_194 = tpu.memref_slice %arg11[%dma_start3A_191, %dma_start3A_192, %dma_start3A_193] : memref<2x40x128xf32, #tpu.memory_space<vmem>> -> memref<1x40x128xf32, #tpu.memory_space<vmem>>
      %dma_start3A_195 = tpu.memref_squeeze %dma_start3A_194 : memref<1x40x128xf32, #tpu.memory_space<vmem>> -> memref<40x128xf32, #tpu.memory_space<vmem>>
      %dma_start3A_196 = arith.constant 0 : i32
      %dma_start3A_197 = tpu.memref_slice %arg3[%add3A_190, %dma_start3A_196] : memref<160000x128xf32, #tpu.memory_space<hbm>> -> memref<40x128xf32, #tpu.memory_space<hbm>>
      %dma_start3A_198 = arith.constant 0 : i32
      %dma_start3A_199 = arith.constant 0 : i32
      %dma_start3A_200 = tpu.memref_slice %arg11[%dma_start3A_191, %dma_start3A_198, %dma_start3A_199] : memref<2x40x128xf32, #tpu.memory_space<vmem>> -> memref<1x40x128xf32, #tpu.memory_space<vmem>>
      %dma_start3A_201 = tpu.memref_squeeze %dma_start3A_200 : memref<1x40x128xf32, #tpu.memory_space<vmem>> -> memref<40x128xf32, #tpu.memory_space<vmem>>
      %dma_start3A_202 = arith.constant 0 : i32
      %dma_start3A_203 = tpu.memref_slice %arg3[%add3A_190, %dma_start3A_202] : memref<160000x128xf32, #tpu.memory_space<hbm>> -> memref<40x128xf32, #tpu.memory_space<hbm>>
      tpu.enqueue_dma source(%dma_start3A_203 : memref<40x128xf32, #tpu.memory_space<hbm>>) target(%dma_start3A_201 : memref<40x128xf32, #tpu.memory_space<vmem>>) target_semaphore(%arg18 : memref<!tpu.dma_semaphore, #tpu.memory_space<semaphore_mem>>)
      %mul3A_204 = arith.constant 40 : i32
      %mul3A_205 = arith.muli %add3A_163, %mul3A_204 : i32
      %dma_start3A_206 = arith.constant 1 : i32
      %dma_start3A_207 = arith.constant 0 : i32
      %dma_start3A_208 = arith.constant 0 : i32
      %dma_start3A_209 = tpu.memref_slice %arg10[%dma_start3A_206, %dma_start3A_207, %dma_start3A_208] : memref<2x40x128xf32, #tpu.memory_space<vmem>> -> memref<1x40x128xf32, #tpu.memory_space<vmem>>
      %dma_start3A_210 = tpu.memref_squeeze %dma_start3A_209 : memref<1x40x128xf32, #tpu.memory_space<vmem>> -> memref<40x128xf32, #tpu.memory_space<vmem>>
      %dma_start3A_211 = tpu.memref_slice %arg8[%mul3A_205] : memref<5000xi32, #tpu.memory_space<vmem>> -> memref<40xi32, #tpu.memory_space<vmem>>
      %dma_start3A_212 = arith.constant 0 : i32
      %dma_start3A_213 = arith.constant 0 : i32
      %dma_start3A_214 = tpu.memref_slice %arg2[%dma_start3A_212, %dma_start3A_213] : memref<10000x128xf32, #tpu.memory_space<hbm>> -> memref<10000x128xf32, #tpu.memory_space<hbm>>
      tpu.enqueue_indirect_dma source(%dma_start3A_214 : memref<10000x128xf32, #tpu.memory_space<hbm>>) target(%dma_start3A_210 : memref<40x128xf32, #tpu.memory_space<vmem>>) offsets(%dma_start3A_211 : memref<40xi32, #tpu.memory_space<vmem>>) semaphore(%arg16 : memref<!tpu.dma_semaphore, #tpu.memory_space<semaphore_mem>>)
      %mul3A_215 = arith.constant 40 : i32
      %mul3A_216 = arith.muli %mul3A_161, %mul3A_215 : i32
      %add3A_217 = arith.addi %mul3A_2, %mul3A_216 : i32
      %dma_wait3A_218 = arith.constant 0 : i32
      %dma_wait3A_219 = arith.constant 0 : i32
      %dma_wait3A_220 = arith.constant 0 : i32
      %dma_wait3A_221 = tpu.memref_slice %arg11[%dma_wait3A_218, %dma_wait3A_219, %dma_wait3A_220] : memref<2x40x128xf32, #tpu.memory_space<vmem>> -> memref<1x40x128xf32, #tpu.memory_space<vmem>>
      %dma_wait3A_222 = tpu.memref_squeeze %dma_wait3A_221 : memref<1x40x128xf32, #tpu.memory_space<vmem>> -> memref<40x128xf32, #tpu.memory_space<vmem>>
      %dma_wait3A_223 = arith.constant 0 : i32
      %dma_wait3A_224 = tpu.memref_slice %arg3[%add3A_217, %dma_wait3A_223] : memref<160000x128xf32, #tpu.memory_space<hbm>> -> memref<40x128xf32, #tpu.memory_space<hbm>>
      %dma_wait3A_225 = arith.constant 0 : i32
      %dma_wait3A_226 = arith.constant 0 : i32
      %dma_wait3A_227 = tpu.memref_slice %arg11[%dma_wait3A_218, %dma_wait3A_225, %dma_wait3A_226] : memref<2x40x128xf32, #tpu.memory_space<vmem>> -> memref<1x40x128xf32, #tpu.memory_space<vmem>>
      %dma_wait3A_228 = tpu.memref_squeeze %dma_wait3A_227 : memref<1x40x128xf32, #tpu.memory_space<vmem>> -> memref<40x128xf32, #tpu.memory_space<vmem>>
      %dma_wait3A_229 = arith.constant 0 : i32
      %dma_wait3A_230 = tpu.memref_slice %arg3[%add3A_217, %dma_wait3A_229] : memref<160000x128xf32, #tpu.memory_space<hbm>> -> memref<40x128xf32, #tpu.memory_space<hbm>>
      tpu.wait_dma2 semaphore(%arg17 : memref<!tpu.dma_semaphore, #tpu.memory_space<semaphore_mem>>) src(%dma_wait3A_230 : memref<40x128xf32, #tpu.memory_space<hbm>>) dst(%dma_wait3A_228 : memref<40x128xf32, #tpu.memory_space<vmem>>)
      %mul3A_231 = arith.constant 40 : i32
      %mul3A_232 = arith.muli %mul3A_161, %mul3A_231 : i32
      %dma_wait3A_233 = arith.constant 0 : i32
      %dma_wait3A_234 = arith.constant 0 : i32
      %dma_wait3A_235 = arith.constant 0 : i32
      %dma_wait3A_236 = tpu.memref_slice %arg10[%dma_wait3A_233, %dma_wait3A_234, %dma_wait3A_235] : memref<2x40x128xf32, #tpu.memory_space<vmem>> -> memref<1x40x128xf32, #tpu.memory_space<vmem>>
      %dma_wait3A_237 = tpu.memref_squeeze %dma_wait3A_236 : memref<1x40x128xf32, #tpu.memory_space<vmem>> -> memref<40x128xf32, #tpu.memory_space<vmem>>
      %dma_wait3A_238 = tpu.memref_slice %arg8[%mul3A_232] : memref<5000xi32, #tpu.memory_space<vmem>> -> memref<40xi32, #tpu.memory_space<vmem>>
      %dma_wait3A_239 = arith.constant 0 : i32
      %dma_wait3A_240 = arith.constant 0 : i32
      %dma_wait3A_241 = tpu.memref_slice %arg2[%dma_wait3A_239, %dma_wait3A_240] : memref<10000x128xf32, #tpu.memory_space<hbm>> -> memref<10000x128xf32, #tpu.memory_space<hbm>>
      tpu.wait_indirect_dma semaphore(%arg15 : memref<!tpu.dma_semaphore, #tpu.memory_space<semaphore_mem>>) src(%dma_wait3A_241 : memref<10000x128xf32, #tpu.memory_space<hbm>>) dst(%dma_wait3A_237 : memref<40x128xf32, #tpu.memory_space<vmem>>)
      %scan3A_242 = arith.constant 0 : i32
      %scan3A_243 = arith.constant 0 : i32
      %scan3A_244 = arith.constant 40 : i32
      %scan3A_245 = arith.addi %scan3A_243, %scan3A_244 : i32
      %scan3A_246 = arith.constant 1 : i32
      scf.for %scan3A_355 = %scan3A_243 to %scan3A_245 step %scan3A_246  : i32 {
        %get3A = arith.constant 0 : i32
        %get3A_356 = arith.index_cast %get3A : i32 to index
        %get3A_357 = arith.index_cast %scan3A_355 : i32 to index
        %get3A_358 = arith.constant 0 : index
        %get3A_359 = tpu.vector_load %arg10[%get3A_356, %get3A_357, %get3A_358] {strides = array<i32>} : memref<2x40x128xf32, #tpu.memory_space<vmem>>, vector<1x1x16xf32>,
        %get3A_360 = vector.shape_cast %get3A_359 : vector<1x1x16xf32> to vector<16xf32>
        %get3A_361 = arith.constant 0 : i32
        %get3A_362 = arith.index_cast %get3A_361 : i32 to index
        %get3A_363 = arith.index_cast %scan3A_355 : i32 to index
        %get3A_364 = arith.constant 0 : index
        %get3A_365 = tpu.vector_load %arg11[%get3A_362, %get3A_363, %get3A_364] {strides = array<i32>} : memref<2x40x128xf32, #tpu.memory_space<vmem>>, vector<1x1x16xf32>,
        %get3A_366 = vector.shape_cast %get3A_365 : vector<1x1x16xf32> to vector<16xf32>
        %mul3A_367 = arith.mulf %get3A_360, %get3A_366 : vector<16xf32>
        %swap3A = arith.constant 0 : i32
        %swap3A_368 = arith.index_cast %swap3A : i32 to index
        %swap3A_369 = arith.index_cast %scan3A_355 : i32 to index
        %swap3A_370 = arith.constant 0 : index
        %swap3A_371 = tpu.vector_load %arg10[%swap3A_368, %swap3A_369, %swap3A_370] {strides = array<i32>} : memref<2x40x128xf32, #tpu.memory_space<vmem>>, vector<1x1x16xf32>,
        %swap3A_372 = vector.shape_cast %swap3A_371 : vector<1x1x16xf32> to vector<16xf32>
        %swap3A_373 = vector.shape_cast %mul3A_367 : vector<16xf32> to vector<1x1x16xf32>
        tpu.vector_store %arg10[%swap3A_368, %swap3A_369, %swap3A_370], %swap3A_373 {strides = array<i32>} : memref<2x40x128xf32, #tpu.memory_space<vmem>>, vector<1x1x16xf32>,
        %get3A_374 = arith.constant 0 : i32
        %get3A_375 = arith.index_cast %get3A_374 : i32 to index
        %get3A_376 = arith.index_cast %scan3A_355 : i32 to index
        %get3A_377 = arith.constant 16 : index
        %get3A_378 = tpu.vector_load %arg10[%get3A_375, %get3A_376, %get3A_377] {strides = array<i32>} : memref<2x40x128xf32, #tpu.memory_space<vmem>>, vector<1x1x16xf32>,
        %get3A_379 = vector.shape_cast %get3A_378 : vector<1x1x16xf32> to vector<16xf32>
        %get3A_380 = arith.constant 0 : i32
        %get3A_381 = arith.index_cast %get3A_380 : i32 to index
        %get3A_382 = arith.index_cast %scan3A_355 : i32 to index
        %get3A_383 = arith.constant 16 : index
        %get3A_384 = tpu.vector_load %arg11[%get3A_381, %get3A_382, %get3A_383] {strides = array<i32>} : memref<2x40x128xf32, #tpu.memory_space<vmem>>, vector<1x1x16xf32>,
        %get3A_385 = vector.shape_cast %get3A_384 : vector<1x1x16xf32> to vector<16xf32>
        %mul3A_386 = arith.mulf %get3A_379, %get3A_385 : vector<16xf32>
        %swap3A_387 = arith.constant 0 : i32
        %swap3A_388 = arith.index_cast %swap3A_387 : i32 to index
        %swap3A_389 = arith.index_cast %scan3A_355 : i32 to index
        %swap3A_390 = arith.constant 16 : index
        %swap3A_391 = tpu.vector_load %arg10[%swap3A_388, %swap3A_389, %swap3A_390] {strides = array<i32>} : memref<2x40x128xf32, #tpu.memory_space<vmem>>, vector<1x1x16xf32>,
        %swap3A_392 = vector.shape_cast %swap3A_391 : vector<1x1x16xf32> to vector<16xf32>
        %swap3A_393 = vector.shape_cast %mul3A_386 : vector<16xf32> to vector<1x1x16xf32>
        tpu.vector_store %arg10[%swap3A_388, %swap3A_389, %swap3A_390], %swap3A_393 {strides = array<i32>} : memref<2x40x128xf32, #tpu.memory_space<vmem>>, vector<1x1x16xf32>,
        %get3A_394 = arith.constant 0 : i32
        %get3A_395 = arith.index_cast %get3A_394 : i32 to index
        %get3A_396 = arith.index_cast %scan3A_355 : i32 to index
        %get3A_397 = arith.constant 32 : index
        %get3A_398 = tpu.vector_load %arg10[%get3A_395, %get3A_396, %get3A_397] {strides = array<i32>} : memref<2x40x128xf32, #tpu.memory_space<vmem>>, vector<1x1x16xf32>,
        %get3A_399 = vector.shape_cast %get3A_398 : vector<1x1x16xf32> to vector<16xf32>
        %get3A_400 = arith.constant 0 : i32
        %get3A_401 = arith.index_cast %get3A_400 : i32 to index
        %get3A_402 = arith.index_cast %scan3A_355 : i32 to index
        %get3A_403 = arith.constant 32 : index
        %get3A_404 = tpu.vector_load %arg11[%get3A_401, %get3A_402, %get3A_403] {strides = array<i32>} : memref<2x40x128xf32, #tpu.memory_space<vmem>>, vector<1x1x16xf32>,
        %get3A_405 = vector.shape_cast %get3A_404 : vector<1x1x16xf32> to vector<16xf32>
        %mul3A_406 = arith.mulf %get3A_399, %get3A_405 : vector<16xf32>
        %swap3A_407 = arith.constant 0 : i32
        %swap3A_408 = arith.index_cast %swap3A_407 : i32 to index
        %swap3A_409 = arith.index_cast %scan3A_355 : i32 to index
        %swap3A_410 = arith.constant 32 : index
        %swap3A_411 = tpu.vector_load %arg10[%swap3A_408, %swap3A_409, %swap3A_410] {strides = array<i32>} : memref<2x40x128xf32, #tpu.memory_space<vmem>>, vector<1x1x16xf32>,
        %swap3A_412 = vector.shape_cast %swap3A_411 : vector<1x1x16xf32> to vector<16xf32>
        %swap3A_413 = vector.shape_cast %mul3A_406 : vector<16xf32> to vector<1x1x16xf32>
        tpu.vector_store %arg10[%swap3A_408, %swap3A_409, %swap3A_410], %swap3A_413 {strides = array<i32>} : memref<2x40x128xf32, #tpu.memory_space<vmem>>, vector<1x1x16xf32>,
        %get3A_414 = arith.constant 0 : i32
        %get3A_415 = arith.index_cast %get3A_414 : i32 to index
        %get3A_416 = arith.index_cast %scan3A_355 : i32 to index
        %get3A_417 = arith.constant 48 : index
        %get3A_418 = tpu.vector_load %arg10[%get3A_415, %get3A_416, %get3A_417] {strides = array<i32>} : memref<2x40x128xf32, #tpu.memory_space<vmem>>, vector<1x1x16xf32>,
        %get3A_419 = vector.shape_cast %get3A_418 : vector<1x1x16xf32> to vector<16xf32>
        %get3A_420 = arith.constant 0 : i32
        %get3A_421 = arith.index_cast %get3A_420 : i32 to index
        %get3A_422 = arith.index_cast %scan3A_355 : i32 to index
        %get3A_423 = arith.constant 48 : index
        %get3A_424 = tpu.vector_load %arg11[%get3A_421, %get3A_422, %get3A_423] {strides = array<i32>} : memref<2x40x128xf32, #tpu.memory_space<vmem>>, vector<1x1x16xf32>,
        %get3A_425 = vector.shape_cast %get3A_424 : vector<1x1x16xf32> to vector<16xf32>
        %mul3A_426 = arith.mulf %get3A_419, %get3A_425 : vector<16xf32>
        %swap3A_427 = arith.constant 0 : i32
        %swap3A_428 = arith.index_cast %swap3A_427 : i32 to index
        %swap3A_429 = arith.index_cast %scan3A_355 : i32 to index
        %swap3A_430 = arith.constant 48 : index
        %swap3A_431 = tpu.vector_load %arg10[%swap3A_428, %swap3A_429, %swap3A_430] {strides = array<i32>} : memref<2x40x128xf32, #tpu.memory_space<vmem>>, vector<1x1x16xf32>,
        %swap3A_432 = vector.shape_cast %swap3A_431 : vector<1x1x16xf32> to vector<16xf32>
        %swap3A_433 = vector.shape_cast %mul3A_426 : vector<16xf32> to vector<1x1x16xf32>
        tpu.vector_store %arg10[%swap3A_428, %swap3A_429, %swap3A_430], %swap3A_433 {strides = array<i32>} : memref<2x40x128xf32, #tpu.memory_space<vmem>>, vector<1x1x16xf32>,
        %get3A_434 = arith.constant 0 : i32
        %get3A_435 = arith.index_cast %get3A_434 : i32 to index
        %get3A_436 = arith.index_cast %scan3A_355 : i32 to index
        %get3A_437 = arith.constant 64 : index
        %get3A_438 = tpu.vector_load %arg10[%get3A_435, %get3A_436, %get3A_437] {strides = array<i32>} : memref<2x40x128xf32, #tpu.memory_space<vmem>>, vector<1x1x16xf32>,
        %get3A_439 = vector.shape_cast %get3A_438 : vector<1x1x16xf32> to vector<16xf32>
        %get3A_440 = arith.constant 0 : i32
        %get3A_441 = arith.index_cast %get3A_440 : i32 to index
        %get3A_442 = arith.index_cast %scan3A_355 : i32 to index
        %get3A_443 = arith.constant 64 : index
        %get3A_444 = tpu.vector_load %arg11[%get3A_441, %get3A_442, %get3A_443] {strides = array<i32>} : memref<2x40x128xf32, #tpu.memory_space<vmem>>, vector<1x1x16xf32>,
        %get3A_445 = vector.shape_cast %get3A_444 : vector<1x1x16xf32> to vector<16xf32>
        %mul3A_446 = arith.mulf %get3A_439, %get3A_445 : vector<16xf32>
        %swap3A_447 = arith.constant 0 : i32
        %swap3A_448 = arith.index_cast %swap3A_447 : i32 to index
        %swap3A_449 = arith.index_cast %scan3A_355 : i32 to index
        %swap3A_450 = arith.constant 64 : index
        %swap3A_451 = tpu.vector_load %arg10[%swap3A_448, %swap3A_449, %swap3A_450] {strides = array<i32>} : memref<2x40x128xf32, #tpu.memory_space<vmem>>, vector<1x1x16xf32>,
        %swap3A_452 = vector.shape_cast %swap3A_451 : vector<1x1x16xf32> to vector<16xf32>
        %swap3A_453 = vector.shape_cast %mul3A_446 : vector<16xf32> to vector<1x1x16xf32>
        tpu.vector_store %arg10[%swap3A_448, %swap3A_449, %swap3A_450], %swap3A_453 {strides = array<i32>} : memref<2x40x128xf32, #tpu.memory_space<vmem>>, vector<1x1x16xf32>,
        %get3A_454 = arith.constant 0 : i32
        %get3A_455 = arith.index_cast %get3A_454 : i32 to index
        %get3A_456 = arith.index_cast %scan3A_355 : i32 to index
        %get3A_457 = arith.constant 80 : index
        %get3A_458 = tpu.vector_load %arg10[%get3A_455, %get3A_456, %get3A_457] {strides = array<i32>} : memref<2x40x128xf32, #tpu.memory_space<vmem>>, vector<1x1x16xf32>,
        %get3A_459 = vector.shape_cast %get3A_458 : vector<1x1x16xf32> to vector<16xf32>
        %get3A_460 = arith.constant 0 : i32
        %get3A_461 = arith.index_cast %get3A_460 : i32 to index
        %get3A_462 = arith.index_cast %scan3A_355 : i32 to index
        %get3A_463 = arith.constant 80 : index
        %get3A_464 = tpu.vector_load %arg11[%get3A_461, %get3A_462, %get3A_463] {strides = array<i32>} : memref<2x40x128xf32, #tpu.memory_space<vmem>>, vector<1x1x16xf32>,
        %get3A_465 = vector.shape_cast %get3A_464 : vector<1x1x16xf32> to vector<16xf32>
        %mul3A_466 = arith.mulf %get3A_459, %get3A_465 : vector<16xf32>
        %swap3A_467 = arith.constant 0 : i32
        %swap3A_468 = arith.index_cast %swap3A_467 : i32 to index
        %swap3A_469 = arith.index_cast %scan3A_355 : i32 to index
        %swap3A_470 = arith.constant 80 : index
        %swap3A_471 = tpu.vector_load %arg10[%swap3A_468, %swap3A_469, %swap3A_470] {strides = array<i32>} : memref<2x40x128xf32, #tpu.memory_space<vmem>>, vector<1x1x16xf32>,
        %swap3A_472 = vector.shape_cast %swap3A_471 : vector<1x1x16xf32> to vector<16xf32>
        %swap3A_473 = vector.shape_cast %mul3A_466 : vector<16xf32> to vector<1x1x16xf32>
        tpu.vector_store %arg10[%swap3A_468, %swap3A_469, %swap3A_470], %swap3A_473 {strides = array<i32>} : memref<2x40x128xf32, #tpu.memory_space<vmem>>, vector<1x1x16xf32>,
        %get3A_474 = arith.constant 0 : i32
        %get3A_475 = arith.index_cast %get3A_474 : i32 to index
        %get3A_476 = arith.index_cast %scan3A_355 : i32 to index
        %get3A_477 = arith.constant 96 : index
        %get3A_478 = tpu.vector_load %arg10[%get3A_475, %get3A_476, %get3A_477] {strides = array<i32>} : memref<2x40x128xf32, #tpu.memory_space<vmem>>, vector<1x1x16xf32>,
        %get3A_479 = vector.shape_cast %get3A_478 : vector<1x1x16xf32> to vector<16xf32>
        %get3A_480 = arith.constant 0 : i32
        %get3A_481 = arith.index_cast %get3A_480 : i32 to index
        %get3A_482 = arith.index_cast %scan3A_355 : i32 to index
        %get3A_483 = arith.constant 96 : index
        %get3A_484 = tpu.vector_load %arg11[%get3A_481, %get3A_482, %get3A_483] {strides = array<i32>} : memref<2x40x128xf32, #tpu.memory_space<vmem>>, vector<1x1x16xf32>,
        %get3A_485 = vector.shape_cast %get3A_484 : vector<1x1x16xf32> to vector<16xf32>
        %mul3A_486 = arith.mulf %get3A_479, %get3A_485 : vector<16xf32>
        %swap3A_487 = arith.constant 0 : i32
        %swap3A_488 = arith.index_cast %swap3A_487 : i32 to index
        %swap3A_489 = arith.index_cast %scan3A_355 : i32 to index
        %swap3A_490 = arith.constant 96 : index
        %swap3A_491 = tpu.vector_load %arg10[%swap3A_488, %swap3A_489, %swap3A_490] {strides = array<i32>} : memref<2x40x128xf32, #tpu.memory_space<vmem>>, vector<1x1x16xf32>,
        %swap3A_492 = vector.shape_cast %swap3A_491 : vector<1x1x16xf32> to vector<16xf32>
        %swap3A_493 = vector.shape_cast %mul3A_486 : vector<16xf32> to vector<1x1x16xf32>
        tpu.vector_store %arg10[%swap3A_488, %swap3A_489, %swap3A_490], %swap3A_493 {strides = array<i32>} : memref<2x40x128xf32, #tpu.memory_space<vmem>>, vector<1x1x16xf32>,
        %get3A_494 = arith.constant 0 : i32
        %get3A_495 = arith.index_cast %get3A_494 : i32 to index
        %get3A_496 = arith.index_cast %scan3A_355 : i32 to index
        %get3A_497 = arith.constant 112 : index
        %get3A_498 = tpu.vector_load %arg10[%get3A_495, %get3A_496, %get3A_497] {strides = array<i32>} : memref<2x40x128xf32, #tpu.memory_space<vmem>>, vector<1x1x16xf32>,
        %get3A_499 = vector.shape_cast %get3A_498 : vector<1x1x16xf32> to vector<16xf32>
        %get3A_500 = arith.constant 0 : i32
        %get3A_501 = arith.index_cast %get3A_500 : i32 to index
        %get3A_502 = arith.index_cast %scan3A_355 : i32 to index
        %get3A_503 = arith.constant 112 : index
        %get3A_504 = tpu.vector_load %arg11[%get3A_501, %get3A_502, %get3A_503] {strides = array<i32>} : memref<2x40x128xf32, #tpu.memory_space<vmem>>, vector<1x1x16xf32>,
        %get3A_505 = vector.shape_cast %get3A_504 : vector<1x1x16xf32> to vector<16xf32>
        %mul3A_506 = arith.mulf %get3A_499, %get3A_505 : vector<16xf32>
        %swap3A_507 = arith.constant 0 : i32
        %swap3A_508 = arith.index_cast %swap3A_507 : i32 to index
        %swap3A_509 = arith.index_cast %scan3A_355 : i32 to index
        %swap3A_510 = arith.constant 112 : index
        %swap3A_511 = tpu.vector_load %arg10[%swap3A_508, %swap3A_509, %swap3A_510] {strides = array<i32>} : memref<2x40x128xf32, #tpu.memory_space<vmem>>, vector<1x1x16xf32>,
        %swap3A_512 = vector.shape_cast %swap3A_511 : vector<1x1x16xf32> to vector<16xf32>
        %swap3A_513 = vector.shape_cast %mul3A_506 : vector<16xf32> to vector<1x1x16xf32>
        tpu.vector_store %arg10[%swap3A_508, %swap3A_509, %swap3A_510], %swap3A_513 {strides = array<i32>} : memref<2x40x128xf32, #tpu.memory_space<vmem>>, vector<1x1x16xf32>,
      }
      %scan3A_247 = arith.constant 40 : i32
      %mul3A_248 = arith.constant 125 : i32
      %mul3A_249 = arith.muli %add3A, %mul3A_248 : i32
      %add3A_250 = arith.addi %mul3A_249, %mul3A_161 : i32
      %dma_wait3A_251 = arith.constant 0 : i32
      %dma_wait3A_252 = arith.constant 0 : i32
      %dma_wait3A_253 = arith.constant 0 : i32
      %dma_wait3A_254 = tpu.memref_slice %arg9[%dma_wait3A_251, %dma_wait3A_252, %dma_wait3A_253] : memref<2x1x40xi32, #tpu.memory_space<vmem>> -> memref<1x1x40xi32, #tpu.memory_space<vmem>>
      %dma_wait3A_255 = tpu.memref_squeeze %dma_wait3A_254 : memref<1x1x40xi32, #tpu.memory_space<vmem>> -> memref<1x40xi32, #tpu.memory_space<vmem>>
      %dma_wait3A_256 = arith.constant 0 : i32
      %dma_wait3A_257 = arith.constant 0 : i32
      %dma_wait3A_258 = tpu.memref_slice %arg5[%add3A_250, %dma_wait3A_256, %dma_wait3A_257] : memref<4000x1x40xi32, #tpu.memory_space<hbm>> -> memref<1x1x40xi32, #tpu.memory_space<hbm>>
      %dma_wait3A_259 = tpu.memref_squeeze %dma_wait3A_258 : memref<1x1x40xi32, #tpu.memory_space<hbm>> -> memref<1x40xi32, #tpu.memory_space<hbm>>
      %dma_wait3A_260 = arith.constant 0 : i32
      %dma_wait3A_261 = arith.constant 0 : i32
      %dma_wait3A_262 = tpu.memref_slice %arg9[%dma_wait3A_251, %dma_wait3A_260, %dma_wait3A_261] : memref<2x1x40xi32, #tpu.memory_space<vmem>> -> memref<1x1x40xi32, #tpu.memory_space<vmem>>
      %dma_wait3A_263 = tpu.memref_squeeze %dma_wait3A_262 : memref<1x1x40xi32, #tpu.memory_space<vmem>> -> memref<1x40xi32, #tpu.memory_space<vmem>>
      %dma_wait3A_264 = arith.constant 0 : i32
      %dma_wait3A_265 = arith.constant 0 : i32
      %dma_wait3A_266 = tpu.memref_slice %arg5[%add3A_250, %dma_wait3A_264, %dma_wait3A_265] : memref<4000x1x40xi32, #tpu.memory_space<hbm>> -> memref<1x1x40xi32, #tpu.memory_space<hbm>>
      %dma_wait3A_267 = tpu.memref_squeeze %dma_wait3A_266 : memref<1x1x40xi32, #tpu.memory_space<hbm>> -> memref<1x40xi32, #tpu.memory_space<hbm>>
      tpu.wait_dma2 semaphore(%arg13 : memref<!tpu.dma_semaphore, #tpu.memory_space<semaphore_mem>>) src(%dma_wait3A_267 : memref<1x40xi32, #tpu.memory_space<hbm>>) dst(%dma_wait3A_263 : memref<1x40xi32, #tpu.memory_space<vmem>>)
      %dma_start3A_268 = arith.constant 0 : i32
      %dma_start3A_269 = arith.constant 0 : i32
      %dma_start3A_270 = arith.constant 0 : i32
      %dma_start3A_271 = arith.constant 0 : i32
      %dma_start3A_272 = arith.constant 0 : i32
      %dma_start3A_273 = tpu.memref_slice %arg10[%dma_start3A_268, %dma_start3A_271, %dma_start3A_272] : memref<2x40x128xf32, #tpu.memory_space<vmem>> -> memref<1x40x128xf32, #tpu.memory_space<vmem>>
      %dma_start3A_274 = tpu.memref_squeeze %dma_start3A_273 : memref<1x40x128xf32, #tpu.memory_space<vmem>> -> memref<40x128xf32, #tpu.memory_space<vmem>>
      %dma_start3A_275 = arith.constant 0 : i32
      %dma_start3A_276 = tpu.memref_slice %arg9[%dma_start3A_269, %dma_start3A_270, %dma_start3A_275] : memref<2x1x40xi32, #tpu.memory_space<vmem>> -> memref<1x1x40xi32, #tpu.memory_space<vmem>>
      %dma_start3A_277 = tpu.memref_squeeze %dma_start3A_276 : memref<1x1x40xi32, #tpu.memory_space<vmem>> -> memref<40xi32, #tpu.memory_space<vmem>>
      %dma_start3A_278 = arith.constant 0 : i32
      %dma_start3A_279 = arith.constant 0 : i32
      %dma_start3A_280 = tpu.memref_slice %arg12[%dma_start3A_278, %dma_start3A_279] : memref<10000x128xf32, #tpu.memory_space<vmem_shared>> -> memref<10000x128xf32, #tpu.memory_space<vmem_shared>>
      tpu.enqueue_indirect_dma source(%dma_start3A_274 : memref<40x128xf32, #tpu.memory_space<vmem>>) target(%dma_start3A_280 : memref<10000x128xf32, #tpu.memory_space<vmem_shared>>) offsets(%dma_start3A_277 : memref<40xi32, #tpu.memory_space<vmem>>) semaphore(%arg19 : memref<!tpu.dma_semaphore, #tpu.memory_space<semaphore_mem>>) {add = true}
      %add3A_281 = arith.constant 2 : i32
      %add3A_282 = arith.addi %mul3A_161, %add3A_281 : i32
      %lt3A = arith.constant 125 : i32
      %lt3A_283 = arith.cmpi slt, %add3A_282, %lt3A : i32
      %convert_element_type3A_284 = arith.extui %lt3A_283 : i1 to i32
      %cond3A_285 = arith.constant 0 : i32
      %cond3A_286 = arith.cmpi ne, %convert_element_type3A_284, %cond3A_285 : i32
      scf.if %cond3A_286 {
        %add3A_355 = arith.constant 2 : i32
        %add3A_356 = arith.addi %mul3A_161, %add3A_355 : i32
        %ge3A_357 = arith.constant 2 : i32
        %ge3A_358 = arith.cmpi sge, %add3A_356, %ge3A_357 : i32
        %convert_element_type3A_359 = arith.extui %ge3A_358 : i1 to i32
        %cond3A_360 = arith.constant 0 : i32
        %cond3A_361 = arith.cmpi ne, %convert_element_type3A_359, %cond3A_360 : i32
        scf.if %cond3A_361 {
          %dma_wait3A_409 = arith.constant 0 : i32
          %dma_wait3A_410 = arith.constant 0 : i32
          %dma_wait3A_411 = arith.constant 0 : i32
          %dma_wait3A_412 = arith.constant 0 : i32
          %dma_wait3A_413 = arith.constant 0 : i32
          %dma_wait3A_414 = tpu.memref_slice %arg10[%dma_wait3A_409, %dma_wait3A_412, %dma_wait3A_413] : memref<2x40x128xf32, #tpu.memory_space<vmem>> -> memref<1x40x128xf32, #tpu.memory_space<vmem>>
          %dma_wait3A_415 = tpu.memref_squeeze %dma_wait3A_414 : memref<1x40x128xf32, #tpu.memory_space<vmem>> -> memref<40x128xf32, #tpu.memory_space<vmem>>
          %dma_wait3A_416 = arith.constant 0 : i32
          %dma_wait3A_417 = tpu.memref_slice %arg9[%dma_wait3A_410, %dma_wait3A_411, %dma_wait3A_416] : memref<2x1x40xi32, #tpu.memory_space<vmem>> -> memref<1x1x40xi32, #tpu.memory_space<vmem>>
          %dma_wait3A_418 = tpu.memref_squeeze %dma_wait3A_417 : memref<1x1x40xi32, #tpu.memory_space<vmem>> -> memref<40xi32, #tpu.memory_space<vmem>>
          %dma_wait3A_419 = arith.constant 0 : i32
          %dma_wait3A_420 = arith.constant 0 : i32
          %dma_wait3A_421 = tpu.memref_slice %arg12[%dma_wait3A_419, %dma_wait3A_420] : memref<10000x128xf32, #tpu.memory_space<vmem_shared>> -> memref<10000x128xf32, #tpu.memory_space<vmem_shared>>
          tpu.wait_indirect_dma semaphore(%arg19 : memref<!tpu.dma_semaphore, #tpu.memory_space<semaphore_mem>>) src(%dma_wait3A_415 : memref<40x128xf32, #tpu.memory_space<vmem>>) dst(%dma_wait3A_421 : memref<10000x128xf32, #tpu.memory_space<vmem_shared>>)
        } else {
        }
        %mul3A_362 = arith.constant 125 : i32
        %mul3A_363 = arith.muli %add3A, %mul3A_362 : i32
        %add3A_364 = arith.addi %mul3A_363, %add3A_356 : i32
        %dma_start3A_365 = arith.constant 0 : i32
        %dma_start3A_366 = arith.constant 0 : i32
        %dma_start3A_367 = arith.constant 0 : i32
        %dma_start3A_368 = tpu.memref_slice %arg9[%dma_start3A_365, %dma_start3A_366, %dma_start3A_367] : memref<2x1x40xi32, #tpu.memory_space<vmem>> -> memref<1x1x40xi32, #tpu.memory_space<vmem>>
        %dma_start3A_369 = tpu.memref_squeeze %dma_start3A_368 : memref<1x1x40xi32, #tpu.memory_space<vmem>> -> memref<1x40xi32, #tpu.memory_space<vmem>>
        %dma_start3A_370 = arith.constant 0 : i32
        %dma_start3A_371 = arith.constant 0 : i32
        %dma_start3A_372 = tpu.memref_slice %arg5[%add3A_364, %dma_start3A_370, %dma_start3A_371] : memref<4000x1x40xi32, #tpu.memory_space<hbm>> -> memref<1x1x40xi32, #tpu.memory_space<hbm>>
        %dma_start3A_373 = tpu.memref_squeeze %dma_start3A_372 : memref<1x1x40xi32, #tpu.memory_space<hbm>> -> memref<1x40xi32, #tpu.memory_space<hbm>>
        %dma_start3A_374 = arith.constant 0 : i32
        %dma_start3A_375 = arith.constant 0 : i32
        %dma_start3A_376 = tpu.memref_slice %arg9[%dma_start3A_365, %dma_start3A_374, %dma_start3A_375] : memref<2x1x40xi32, #tpu.memory_space<vmem>> -> memref<1x1x40xi32, #tpu.memory_space<vmem>>
        %dma_start3A_377 = tpu.memref_squeeze %dma_start3A_376 : memref<1x1x40xi32, #tpu.memory_space<vmem>> -> memref<1x40xi32, #tpu.memory_space<vmem>>
        %dma_start3A_378 = arith.constant 0 : i32
        %dma_start3A_379 = arith.constant 0 : i32
        %dma_start3A_380 = tpu.memref_slice %arg5[%add3A_364, %dma_start3A_378, %dma_start3A_379] : memref<4000x1x40xi32, #tpu.memory_space<hbm>> -> memref<1x1x40xi32, #tpu.memory_space<hbm>>
        %dma_start3A_381 = tpu.memref_squeeze %dma_start3A_380 : memref<1x1x40xi32, #tpu.memory_space<hbm>> -> memref<1x40xi32, #tpu.memory_space<hbm>>
        tpu.enqueue_dma source(%dma_start3A_381 : memref<1x40xi32, #tpu.memory_space<hbm>>) target(%dma_start3A_377 : memref<1x40xi32, #tpu.memory_space<vmem>>) target_semaphore(%arg13 : memref<!tpu.dma_semaphore, #tpu.memory_space<semaphore_mem>>)
        %mul3A_382 = arith.constant 40 : i32
        %mul3A_383 = arith.muli %add3A_356, %mul3A_382 : i32
        %add3A_384 = arith.addi %mul3A_2, %mul3A_383 : i32
        %dma_start3A_385 = arith.constant 0 : i32
        %dma_start3A_386 = arith.constant 0 : i32
        %dma_start3A_387 = arith.constant 0 : i32
        %dma_start3A_388 = tpu.memref_slice %arg11[%dma_start3A_385, %dma_start3A_386, %dma_start3A_387] : memref<2x40x128xf32, #tpu.memory_space<vmem>> -> memref<1x40x128xf32, #tpu.memory_space<vmem>>
        %dma_start3A_389 = tpu.memref_squeeze %dma_start3A_388 : memref<1x40x128xf32, #tpu.memory_space<vmem>> -> memref<40x128xf32, #tpu.memory_space<vmem>>
        %dma_start3A_390 = arith.constant 0 : i32
        %dma_start3A_391 = tpu.memref_slice %arg3[%add3A_384, %dma_start3A_390] : memref<160000x128xf32, #tpu.memory_space<hbm>> -> memref<40x128xf32, #tpu.memory_space<hbm>>
        %dma_start3A_392 = arith.constant 0 : i32
        %dma_start3A_393 = arith.constant 0 : i32
        %dma_start3A_394 = tpu.memref_slice %arg11[%dma_start3A_385, %dma_start3A_392, %dma_start3A_393] : memref<2x40x128xf32, #tpu.memory_space<vmem>> -> memref<1x40x128xf32, #tpu.memory_space<vmem>>
        %dma_start3A_395 = tpu.memref_squeeze %dma_start3A_394 : memref<1x40x128xf32, #tpu.memory_space<vmem>> -> memref<40x128xf32, #tpu.memory_space<vmem>>
        %dma_start3A_396 = arith.constant 0 : i32
        %dma_start3A_397 = tpu.memref_slice %arg3[%add3A_384, %dma_start3A_396] : memref<160000x128xf32, #tpu.memory_space<hbm>> -> memref<40x128xf32, #tpu.memory_space<hbm>>
        tpu.enqueue_dma source(%dma_start3A_397 : memref<40x128xf32, #tpu.memory_space<hbm>>) target(%dma_start3A_395 : memref<40x128xf32, #tpu.memory_space<vmem>>) target_semaphore(%arg17 : memref<!tpu.dma_semaphore, #tpu.memory_space<semaphore_mem>>)
        %mul3A_398 = arith.constant 40 : i32
        %mul3A_399 = arith.muli %add3A_356, %mul3A_398 : i32
        %dma_start3A_400 = arith.constant 0 : i32
        %dma_start3A_401 = arith.constant 0 : i32
        %dma_start3A_402 = arith.constant 0 : i32
        %dma_start3A_403 = tpu.memref_slice %arg10[%dma_start3A_400, %dma_start3A_401, %dma_start3A_402] : memref<2x40x128xf32, #tpu.memory_space<vmem>> -> memref<1x40x128xf32, #tpu.memory_space<vmem>>
        %dma_start3A_404 = tpu.memref_squeeze %dma_start3A_403 : memref<1x40x128xf32, #tpu.memory_space<vmem>> -> memref<40x128xf32, #tpu.memory_space<vmem>>
        %dma_start3A_405 = tpu.memref_slice %arg8[%mul3A_399] : memref<5000xi32, #tpu.memory_space<vmem>> -> memref<40xi32, #tpu.memory_space<vmem>>
        %dma_start3A_406 = arith.constant 0 : i32
        %dma_start3A_407 = arith.constant 0 : i32
        %dma_start3A_408 = tpu.memref_slice %arg2[%dma_start3A_406, %dma_start3A_407] : memref<10000x128xf32, #tpu.memory_space<hbm>> -> memref<10000x128xf32, #tpu.memory_space<hbm>>
        tpu.enqueue_indirect_dma source(%dma_start3A_408 : memref<10000x128xf32, #tpu.memory_space<hbm>>) target(%dma_start3A_404 : memref<40x128xf32, #tpu.memory_space<vmem>>) offsets(%dma_start3A_405 : memref<40xi32, #tpu.memory_space<vmem>>) semaphore(%arg15 : memref<!tpu.dma_semaphore, #tpu.memory_space<semaphore_mem>>)
      } else {
      }
      %add3A_287 = arith.constant 1 : i32
      %add3A_288 = arith.addi %mul3A_161, %add3A_287 : i32
      %mul3A_289 = arith.constant 40 : i32
      %mul3A_290 = arith.muli %add3A_288, %mul3A_289 : i32
      %add3A_291 = arith.addi %mul3A_2, %mul3A_290 : i32
      %dma_wait3A_292 = arith.constant 1 : i32
      %dma_wait3A_293 = arith.constant 0 : i32
      %dma_wait3A_294 = arith.constant 0 : i32
      %dma_wait3A_295 = tpu.memref_slice %arg11[%dma_wait3A_292, %dma_wait3A_293, %dma_wait3A_294] : memref<2x40x128xf32, #tpu.memory_space<vmem>> -> memref<1x40x128xf32, #tpu.memory_space<vmem>>
      %dma_wait3A_296 = tpu.memref_squeeze %dma_wait3A_295 : memref<1x40x128xf32, #tpu.memory_space<vmem>> -> memref<40x128xf32, #tpu.memory_space<vmem>>
      %dma_wait3A_297 = arith.constant 0 : i32
      %dma_wait3A_298 = tpu.memref_slice %arg3[%add3A_291, %dma_wait3A_297] : memref<160000x128xf32, #tpu.memory_space<hbm>> -> memref<40x128xf32, #tpu.memory_space<hbm>>
      %dma_wait3A_299 = arith.constant 0 : i32
      %dma_wait3A_300 = arith.constant 0 : i32
      %dma_wait3A_301 = tpu.memref_slice %arg11[%dma_wait3A_292, %dma_wait3A_299, %dma_wait3A_300] : memref<2x40x128xf32, #tpu.memory_space<vmem>> -> memref<1x40x128xf32, #tpu.memory_space<vmem>>
      %dma_wait3A_302 = tpu.memref_squeeze %dma_wait3A_301 : memref<1x40x128xf32, #tpu.memory_space<vmem>> -> memref<40x128xf32, #tpu.memory_space<vmem>>
      %dma_wait3A_303 = arith.constant 0 : i32
      %dma_wait3A_304 = tpu.memref_slice %arg3[%add3A_291, %dma_wait3A_303] : memref<160000x128xf32, #tpu.memory_space<hbm>> -> memref<40x128xf32, #tpu.memory_space<hbm>>
      tpu.wait_dma2 semaphore(%arg18 : memref<!tpu.dma_semaphore, #tpu.memory_space<semaphore_mem>>) src(%dma_wait3A_304 : memref<40x128xf32, #tpu.memory_space<hbm>>) dst(%dma_wait3A_302 : memref<40x128xf32, #tpu.memory_space<vmem>>)
      %mul3A_305 = arith.constant 40 : i32
      %mul3A_306 = arith.muli %add3A_288, %mul3A_305 : i32
      %dma_wait3A_307 = arith.constant 1 : i32
      %dma_wait3A_308 = arith.constant 0 : i32
      %dma_wait3A_309 = arith.constant 0 : i32
      %dma_wait3A_310 = tpu.memref_slice %arg10[%dma_wait3A_307, %dma_wait3A_308, %dma_wait3A_309] : memref<2x40x128xf32, #tpu.memory_space<vmem>> -> memref<1x40x128xf32, #tpu.memory_space<vmem>>
      %dma_wait3A_311 = tpu.memref_squeeze %dma_wait3A_310 : memref<1x40x128xf32, #tpu.memory_space<vmem>> -> memref<40x128xf32, #tpu.memory_space<vmem>>
      %dma_wait3A_312 = tpu.memref_slice %arg8[%mul3A_306] : memref<5000xi32, #tpu.memory_space<vmem>> -> memref<40xi32, #tpu.memory_space<vmem>>
      %dma_wait3A_313 = arith.constant 0 : i32
      %dma_wait3A_314 = arith.constant 0 : i32
      %dma_wait3A_315 = tpu.memref_slice %arg2[%dma_wait3A_313, %dma_wait3A_314] : memref<10000x128xf32, #tpu.memory_space<hbm>> -> memref<10000x128xf32, #tpu.memory_space<hbm>>
      tpu.wait_indirect_dma semaphore(%arg16 : memref<!tpu.dma_semaphore, #tpu.memory_space<semaphore_mem>>) src(%dma_wait3A_315 : memref<10000x128xf32, #tpu.memory_space<hbm>>) dst(%dma_wait3A_311 : memref<40x128xf32, #tpu.memory_space<vmem>>)
      %scan3A_316 = arith.constant 0 : i32
      %scan3A_317 = arith.constant 0 : i32
      %scan3A_318 = arith.constant 40 : i32
      %scan3A_319 = arith.addi %scan3A_317, %scan3A_318 : i32
      %scan3A_320 = arith.constant 1 : i32
      scf.for %scan3A_355 = %scan3A_317 to %scan3A_319 step %scan3A_320  : i32 {
        %get3A = arith.constant 1 : i32
        %get3A_356 = arith.index_cast %get3A : i32 to index
        %get3A_357 = arith.index_cast %scan3A_355 : i32 to index
        %get3A_358 = arith.constant 0 : index
        %get3A_359 = tpu.vector_load %arg10[%get3A_356, %get3A_357, %get3A_358] {strides = array<i32>} : memref<2x40x128xf32, #tpu.memory_space<vmem>>, vector<1x1x16xf32>,
        %get3A_360 = vector.shape_cast %get3A_359 : vector<1x1x16xf32> to vector<16xf32>
        %get3A_361 = arith.constant 1 : i32
        %get3A_362 = arith.index_cast %get3A_361 : i32 to index
        %get3A_363 = arith.index_cast %scan3A_355 : i32 to index
        %get3A_364 = arith.constant 0 : index
        %get3A_365 = tpu.vector_load %arg11[%get3A_362, %get3A_363, %get3A_364] {strides = array<i32>} : memref<2x40x128xf32, #tpu.memory_space<vmem>>, vector<1x1x16xf32>,
        %get3A_366 = vector.shape_cast %get3A_365 : vector<1x1x16xf32> to vector<16xf32>
        %mul3A_367 = arith.mulf %get3A_360, %get3A_366 : vector<16xf32>
        %swap3A = arith.constant 1 : i32
        %swap3A_368 = arith.index_cast %swap3A : i32 to index
        %swap3A_369 = arith.index_cast %scan3A_355 : i32 to index
        %swap3A_370 = arith.constant 0 : index
        %swap3A_371 = tpu.vector_load %arg10[%swap3A_368, %swap3A_369, %swap3A_370] {strides = array<i32>} : memref<2x40x128xf32, #tpu.memory_space<vmem>>, vector<1x1x16xf32>,
        %swap3A_372 = vector.shape_cast %swap3A_371 : vector<1x1x16xf32> to vector<16xf32>
        %swap3A_373 = vector.shape_cast %mul3A_367 : vector<16xf32> to vector<1x1x16xf32>
        tpu.vector_store %arg10[%swap3A_368, %swap3A_369, %swap3A_370], %swap3A_373 {strides = array<i32>} : memref<2x40x128xf32, #tpu.memory_space<vmem>>, vector<1x1x16xf32>,
        %get3A_374 = arith.constant 1 : i32
        %get3A_375 = arith.index_cast %get3A_374 : i32 to index
        %get3A_376 = arith.index_cast %scan3A_355 : i32 to index
        %get3A_377 = arith.constant 16 : index
        %get3A_378 = tpu.vector_load %arg10[%get3A_375, %get3A_376, %get3A_377] {strides = array<i32>} : memref<2x40x128xf32, #tpu.memory_space<vmem>>, vector<1x1x16xf32>,
        %get3A_379 = vector.shape_cast %get3A_378 : vector<1x1x16xf32> to vector<16xf32>
        %get3A_380 = arith.constant 1 : i32
        %get3A_381 = arith.index_cast %get3A_380 : i32 to index
        %get3A_382 = arith.index_cast %scan3A_355 : i32 to index
        %get3A_383 = arith.constant 16 : index
        %get3A_384 = tpu.vector_load %arg11[%get3A_381, %get3A_382, %get3A_383] {strides = array<i32>} : memref<2x40x128xf32, #tpu.memory_space<vmem>>, vector<1x1x16xf32>,
        %get3A_385 = vector.shape_cast %get3A_384 : vector<1x1x16xf32> to vector<16xf32>
        %mul3A_386 = arith.mulf %get3A_379, %get3A_385 : vector<16xf32>
        %swap3A_387 = arith.constant 1 : i32
        %swap3A_388 = arith.index_cast %swap3A_387 : i32 to index
        %swap3A_389 = arith.index_cast %scan3A_355 : i32 to index
        %swap3A_390 = arith.constant 16 : index
        %swap3A_391 = tpu.vector_load %arg10[%swap3A_388, %swap3A_389, %swap3A_390] {strides = array<i32>} : memref<2x40x128xf32, #tpu.memory_space<vmem>>, vector<1x1x16xf32>,
        %swap3A_392 = vector.shape_cast %swap3A_391 : vector<1x1x16xf32> to vector<16xf32>
        %swap3A_393 = vector.shape_cast %mul3A_386 : vector<16xf32> to vector<1x1x16xf32>
        tpu.vector_store %arg10[%swap3A_388, %swap3A_389, %swap3A_390], %swap3A_393 {strides = array<i32>} : memref<2x40x128xf32, #tpu.memory_space<vmem>>, vector<1x1x16xf32>,
        %get3A_394 = arith.constant 1 : i32
        %get3A_395 = arith.index_cast %get3A_394 : i32 to index
        %get3A_396 = arith.index_cast %scan3A_355 : i32 to index
        %get3A_397 = arith.constant 32 : index
        %get3A_398 = tpu.vector_load %arg10[%get3A_395, %get3A_396, %get3A_397] {strides = array<i32>} : memref<2x40x128xf32, #tpu.memory_space<vmem>>, vector<1x1x16xf32>,
        %get3A_399 = vector.shape_cast %get3A_398 : vector<1x1x16xf32> to vector<16xf32>
        %get3A_400 = arith.constant 1 : i32
        %get3A_401 = arith.index_cast %get3A_400 : i32 to index
        %get3A_402 = arith.index_cast %scan3A_355 : i32 to index
        %get3A_403 = arith.constant 32 : index
        %get3A_404 = tpu.vector_load %arg11[%get3A_401, %get3A_402, %get3A_403] {strides = array<i32>} : memref<2x40x128xf32, #tpu.memory_space<vmem>>, vector<1x1x16xf32>,
        %get3A_405 = vector.shape_cast %get3A_404 : vector<1x1x16xf32> to vector<16xf32>
        %mul3A_406 = arith.mulf %get3A_399, %get3A_405 : vector<16xf32>
        %swap3A_407 = arith.constant 1 : i32
        %swap3A_408 = arith.index_cast %swap3A_407 : i32 to index
        %swap3A_409 = arith.index_cast %scan3A_355 : i32 to index
        %swap3A_410 = arith.constant 32 : index
        %swap3A_411 = tpu.vector_load %arg10[%swap3A_408, %swap3A_409, %swap3A_410] {strides = array<i32>} : memref<2x40x128xf32, #tpu.memory_space<vmem>>, vector<1x1x16xf32>,
        %swap3A_412 = vector.shape_cast %swap3A_411 : vector<1x1x16xf32> to vector<16xf32>
        %swap3A_413 = vector.shape_cast %mul3A_406 : vector<16xf32> to vector<1x1x16xf32>
        tpu.vector_store %arg10[%swap3A_408, %swap3A_409, %swap3A_410], %swap3A_413 {strides = array<i32>} : memref<2x40x128xf32, #tpu.memory_space<vmem>>, vector<1x1x16xf32>,
        %get3A_414 = arith.constant 1 : i32
        %get3A_415 = arith.index_cast %get3A_414 : i32 to index
        %get3A_416 = arith.index_cast %scan3A_355 : i32 to index
        %get3A_417 = arith.constant 48 : index
        %get3A_418 = tpu.vector_load %arg10[%get3A_415, %get3A_416, %get3A_417] {strides = array<i32>} : memref<2x40x128xf32, #tpu.memory_space<vmem>>, vector<1x1x16xf32>,
        %get3A_419 = vector.shape_cast %get3A_418 : vector<1x1x16xf32> to vector<16xf32>
        %get3A_420 = arith.constant 1 : i32
        %get3A_421 = arith.index_cast %get3A_420 : i32 to index
        %get3A_422 = arith.index_cast %scan3A_355 : i32 to index
        %get3A_423 = arith.constant 48 : index
        %get3A_424 = tpu.vector_load %arg11[%get3A_421, %get3A_422, %get3A_423] {strides = array<i32>} : memref<2x40x128xf32, #tpu.memory_space<vmem>>, vector<1x1x16xf32>,
        %get3A_425 = vector.shape_cast %get3A_424 : vector<1x1x16xf32> to vector<16xf32>
        %mul3A_426 = arith.mulf %get3A_419, %get3A_425 : vector<16xf32>
        %swap3A_427 = arith.constant 1 : i32
        %swap3A_428 = arith.index_cast %swap3A_427 : i32 to index
        %swap3A_429 = arith.index_cast %scan3A_355 : i32 to index
        %swap3A_430 = arith.constant 48 : index
        %swap3A_431 = tpu.vector_load %arg10[%swap3A_428, %swap3A_429, %swap3A_430] {strides = array<i32>} : memref<2x40x128xf32, #tpu.memory_space<vmem>>, vector<1x1x16xf32>,
        %swap3A_432 = vector.shape_cast %swap3A_431 : vector<1x1x16xf32> to vector<16xf32>
        %swap3A_433 = vector.shape_cast %mul3A_426 : vector<16xf32> to vector<1x1x16xf32>
        tpu.vector_store %arg10[%swap3A_428, %swap3A_429, %swap3A_430], %swap3A_433 {strides = array<i32>} : memref<2x40x128xf32, #tpu.memory_space<vmem>>, vector<1x1x16xf32>,
        %get3A_434 = arith.constant 1 : i32
        %get3A_435 = arith.index_cast %get3A_434 : i32 to index
        %get3A_436 = arith.index_cast %scan3A_355 : i32 to index
        %get3A_437 = arith.constant 64 : index
        %get3A_438 = tpu.vector_load %arg10[%get3A_435, %get3A_436, %get3A_437] {strides = array<i32>} : memref<2x40x128xf32, #tpu.memory_space<vmem>>, vector<1x1x16xf32>,
        %get3A_439 = vector.shape_cast %get3A_438 : vector<1x1x16xf32> to vector<16xf32>
        %get3A_440 = arith.constant 1 : i32
        %get3A_441 = arith.index_cast %get3A_440 : i32 to index
        %get3A_442 = arith.index_cast %scan3A_355 : i32 to index
        %get3A_443 = arith.constant 64 : index
        %get3A_444 = tpu.vector_load %arg11[%get3A_441, %get3A_442, %get3A_443] {strides = array<i32>} : memref<2x40x128xf32, #tpu.memory_space<vmem>>, vector<1x1x16xf32>,
        %get3A_445 = vector.shape_cast %get3A_444 : vector<1x1x16xf32> to vector<16xf32>
        %mul3A_446 = arith.mulf %get3A_439, %get3A_445 : vector<16xf32>
        %swap3A_447 = arith.constant 1 : i32
        %swap3A_448 = arith.index_cast %swap3A_447 : i32 to index
        %swap3A_449 = arith.index_cast %scan3A_355 : i32 to index
        %swap3A_450 = arith.constant 64 : index
        %swap3A_451 = tpu.vector_load %arg10[%swap3A_448, %swap3A_449, %swap3A_450] {strides = array<i32>} : memref<2x40x128xf32, #tpu.memory_space<vmem>>, vector<1x1x16xf32>,
        %swap3A_452 = vector.shape_cast %swap3A_451 : vector<1x1x16xf32> to vector<16xf32>
        %swap3A_453 = vector.shape_cast %mul3A_446 : vector<16xf32> to vector<1x1x16xf32>
        tpu.vector_store %arg10[%swap3A_448, %swap3A_449, %swap3A_450], %swap3A_453 {strides = array<i32>} : memref<2x40x128xf32, #tpu.memory_space<vmem>>, vector<1x1x16xf32>,
        %get3A_454 = arith.constant 1 : i32
        %get3A_455 = arith.index_cast %get3A_454 : i32 to index
        %get3A_456 = arith.index_cast %scan3A_355 : i32 to index
        %get3A_457 = arith.constant 80 : index
        %get3A_458 = tpu.vector_load %arg10[%get3A_455, %get3A_456, %get3A_457] {strides = array<i32>} : memref<2x40x128xf32, #tpu.memory_space<vmem>>, vector<1x1x16xf32>,
        %get3A_459 = vector.shape_cast %get3A_458 : vector<1x1x16xf32> to vector<16xf32>
        %get3A_460 = arith.constant 1 : i32
        %get3A_461 = arith.index_cast %get3A_460 : i32 to index
        %get3A_462 = arith.index_cast %scan3A_355 : i32 to index
        %get3A_463 = arith.constant 80 : index
        %get3A_464 = tpu.vector_load %arg11[%get3A_461, %get3A_462, %get3A_463] {strides = array<i32>} : memref<2x40x128xf32, #tpu.memory_space<vmem>>, vector<1x1x16xf32>,
        %get3A_465 = vector.shape_cast %get3A_464 : vector<1x1x16xf32> to vector<16xf32>
        %mul3A_466 = arith.mulf %get3A_459, %get3A_465 : vector<16xf32>
        %swap3A_467 = arith.constant 1 : i32
        %swap3A_468 = arith.index_cast %swap3A_467 : i32 to index
        %swap3A_469 = arith.index_cast %scan3A_355 : i32 to index
        %swap3A_470 = arith.constant 80 : index
        %swap3A_471 = tpu.vector_load %arg10[%swap3A_468, %swap3A_469, %swap3A_470] {strides = array<i32>} : memref<2x40x128xf32, #tpu.memory_space<vmem>>, vector<1x1x16xf32>,
        %swap3A_472 = vector.shape_cast %swap3A_471 : vector<1x1x16xf32> to vector<16xf32>
        %swap3A_473 = vector.shape_cast %mul3A_466 : vector<16xf32> to vector<1x1x16xf32>
        tpu.vector_store %arg10[%swap3A_468, %swap3A_469, %swap3A_470], %swap3A_473 {strides = array<i32>} : memref<2x40x128xf32, #tpu.memory_space<vmem>>, vector<1x1x16xf32>,
        %get3A_474 = arith.constant 1 : i32
        %get3A_475 = arith.index_cast %get3A_474 : i32 to index
        %get3A_476 = arith.index_cast %scan3A_355 : i32 to index
        %get3A_477 = arith.constant 96 : index
        %get3A_478 = tpu.vector_load %arg10[%get3A_475, %get3A_476, %get3A_477] {strides = array<i32>} : memref<2x40x128xf32, #tpu.memory_space<vmem>>, vector<1x1x16xf32>,
        %get3A_479 = vector.shape_cast %get3A_478 : vector<1x1x16xf32> to vector<16xf32>
        %get3A_480 = arith.constant 1 : i32
        %get3A_481 = arith.index_cast %get3A_480 : i32 to index
        %get3A_482 = arith.index_cast %scan3A_355 : i32 to index
        %get3A_483 = arith.constant 96 : index
        %get3A_484 = tpu.vector_load %arg11[%get3A_481, %get3A_482, %get3A_483] {strides = array<i32>} : memref<2x40x128xf32, #tpu.memory_space<vmem>>, vector<1x1x16xf32>,
        %get3A_485 = vector.shape_cast %get3A_484 : vector<1x1x16xf32> to vector<16xf32>
        %mul3A_486 = arith.mulf %get3A_479, %get3A_485 : vector<16xf32>
        %swap3A_487 = arith.constant 1 : i32
        %swap3A_488 = arith.index_cast %swap3A_487 : i32 to index
        %swap3A_489 = arith.index_cast %scan3A_355 : i32 to index
        %swap3A_490 = arith.constant 96 : index
        %swap3A_491 = tpu.vector_load %arg10[%swap3A_488, %swap3A_489, %swap3A_490] {strides = array<i32>} : memref<2x40x128xf32, #tpu.memory_space<vmem>>, vector<1x1x16xf32>,
        %swap3A_492 = vector.shape_cast %swap3A_491 : vector<1x1x16xf32> to vector<16xf32>
        %swap3A_493 = vector.shape_cast %mul3A_486 : vector<16xf32> to vector<1x1x16xf32>
        tpu.vector_store %arg10[%swap3A_488, %swap3A_489, %swap3A_490], %swap3A_493 {strides = array<i32>} : memref<2x40x128xf32, #tpu.memory_space<vmem>>, vector<1x1x16xf32>,
        %get3A_494 = arith.constant 1 : i32
        %get3A_495 = arith.index_cast %get3A_494 : i32 to index
        %get3A_496 = arith.index_cast %scan3A_355 : i32 to index
        %get3A_497 = arith.constant 112 : index
        %get3A_498 = tpu.vector_load %arg10[%get3A_495, %get3A_496, %get3A_497] {strides = array<i32>} : memref<2x40x128xf32, #tpu.memory_space<vmem>>, vector<1x1x16xf32>,
        %get3A_499 = vector.shape_cast %get3A_498 : vector<1x1x16xf32> to vector<16xf32>
        %get3A_500 = arith.constant 1 : i32
        %get3A_501 = arith.index_cast %get3A_500 : i32 to index
        %get3A_502 = arith.index_cast %scan3A_355 : i32 to index
        %get3A_503 = arith.constant 112 : index
        %get3A_504 = tpu.vector_load %arg11[%get3A_501, %get3A_502, %get3A_503] {strides = array<i32>} : memref<2x40x128xf32, #tpu.memory_space<vmem>>, vector<1x1x16xf32>,
        %get3A_505 = vector.shape_cast %get3A_504 : vector<1x1x16xf32> to vector<16xf32>
        %mul3A_506 = arith.mulf %get3A_499, %get3A_505 : vector<16xf32>
        %swap3A_507 = arith.constant 1 : i32
        %swap3A_508 = arith.index_cast %swap3A_507 : i32 to index
        %swap3A_509 = arith.index_cast %scan3A_355 : i32 to index
        %swap3A_510 = arith.constant 112 : index
        %swap3A_511 = tpu.vector_load %arg10[%swap3A_508, %swap3A_509, %swap3A_510] {strides = array<i32>} : memref<2x40x128xf32, #tpu.memory_space<vmem>>, vector<1x1x16xf32>,
        %swap3A_512 = vector.shape_cast %swap3A_511 : vector<1x1x16xf32> to vector<16xf32>
        %swap3A_513 = vector.shape_cast %mul3A_506 : vector<16xf32> to vector<1x1x16xf32>
        tpu.vector_store %arg10[%swap3A_508, %swap3A_509, %swap3A_510], %swap3A_513 {strides = array<i32>} : memref<2x40x128xf32, #tpu.memory_space<vmem>>, vector<1x1x16xf32>,
      }
      %scan3A_321 = arith.constant 40 : i32
      %mul3A_322 = arith.constant 125 : i32
      %mul3A_323 = arith.muli %add3A, %mul3A_322 : i32
      %add3A_324 = arith.addi %mul3A_323, %add3A_288 : i32
      %dma_wait3A_325 = arith.constant 1 : i32
      %dma_wait3A_326 = arith.constant 0 : i32
      %dma_wait3A_327 = arith.constant 0 : i32
      %dma_wait3A_328 = tpu.memref_slice %arg9[%dma_wait3A_325, %dma_wait3A_326, %dma_wait3A_327] : memref<2x1x40xi32, #tpu.memory_space<vmem>> -> memref<1x1x40xi32, #tpu.memory_space<vmem>>
      %dma_wait3A_329 = tpu.memref_squeeze %dma_wait3A_328 : memref<1x1x40xi32, #tpu.memory_space<vmem>> -> memref<1x40xi32, #tpu.memory_space<vmem>>
      %dma_wait3A_330 = arith.constant 0 : i32
      %dma_wait3A_331 = arith.constant 0 : i32
      %dma_wait3A_332 = tpu.memref_slice %arg5[%add3A_324, %dma_wait3A_330, %dma_wait3A_331] : memref<4000x1x40xi32, #tpu.memory_space<hbm>> -> memref<1x1x40xi32, #tpu.memory_space<hbm>>
      %dma_wait3A_333 = tpu.memref_squeeze %dma_wait3A_332 : memref<1x1x40xi32, #tpu.memory_space<hbm>> -> memref<1x40xi32, #tpu.memory_space<hbm>>
      %dma_wait3A_334 = arith.constant 0 : i32
      %dma_wait3A_335 = arith.constant 0 : i32
      %dma_wait3A_336 = tpu.memref_slice %arg9[%dma_wait3A_325, %dma_wait3A_334, %dma_wait3A_335] : memref<2x1x40xi32, #tpu.memory_space<vmem>> -> memref<1x1x40xi32, #tpu.memory_space<vmem>>
      %dma_wait3A_337 = tpu.memref_squeeze %dma_wait3A_336 : memref<1x1x40xi32, #tpu.memory_space<vmem>> -> memref<1x40xi32, #tpu.memory_space<vmem>>
      %dma_wait3A_338 = arith.constant 0 : i32
      %dma_wait3A_339 = arith.constant 0 : i32
      %dma_wait3A_340 = tpu.memref_slice %arg5[%add3A_324, %dma_wait3A_338, %dma_wait3A_339] : memref<4000x1x40xi32, #tpu.memory_space<hbm>> -> memref<1x1x40xi32, #tpu.memory_space<hbm>>
      %dma_wait3A_341 = tpu.memref_squeeze %dma_wait3A_340 : memref<1x1x40xi32, #tpu.memory_space<hbm>> -> memref<1x40xi32, #tpu.memory_space<hbm>>
      tpu.wait_dma2 semaphore(%arg14 : memref<!tpu.dma_semaphore, #tpu.memory_space<semaphore_mem>>) src(%dma_wait3A_341 : memref<1x40xi32, #tpu.memory_space<hbm>>) dst(%dma_wait3A_337 : memref<1x40xi32, #tpu.memory_space<vmem>>)
      %dma_start3A_342 = arith.constant 1 : i32
      %dma_start3A_343 = arith.constant 1 : i32
      %dma_start3A_344 = arith.constant 0 : i32
      %dma_start3A_345 = arith.constant 0 : i32
      %dma_start3A_346 = arith.constant 0 : i32
      %dma_start3A_347 = tpu.memref_slice %arg10[%dma_start3A_342, %dma_start3A_345, %dma_start3A_346] : memref<2x40x128xf32, #tpu.memory_space<vmem>> -> memref<1x40x128xf32, #tpu.memory_space<vmem>>
      %dma_start3A_348 = tpu.memref_squeeze %dma_start3A_347 : memref<1x40x128xf32, #tpu.memory_space<vmem>> -> memref<40x128xf32, #tpu.memory_space<vmem>>
      %dma_start3A_349 = arith.constant 0 : i32
      %dma_start3A_350 = tpu.memref_slice %arg9[%dma_start3A_343, %dma_start3A_344, %dma_start3A_349] : memref<2x1x40xi32, #tpu.memory_space<vmem>> -> memref<1x1x40xi32, #tpu.memory_space<vmem>>
      %dma_start3A_351 = tpu.memref_squeeze %dma_start3A_350 : memref<1x1x40xi32, #tpu.memory_space<vmem>> -> memref<40xi32, #tpu.memory_space<vmem>>
      %dma_start3A_352 = arith.constant 0 : i32
      %dma_start3A_353 = arith.constant 0 : i32
      %dma_start3A_354 = tpu.memref_slice %arg12[%dma_start3A_352, %dma_start3A_353] : memref<10000x128xf32, #tpu.memory_space<vmem_shared>> -> memref<10000x128xf32, #tpu.memory_space<vmem_shared>>
      tpu.enqueue_indirect_dma source(%dma_start3A_348 : memref<40x128xf32, #tpu.memory_space<vmem>>) target(%dma_start3A_354 : memref<10000x128xf32, #tpu.memory_space<vmem_shared>>) offsets(%dma_start3A_351 : memref<40xi32, #tpu.memory_space<vmem>>) semaphore(%arg20 : memref<!tpu.dma_semaphore, #tpu.memory_space<semaphore_mem>>) {add = true}
    }
    %scan3A_58 = arith.constant 62 : i32
    %add3A_59 = arith.constant 4960 : i32
    %add3A_60 = arith.addi %mul3A_2, %add3A_59 : i32
    %dma_wait3A = arith.constant 0 : i32
    %dma_wait3A_61 = arith.constant 0 : i32
    %dma_wait3A_62 = arith.constant 0 : i32
    %dma_wait3A_63 = tpu.memref_slice %arg11[%dma_wait3A, %dma_wait3A_61, %dma_wait3A_62] : memref<2x40x128xf32, #tpu.memory_space<vmem>> -> memref<1x40x128xf32, #tpu.memory_space<vmem>>
    %dma_wait3A_64 = tpu.memref_squeeze %dma_wait3A_63 : memref<1x40x128xf32, #tpu.memory_space<vmem>> -> memref<40x128xf32, #tpu.memory_space<vmem>>
    %dma_wait3A_65 = arith.constant 0 : i32
    %dma_wait3A_66 = tpu.memref_slice %arg3[%add3A_60, %dma_wait3A_65] : memref<160000x128xf32, #tpu.memory_space<hbm>> -> memref<40x128xf32, #tpu.memory_space<hbm>>
    %dma_wait3A_67 = arith.constant 0 : i32
    %dma_wait3A_68 = arith.constant 0 : i32
    %dma_wait3A_69 = tpu.memref_slice %arg11[%dma_wait3A, %dma_wait3A_67, %dma_wait3A_68] : memref<2x40x128xf32, #tpu.memory_space<vmem>> -> memref<1x40x128xf32, #tpu.memory_space<vmem>>
    %dma_wait3A_70 = tpu.memref_squeeze %dma_wait3A_69 : memref<1x40x128xf32, #tpu.memory_space<vmem>> -> memref<40x128xf32, #tpu.memory_space<vmem>>
    %dma_wait3A_71 = arith.constant 0 : i32
    %dma_wait3A_72 = tpu.memref_slice %arg3[%add3A_60, %dma_wait3A_71] : memref<160000x128xf32, #tpu.memory_space<hbm>> -> memref<40x128xf32, #tpu.memory_space<hbm>>
    tpu.wait_dma2 semaphore(%arg17 : memref<!tpu.dma_semaphore, #tpu.memory_space<semaphore_mem>>) src(%dma_wait3A_72 : memref<40x128xf32, #tpu.memory_space<hbm>>) dst(%dma_wait3A_70 : memref<40x128xf32, #tpu.memory_space<vmem>>)
    %dma_wait3A_73 = arith.constant 0 : i32
    %dma_wait3A_74 = arith.constant 0 : i32
    %dma_wait3A_75 = arith.constant 0 : i32
    %dma_wait3A_76 = tpu.memref_slice %arg10[%dma_wait3A_73, %dma_wait3A_74, %dma_wait3A_75] : memref<2x40x128xf32, #tpu.memory_space<vmem>> -> memref<1x40x128xf32, #tpu.memory_space<vmem>>
    %dma_wait3A_77 = tpu.memref_squeeze %dma_wait3A_76 : memref<1x40x128xf32, #tpu.memory_space<vmem>> -> memref<40x128xf32, #tpu.memory_space<vmem>>
    %dma_wait3A_78 = arith.constant 4960 : i32
    %dma_wait3A_79 = tpu.memref_slice %arg8[%dma_wait3A_78] : memref<5000xi32, #tpu.memory_space<vmem>> -> memref<40xi32, #tpu.memory_space<vmem>>
    %dma_wait3A_80 = arith.constant 0 : i32
    %dma_wait3A_81 = arith.constant 0 : i32
    %dma_wait3A_82 = tpu.memref_slice %arg2[%dma_wait3A_80, %dma_wait3A_81] : memref<10000x128xf32, #tpu.memory_space<hbm>> -> memref<10000x128xf32, #tpu.memory_space<hbm>>
    tpu.wait_indirect_dma semaphore(%arg15 : memref<!tpu.dma_semaphore, #tpu.memory_space<semaphore_mem>>) src(%dma_wait3A_82 : memref<10000x128xf32, #tpu.memory_space<hbm>>) dst(%dma_wait3A_77 : memref<40x128xf32, #tpu.memory_space<vmem>>)
    %scan3A_83 = arith.constant 0 : i32
    %scan3A_84 = arith.constant 0 : i32
    %scan3A_85 = arith.constant 40 : i32
    %scan3A_86 = arith.addi %scan3A_84, %scan3A_85 : i32
    %scan3A_87 = arith.constant 1 : i32
    scf.for %scan3A_159 = %scan3A_84 to %scan3A_86 step %scan3A_87  : i32 {
      %get3A = arith.constant 0 : i32
      %get3A_160 = arith.index_cast %get3A : i32 to index
      %get3A_161 = arith.index_cast %scan3A_159 : i32 to index
      %get3A_162 = arith.constant 0 : index
      %get3A_163 = tpu.vector_load %arg10[%get3A_160, %get3A_161, %get3A_162] {strides = array<i32>} : memref<2x40x128xf32, #tpu.memory_space<vmem>>, vector<1x1x16xf32>,
      %get3A_164 = vector.shape_cast %get3A_163 : vector<1x1x16xf32> to vector<16xf32>
      %get3A_165 = arith.constant 0 : i32
      %get3A_166 = arith.index_cast %get3A_165 : i32 to index
      %get3A_167 = arith.index_cast %scan3A_159 : i32 to index
      %get3A_168 = arith.constant 0 : index
      %get3A_169 = tpu.vector_load %arg11[%get3A_166, %get3A_167, %get3A_168] {strides = array<i32>} : memref<2x40x128xf32, #tpu.memory_space<vmem>>, vector<1x1x16xf32>,
      %get3A_170 = vector.shape_cast %get3A_169 : vector<1x1x16xf32> to vector<16xf32>
      %mul3A_171 = arith.mulf %get3A_164, %get3A_170 : vector<16xf32>
      %swap3A = arith.constant 0 : i32
      %swap3A_172 = arith.index_cast %swap3A : i32 to index
      %swap3A_173 = arith.index_cast %scan3A_159 : i32 to index
      %swap3A_174 = arith.constant 0 : index
      %swap3A_175 = tpu.vector_load %arg10[%swap3A_172, %swap3A_173, %swap3A_174] {strides = array<i32>} : memref<2x40x128xf32, #tpu.memory_space<vmem>>, vector<1x1x16xf32>,
      %swap3A_176 = vector.shape_cast %swap3A_175 : vector<1x1x16xf32> to vector<16xf32>
      %swap3A_177 = vector.shape_cast %mul3A_171 : vector<16xf32> to vector<1x1x16xf32>
      tpu.vector_store %arg10[%swap3A_172, %swap3A_173, %swap3A_174], %swap3A_177 {strides = array<i32>} : memref<2x40x128xf32, #tpu.memory_space<vmem>>, vector<1x1x16xf32>,
      %get3A_178 = arith.constant 0 : i32
      %get3A_179 = arith.index_cast %get3A_178 : i32 to index
      %get3A_180 = arith.index_cast %scan3A_159 : i32 to index
      %get3A_181 = arith.constant 16 : index
      %get3A_182 = tpu.vector_load %arg10[%get3A_179, %get3A_180, %get3A_181] {strides = array<i32>} : memref<2x40x128xf32, #tpu.memory_space<vmem>>, vector<1x1x16xf32>,
      %get3A_183 = vector.shape_cast %get3A_182 : vector<1x1x16xf32> to vector<16xf32>
      %get3A_184 = arith.constant 0 : i32
      %get3A_185 = arith.index_cast %get3A_184 : i32 to index
      %get3A_186 = arith.index_cast %scan3A_159 : i32 to index
      %get3A_187 = arith.constant 16 : index
      %get3A_188 = tpu.vector_load %arg11[%get3A_185, %get3A_186, %get3A_187] {strides = array<i32>} : memref<2x40x128xf32, #tpu.memory_space<vmem>>, vector<1x1x16xf32>,
      %get3A_189 = vector.shape_cast %get3A_188 : vector<1x1x16xf32> to vector<16xf32>
      %mul3A_190 = arith.mulf %get3A_183, %get3A_189 : vector<16xf32>
      %swap3A_191 = arith.constant 0 : i32
      %swap3A_192 = arith.index_cast %swap3A_191 : i32 to index
      %swap3A_193 = arith.index_cast %scan3A_159 : i32 to index
      %swap3A_194 = arith.constant 16 : index
      %swap3A_195 = tpu.vector_load %arg10[%swap3A_192, %swap3A_193, %swap3A_194] {strides = array<i32>} : memref<2x40x128xf32, #tpu.memory_space<vmem>>, vector<1x1x16xf32>,
      %swap3A_196 = vector.shape_cast %swap3A_195 : vector<1x1x16xf32> to vector<16xf32>
      %swap3A_197 = vector.shape_cast %mul3A_190 : vector<16xf32> to vector<1x1x16xf32>
      tpu.vector_store %arg10[%swap3A_192, %swap3A_193, %swap3A_194], %swap3A_197 {strides = array<i32>} : memref<2x40x128xf32, #tpu.memory_space<vmem>>, vector<1x1x16xf32>,
      %get3A_198 = arith.constant 0 : i32
      %get3A_199 = arith.index_cast %get3A_198 : i32 to index
      %get3A_200 = arith.index_cast %scan3A_159 : i32 to index
      %get3A_201 = arith.constant 32 : index
      %get3A_202 = tpu.vector_load %arg10[%get3A_199, %get3A_200, %get3A_201] {strides = array<i32>} : memref<2x40x128xf32, #tpu.memory_space<vmem>>, vector<1x1x16xf32>,
      %get3A_203 = vector.shape_cast %get3A_202 : vector<1x1x16xf32> to vector<16xf32>
      %get3A_204 = arith.constant 0 : i32
      %get3A_205 = arith.index_cast %get3A_204 : i32 to index
      %get3A_206 = arith.index_cast %scan3A_159 : i32 to index
      %get3A_207 = arith.constant 32 : index
      %get3A_208 = tpu.vector_load %arg11[%get3A_205, %get3A_206, %get3A_207] {strides = array<i32>} : memref<2x40x128xf32, #tpu.memory_space<vmem>>, vector<1x1x16xf32>,
      %get3A_209 = vector.shape_cast %get3A_208 : vector<1x1x16xf32> to vector<16xf32>
      %mul3A_210 = arith.mulf %get3A_203, %get3A_209 : vector<16xf32>
      %swap3A_211 = arith.constant 0 : i32
      %swap3A_212 = arith.index_cast %swap3A_211 : i32 to index
      %swap3A_213 = arith.index_cast %scan3A_159 : i32 to index
      %swap3A_214 = arith.constant 32 : index
      %swap3A_215 = tpu.vector_load %arg10[%swap3A_212, %swap3A_213, %swap3A_214] {strides = array<i32>} : memref<2x40x128xf32, #tpu.memory_space<vmem>>, vector<1x1x16xf32>,
      %swap3A_216 = vector.shape_cast %swap3A_215 : vector<1x1x16xf32> to vector<16xf32>
      %swap3A_217 = vector.shape_cast %mul3A_210 : vector<16xf32> to vector<1x1x16xf32>
      tpu.vector_store %arg10[%swap3A_212, %swap3A_213, %swap3A_214], %swap3A_217 {strides = array<i32>} : memref<2x40x128xf32, #tpu.memory_space<vmem>>, vector<1x1x16xf32>,
      %get3A_218 = arith.constant 0 : i32
      %get3A_219 = arith.index_cast %get3A_218 : i32 to index
      %get3A_220 = arith.index_cast %scan3A_159 : i32 to index
      %get3A_221 = arith.constant 48 : index
      %get3A_222 = tpu.vector_load %arg10[%get3A_219, %get3A_220, %get3A_221] {strides = array<i32>} : memref<2x40x128xf32, #tpu.memory_space<vmem>>, vector<1x1x16xf32>,
      %get3A_223 = vector.shape_cast %get3A_222 : vector<1x1x16xf32> to vector<16xf32>
      %get3A_224 = arith.constant 0 : i32
      %get3A_225 = arith.index_cast %get3A_224 : i32 to index
      %get3A_226 = arith.index_cast %scan3A_159 : i32 to index
      %get3A_227 = arith.constant 48 : index
      %get3A_228 = tpu.vector_load %arg11[%get3A_225, %get3A_226, %get3A_227] {strides = array<i32>} : memref<2x40x128xf32, #tpu.memory_space<vmem>>, vector<1x1x16xf32>,
      %get3A_229 = vector.shape_cast %get3A_228 : vector<1x1x16xf32> to vector<16xf32>
      %mul3A_230 = arith.mulf %get3A_223, %get3A_229 : vector<16xf32>
      %swap3A_231 = arith.constant 0 : i32
      %swap3A_232 = arith.index_cast %swap3A_231 : i32 to index
      %swap3A_233 = arith.index_cast %scan3A_159 : i32 to index
      %swap3A_234 = arith.constant 48 : index
      %swap3A_235 = tpu.vector_load %arg10[%swap3A_232, %swap3A_233, %swap3A_234] {strides = array<i32>} : memref<2x40x128xf32, #tpu.memory_space<vmem>>, vector<1x1x16xf32>,
      %swap3A_236 = vector.shape_cast %swap3A_235 : vector<1x1x16xf32> to vector<16xf32>
      %swap3A_237 = vector.shape_cast %mul3A_230 : vector<16xf32> to vector<1x1x16xf32>
      tpu.vector_store %arg10[%swap3A_232, %swap3A_233, %swap3A_234], %swap3A_237 {strides = array<i32>} : memref<2x40x128xf32, #tpu.memory_space<vmem>>, vector<1x1x16xf32>,
      %get3A_238 = arith.constant 0 : i32
      %get3A_239 = arith.index_cast %get3A_238 : i32 to index
      %get3A_240 = arith.index_cast %scan3A_159 : i32 to index
      %get3A_241 = arith.constant 64 : index
      %get3A_242 = tpu.vector_load %arg10[%get3A_239, %get3A_240, %get3A_241] {strides = array<i32>} : memref<2x40x128xf32, #tpu.memory_space<vmem>>, vector<1x1x16xf32>,
      %get3A_243 = vector.shape_cast %get3A_242 : vector<1x1x16xf32> to vector<16xf32>
      %get3A_244 = arith.constant 0 : i32
      %get3A_245 = arith.index_cast %get3A_244 : i32 to index
      %get3A_246 = arith.index_cast %scan3A_159 : i32 to index
      %get3A_247 = arith.constant 64 : index
      %get3A_248 = tpu.vector_load %arg11[%get3A_245, %get3A_246, %get3A_247] {strides = array<i32>} : memref<2x40x128xf32, #tpu.memory_space<vmem>>, vector<1x1x16xf32>,
      %get3A_249 = vector.shape_cast %get3A_248 : vector<1x1x16xf32> to vector<16xf32>
      %mul3A_250 = arith.mulf %get3A_243, %get3A_249 : vector<16xf32>
      %swap3A_251 = arith.constant 0 : i32
      %swap3A_252 = arith.index_cast %swap3A_251 : i32 to index
      %swap3A_253 = arith.index_cast %scan3A_159 : i32 to index
      %swap3A_254 = arith.constant 64 : index
      %swap3A_255 = tpu.vector_load %arg10[%swap3A_252, %swap3A_253, %swap3A_254] {strides = array<i32>} : memref<2x40x128xf32, #tpu.memory_space<vmem>>, vector<1x1x16xf32>,
      %swap3A_256 = vector.shape_cast %swap3A_255 : vector<1x1x16xf32> to vector<16xf32>
      %swap3A_257 = vector.shape_cast %mul3A_250 : vector<16xf32> to vector<1x1x16xf32>
      tpu.vector_store %arg10[%swap3A_252, %swap3A_253, %swap3A_254], %swap3A_257 {strides = array<i32>} : memref<2x40x128xf32, #tpu.memory_space<vmem>>, vector<1x1x16xf32>,
      %get3A_258 = arith.constant 0 : i32
      %get3A_259 = arith.index_cast %get3A_258 : i32 to index
      %get3A_260 = arith.index_cast %scan3A_159 : i32 to index
      %get3A_261 = arith.constant 80 : index
      %get3A_262 = tpu.vector_load %arg10[%get3A_259, %get3A_260, %get3A_261] {strides = array<i32>} : memref<2x40x128xf32, #tpu.memory_space<vmem>>, vector<1x1x16xf32>,
      %get3A_263 = vector.shape_cast %get3A_262 : vector<1x1x16xf32> to vector<16xf32>
      %get3A_264 = arith.constant 0 : i32
      %get3A_265 = arith.index_cast %get3A_264 : i32 to index
      %get3A_266 = arith.index_cast %scan3A_159 : i32 to index
      %get3A_267 = arith.constant 80 : index
      %get3A_268 = tpu.vector_load %arg11[%get3A_265, %get3A_266, %get3A_267] {strides = array<i32>} : memref<2x40x128xf32, #tpu.memory_space<vmem>>, vector<1x1x16xf32>,
      %get3A_269 = vector.shape_cast %get3A_268 : vector<1x1x16xf32> to vector<16xf32>
      %mul3A_270 = arith.mulf %get3A_263, %get3A_269 : vector<16xf32>
      %swap3A_271 = arith.constant 0 : i32
      %swap3A_272 = arith.index_cast %swap3A_271 : i32 to index
      %swap3A_273 = arith.index_cast %scan3A_159 : i32 to index
      %swap3A_274 = arith.constant 80 : index
      %swap3A_275 = tpu.vector_load %arg10[%swap3A_272, %swap3A_273, %swap3A_274] {strides = array<i32>} : memref<2x40x128xf32, #tpu.memory_space<vmem>>, vector<1x1x16xf32>,
      %swap3A_276 = vector.shape_cast %swap3A_275 : vector<1x1x16xf32> to vector<16xf32>
      %swap3A_277 = vector.shape_cast %mul3A_270 : vector<16xf32> to vector<1x1x16xf32>
      tpu.vector_store %arg10[%swap3A_272, %swap3A_273, %swap3A_274], %swap3A_277 {strides = array<i32>} : memref<2x40x128xf32, #tpu.memory_space<vmem>>, vector<1x1x16xf32>,
      %get3A_278 = arith.constant 0 : i32
      %get3A_279 = arith.index_cast %get3A_278 : i32 to index
      %get3A_280 = arith.index_cast %scan3A_159 : i32 to index
      %get3A_281 = arith.constant 96 : index
      %get3A_282 = tpu.vector_load %arg10[%get3A_279, %get3A_280, %get3A_281] {strides = array<i32>} : memref<2x40x128xf32, #tpu.memory_space<vmem>>, vector<1x1x16xf32>,
      %get3A_283 = vector.shape_cast %get3A_282 : vector<1x1x16xf32> to vector<16xf32>
      %get3A_284 = arith.constant 0 : i32
      %get3A_285 = arith.index_cast %get3A_284 : i32 to index
      %get3A_286 = arith.index_cast %scan3A_159 : i32 to index
      %get3A_287 = arith.constant 96 : index
      %get3A_288 = tpu.vector_load %arg11[%get3A_285, %get3A_286, %get3A_287] {strides = array<i32>} : memref<2x40x128xf32, #tpu.memory_space<vmem>>, vector<1x1x16xf32>,
      %get3A_289 = vector.shape_cast %get3A_288 : vector<1x1x16xf32> to vector<16xf32>
      %mul3A_290 = arith.mulf %get3A_283, %get3A_289 : vector<16xf32>
      %swap3A_291 = arith.constant 0 : i32
      %swap3A_292 = arith.index_cast %swap3A_291 : i32 to index
      %swap3A_293 = arith.index_cast %scan3A_159 : i32 to index
      %swap3A_294 = arith.constant 96 : index
      %swap3A_295 = tpu.vector_load %arg10[%swap3A_292, %swap3A_293, %swap3A_294] {strides = array<i32>} : memref<2x40x128xf32, #tpu.memory_space<vmem>>, vector<1x1x16xf32>,
      %swap3A_296 = vector.shape_cast %swap3A_295 : vector<1x1x16xf32> to vector<16xf32>
      %swap3A_297 = vector.shape_cast %mul3A_290 : vector<16xf32> to vector<1x1x16xf32>
      tpu.vector_store %arg10[%swap3A_292, %swap3A_293, %swap3A_294], %swap3A_297 {strides = array<i32>} : memref<2x40x128xf32, #tpu.memory_space<vmem>>, vector<1x1x16xf32>,
      %get3A_298 = arith.constant 0 : i32
      %get3A_299 = arith.index_cast %get3A_298 : i32 to index
      %get3A_300 = arith.index_cast %scan3A_159 : i32 to index
      %get3A_301 = arith.constant 112 : index
      %get3A_302 = tpu.vector_load %arg10[%get3A_299, %get3A_300, %get3A_301] {strides = array<i32>} : memref<2x40x128xf32, #tpu.memory_space<vmem>>, vector<1x1x16xf32>,
      %get3A_303 = vector.shape_cast %get3A_302 : vector<1x1x16xf32> to vector<16xf32>
      %get3A_304 = arith.constant 0 : i32
      %get3A_305 = arith.index_cast %get3A_304 : i32 to index
      %get3A_306 = arith.index_cast %scan3A_159 : i32 to index
      %get3A_307 = arith.constant 112 : index
      %get3A_308 = tpu.vector_load %arg11[%get3A_305, %get3A_306, %get3A_307] {strides = array<i32>} : memref<2x40x128xf32, #tpu.memory_space<vmem>>, vector<1x1x16xf32>,
      %get3A_309 = vector.shape_cast %get3A_308 : vector<1x1x16xf32> to vector<16xf32>
      %mul3A_310 = arith.mulf %get3A_303, %get3A_309 : vector<16xf32>
      %swap3A_311 = arith.constant 0 : i32
      %swap3A_312 = arith.index_cast %swap3A_311 : i32 to index
      %swap3A_313 = arith.index_cast %scan3A_159 : i32 to index
      %swap3A_314 = arith.constant 112 : index
      %swap3A_315 = tpu.vector_load %arg10[%swap3A_312, %swap3A_313, %swap3A_314] {strides = array<i32>} : memref<2x40x128xf32, #tpu.memory_space<vmem>>, vector<1x1x16xf32>,
      %swap3A_316 = vector.shape_cast %swap3A_315 : vector<1x1x16xf32> to vector<16xf32>
      %swap3A_317 = vector.shape_cast %mul3A_310 : vector<16xf32> to vector<1x1x16xf32>
      tpu.vector_store %arg10[%swap3A_312, %swap3A_313, %swap3A_314], %swap3A_317 {strides = array<i32>} : memref<2x40x128xf32, #tpu.memory_space<vmem>>, vector<1x1x16xf32>,
    }
    %scan3A_88 = arith.constant 40 : i32
    %mul3A_89 = arith.constant 125 : i32
    %mul3A_90 = arith.muli %add3A, %mul3A_89 : i32
    %add3A_91 = arith.constant 124 : i32
    %add3A_92 = arith.addi %mul3A_90, %add3A_91 : i32
    %dma_wait3A_93 = arith.constant 0 : i32
    %dma_wait3A_94 = arith.constant 0 : i32
    %dma_wait3A_95 = arith.constant 0 : i32
    %dma_wait3A_96 = tpu.memref_slice %arg9[%dma_wait3A_93, %dma_wait3A_94, %dma_wait3A_95] : memref<2x1x40xi32, #tpu.memory_space<vmem>> -> memref<1x1x40xi32, #tpu.memory_space<vmem>>
    %dma_wait3A_97 = tpu.memref_squeeze %dma_wait3A_96 : memref<1x1x40xi32, #tpu.memory_space<vmem>> -> memref<1x40xi32, #tpu.memory_space<vmem>>
    %dma_wait3A_98 = arith.constant 0 : i32
    %dma_wait3A_99 = arith.constant 0 : i32
    %dma_wait3A_100 = tpu.memref_slice %arg5[%add3A_92, %dma_wait3A_98, %dma_wait3A_99] : memref<4000x1x40xi32, #tpu.memory_space<hbm>> -> memref<1x1x40xi32, #tpu.memory_space<hbm>>
    %dma_wait3A_101 = tpu.memref_squeeze %dma_wait3A_100 : memref<1x1x40xi32, #tpu.memory_space<hbm>> -> memref<1x40xi32, #tpu.memory_space<hbm>>
    %dma_wait3A_102 = arith.constant 0 : i32
    %dma_wait3A_103 = arith.constant 0 : i32
    %dma_wait3A_104 = tpu.memref_slice %arg9[%dma_wait3A_93, %dma_wait3A_102, %dma_wait3A_103] : memref<2x1x40xi32, #tpu.memory_space<vmem>> -> memref<1x1x40xi32, #tpu.memory_space<vmem>>
    %dma_wait3A_105 = tpu.memref_squeeze %dma_wait3A_104 : memref<1x1x40xi32, #tpu.memory_space<vmem>> -> memref<1x40xi32, #tpu.memory_space<vmem>>
    %dma_wait3A_106 = arith.constant 0 : i32
    %dma_wait3A_107 = arith.constant 0 : i32
    %dma_wait3A_108 = tpu.memref_slice %arg5[%add3A_92, %dma_wait3A_106, %dma_wait3A_107] : memref<4000x1x40xi32, #tpu.memory_space<hbm>> -> memref<1x1x40xi32, #tpu.memory_space<hbm>>
    %dma_wait3A_109 = tpu.memref_squeeze %dma_wait3A_108 : memref<1x1x40xi32, #tpu.memory_space<hbm>> -> memref<1x40xi32, #tpu.memory_space<hbm>>
    tpu.wait_dma2 semaphore(%arg13 : memref<!tpu.dma_semaphore, #tpu.memory_space<semaphore_mem>>) src(%dma_wait3A_109 : memref<1x40xi32, #tpu.memory_space<hbm>>) dst(%dma_wait3A_105 : memref<1x40xi32, #tpu.memory_space<vmem>>)
    %dma_start3A_110 = arith.constant 0 : i32
    %dma_start3A_111 = arith.constant 0 : i32
    %dma_start3A_112 = arith.constant 0 : i32
    %dma_start3A_113 = arith.constant 0 : i32
    %dma_start3A_114 = arith.constant 0 : i32
    %dma_start3A_115 = tpu.memref_slice %arg10[%dma_start3A_110, %dma_start3A_113, %dma_start3A_114] : memref<2x40x128xf32, #tpu.memory_space<vmem>> -> memref<1x40x128xf32, #tpu.memory_space<vmem>>
    %dma_start3A_116 = tpu.memref_squeeze %dma_start3A_115 : memref<1x40x128xf32, #tpu.memory_space<vmem>> -> memref<40x128xf32, #tpu.memory_space<vmem>>
    %dma_start3A_117 = arith.constant 0 : i32
    %dma_start3A_118 = tpu.memref_slice %arg9[%dma_start3A_111, %dma_start3A_112, %dma_start3A_117] : memref<2x1x40xi32, #tpu.memory_space<vmem>> -> memref<1x1x40xi32, #tpu.memory_space<vmem>>
    %dma_start3A_119 = tpu.memref_squeeze %dma_start3A_118 : memref<1x1x40xi32, #tpu.memory_space<vmem>> -> memref<40xi32, #tpu.memory_space<vmem>>
    %dma_start3A_120 = arith.constant 0 : i32
    %dma_start3A_121 = arith.constant 0 : i32
    %dma_start3A_122 = tpu.memref_slice %arg12[%dma_start3A_120, %dma_start3A_121] : memref<10000x128xf32, #tpu.memory_space<vmem_shared>> -> memref<10000x128xf32, #tpu.memory_space<vmem_shared>>
    tpu.enqueue_indirect_dma source(%dma_start3A_116 : memref<40x128xf32, #tpu.memory_space<vmem>>) target(%dma_start3A_122 : memref<10000x128xf32, #tpu.memory_space<vmem_shared>>) offsets(%dma_start3A_119 : memref<40xi32, #tpu.memory_space<vmem>>) semaphore(%arg19 : memref<!tpu.dma_semaphore, #tpu.memory_space<semaphore_mem>>) {add = true}
    %dma_wait3A_123 = arith.constant 0 : i32
    %dma_wait3A_124 = arith.constant 0 : i32
    %dma_wait3A_125 = arith.constant 0 : i32
    %dma_wait3A_126 = arith.constant 0 : i32
    %dma_wait3A_127 = arith.constant 0 : i32
    %dma_wait3A_128 = tpu.memref_slice %arg10[%dma_wait3A_123, %dma_wait3A_126, %dma_wait3A_127] : memref<2x40x128xf32, #tpu.memory_space<vmem>> -> memref<1x40x128xf32, #tpu.memory_space<vmem>>
    %dma_wait3A_129 = tpu.memref_squeeze %dma_wait3A_128 : memref<1x40x128xf32, #tpu.memory_space<vmem>> -> memref<40x128xf32, #tpu.memory_space<vmem>>
    %dma_wait3A_130 = arith.constant 0 : i32
    %dma_wait3A_131 = tpu.memref_slice %arg9[%dma_wait3A_124, %dma_wait3A_125, %dma_wait3A_130] : memref<2x1x40xi32, #tpu.memory_space<vmem>> -> memref<1x1x40xi32, #tpu.memory_space<vmem>>
    %dma_wait3A_132 = tpu.memref_squeeze %dma_wait3A_131 : memref<1x1x40xi32, #tpu.memory_space<vmem>> -> memref<40xi32, #tpu.memory_space<vmem>>
    %dma_wait3A_133 = arith.constant 0 : i32
    %dma_wait3A_134 = arith.constant 0 : i32
    %dma_wait3A_135 = tpu.memref_slice %arg12[%dma_wait3A_133, %dma_wait3A_134] : memref<10000x128xf32, #tpu.memory_space<vmem_shared>> -> memref<10000x128xf32, #tpu.memory_space<vmem_shared>>
    tpu.wait_indirect_dma semaphore(%arg19 : memref<!tpu.dma_semaphore, #tpu.memory_space<semaphore_mem>>) src(%dma_wait3A_129 : memref<40x128xf32, #tpu.memory_space<vmem>>) dst(%dma_wait3A_135 : memref<10000x128xf32, #tpu.memory_space<vmem_shared>>)
    %dma_wait3A_136 = arith.constant 1 : i32
    %dma_wait3A_137 = arith.constant 1 : i32
    %dma_wait3A_138 = arith.constant 0 : i32
    %dma_wait3A_139 = arith.constant 0 : i32
    %dma_wait3A_140 = arith.constant 0 : i32
    %dma_wait3A_141 = tpu.memref_slice %arg10[%dma_wait3A_136, %dma_wait3A_139, %dma_wait3A_140] : memref<2x40x128xf32, #tpu.memory_space<vmem>> -> memref<1x40x128xf32, #tpu.memory_space<vmem>>
    %dma_wait3A_142 = tpu.memref_squeeze %dma_wait3A_141 : memref<1x40x128xf32, #tpu.memory_space<vmem>> -> memref<40x128xf32, #tpu.memory_space<vmem>>
    %dma_wait3A_143 = arith.constant 0 : i32
    %dma_wait3A_144 = tpu.memref_slice %arg9[%dma_wait3A_137, %dma_wait3A_138, %dma_wait3A_143] : memref<2x1x40xi32, #tpu.memory_space<vmem>> -> memref<1x1x40xi32, #tpu.memory_space<vmem>>
    %dma_wait3A_145 = tpu.memref_squeeze %dma_wait3A_144 : memref<1x1x40xi32, #tpu.memory_space<vmem>> -> memref<40xi32, #tpu.memory_space<vmem>>
    %dma_wait3A_146 = arith.constant 0 : i32
    %dma_wait3A_147 = arith.constant 0 : i32
    %dma_wait3A_148 = tpu.memref_slice %arg12[%dma_wait3A_146, %dma_wait3A_147] : memref<10000x128xf32, #tpu.memory_space<vmem_shared>> -> memref<10000x128xf32, #tpu.memory_space<vmem_shared>>
    tpu.wait_indirect_dma semaphore(%arg20 : memref<!tpu.dma_semaphore, #tpu.memory_space<semaphore_mem>>) src(%dma_wait3A_142 : memref<40x128xf32, #tpu.memory_space<vmem>>) dst(%dma_wait3A_148 : memref<10000x128xf32, #tpu.memory_space<vmem_shared>>)
    %barrier3A_149 = arith.constant 0 : index
    tpu.barrier barrier_id(%barrier3A_149)
    %mul3A_150 = arith.constant 624 : i32
    %mul3A_151 = arith.muli %arg1, %mul3A_150 : i32
    %mul3A_152 = arith.constant 624 : i32
    %mul3A_153 = arith.muli %arg1, %mul3A_152 : i32
    "tpu.region"() ({
      %run_scoped3A = tpu.sem_alloc : memref<!tpu.dma_semaphore, #tpu.memory_space<semaphore_mem>>
      %dma_start3A_159 = arith.constant 0 : i32
      %dma_start3A_160 = tpu.memref_slice %arg7[%arg0, %mul3A_153, %dma_start3A_159] : memref<2x10000x128xf32, #tpu.memory_space<hbm>> -> memref<1x624x128xf32, #tpu.memory_space<hbm>>
      %dma_start3A_161 = tpu.memref_squeeze %dma_start3A_160 : memref<1x624x128xf32, #tpu.memory_space<hbm>> -> memref<624x128xf32, #tpu.memory_space<hbm>>
      %dma_start3A_162 = arith.constant 0 : i32
      %dma_start3A_163 = tpu.memref_slice %arg12[%mul3A_151, %dma_start3A_162] : memref<10000x128xf32, #tpu.memory_space<vmem_shared>> -> memref<624x128xf32, #tpu.memory_space<vmem_shared>>
      tpu.enqueue_dma source(%dma_start3A_163 : memref<624x128xf32, #tpu.memory_space<vmem_shared>>) target(%dma_start3A_161 : memref<624x128xf32, #tpu.memory_space<hbm>>) target_semaphore(%run_scoped3A : memref<!tpu.dma_semaphore, #tpu.memory_space<semaphore_mem>>)
      %dma_wait3A_164 = arith.constant 0 : i32
      %dma_wait3A_165 = tpu.memref_slice %arg7[%arg0, %mul3A_153, %dma_wait3A_164] : memref<2x10000x128xf32, #tpu.memory_space<hbm>> -> memref<1x624x128xf32, #tpu.memory_space<hbm>>
      %dma_wait3A_166 = tpu.memref_squeeze %dma_wait3A_165 : memref<1x624x128xf32, #tpu.memory_space<hbm>> -> memref<624x128xf32, #tpu.memory_space<hbm>>
      %dma_wait3A_167 = arith.constant 0 : i32
      %dma_wait3A_168 = tpu.memref_slice %arg12[%mul3A_151, %dma_wait3A_167] : memref<10000x128xf32, #tpu.memory_space<vmem_shared>> -> memref<624x128xf32, #tpu.memory_space<vmem_shared>>
      tpu.wait_dma2 semaphore(%run_scoped3A : memref<!tpu.dma_semaphore, #tpu.memory_space<semaphore_mem>>) src(%dma_wait3A_168 : memref<624x128xf32, #tpu.memory_space<vmem_shared>>) dst(%dma_wait3A_166 : memref<624x128xf32, #tpu.memory_space<hbm>>)
      tpu.yield
    }) : () -> ()
    %eq3A_154 = arith.constant 15 : i32
    %eq3A_155 = arith.cmpi eq, %arg1, %eq3A_154 : i32
    %convert_element_type3A_156 = arith.extui %eq3A_155 : i1 to i32
    %cond3A_157 = arith.constant 0 : i32
    %cond3A_158 = arith.cmpi ne, %convert_element_type3A_156, %cond3A_157 : i32
    scf.if %cond3A_158 {
      "tpu.region"() ({
        %run_scoped3A = tpu.sem_alloc : memref<!tpu.dma_semaphore, #tpu.memory_space<semaphore_mem>>
        %dma_start3A_159 = arith.constant 9984 : i32
        %dma_start3A_160 = arith.constant 0 : i32
        %dma_start3A_161 = tpu.memref_slice %arg7[%arg0, %dma_start3A_159, %dma_start3A_160] : memref<2x10000x128xf32, #tpu.memory_space<hbm>> -> memref<1x16x128xf32, #tpu.memory_space<hbm>>
        %dma_start3A_162 = tpu.memref_squeeze %dma_start3A_161 : memref<1x16x128xf32, #tpu.memory_space<hbm>> -> memref<16x128xf32, #tpu.memory_space<hbm>>
        %dma_start3A_163 = arith.constant 9984 : i32
        %dma_start3A_164 = arith.constant 0 : i32
        %dma_start3A_165 = tpu.memref_slice %arg12[%dma_start3A_163, %dma_start3A_164] : memref<10000x128xf32, #tpu.memory_space<vmem_shared>> -> memref<16x128xf32, #tpu.memory_space<vmem_shared>>
        tpu.enqueue_dma source(%dma_start3A_165 : memref<16x128xf32, #tpu.memory_space<vmem_shared>>) target(%dma_start3A_162 : memref<16x128xf32, #tpu.memory_space<hbm>>) target_semaphore(%run_scoped3A : memref<!tpu.dma_semaphore, #tpu.memory_space<semaphore_mem>>)
        %dma_wait3A_166 = arith.constant 9984 : i32
        %dma_wait3A_167 = arith.constant 0 : i32
        %dma_wait3A_168 = tpu.memref_slice %arg7[%arg0, %dma_wait3A_166, %dma_wait3A_167] : memref<2x10000x128xf32, #tpu.memory_space<hbm>> -> memref<1x16x128xf32, #tpu.memory_space<hbm>>
        %dma_wait3A_169 = tpu.memref_squeeze %dma_wait3A_168 : memref<1x16x128xf32, #tpu.memory_space<hbm>> -> memref<16x128xf32, #tpu.memory_space<hbm>>
        %dma_wait3A_170 = arith.constant 9984 : i32
        %dma_wait3A_171 = arith.constant 0 : i32
        %dma_wait3A_172 = tpu.memref_slice %arg12[%dma_wait3A_170, %dma_wait3A_171] : memref<10000x128xf32, #tpu.memory_space<vmem_shared>> -> memref<16x128xf32, #tpu.memory_space<vmem_shared>>
        tpu.wait_dma2 semaphore(%run_scoped3A : memref<!tpu.dma_semaphore, #tpu.memory_space<semaphore_mem>>) src(%dma_wait3A_172 : memref<16x128xf32, #tpu.memory_space<vmem_shared>>) dst(%dma_wait3A_169 : memref<16x128xf32, #tpu.memory_space<hbm>>)
        tpu.yield
      }) : () -> ()
    } else {
    }
    return
  }
}

module attributes {stable_mosaic.version = 14 : i64} {
  func.func @_nn_body(%arg0: memref<10000x128xf32, #tpu.memory_space<vmem>>, %arg1: memref<128x128xf32, #tpu.memory_space<vmem>>, %arg2: memref<10000x128xf32, #tpu.memory_space<vmem>>) attributes {dimension_semantics = [], scalar_prefetch = 0 : i64, scratch_operands = 0 : i64, tpu.core_type = #tpu.core_type<tc>} {
    %get3A = arith.constant 0 : index
    %get3A_0 = arith.constant 0 : index
    %get3A_1 = vector.load %arg0[%get3A, %get3A_0] : memref<10000x128xf32, #tpu.memory_space<vmem>>, vector<10000x128xf32>
    %get3A_2 = arith.constant 0 : index
    %get3A_3 = arith.constant 0 : index
    %get3A_4 = vector.load %arg1[%get3A_2, %get3A_3] : memref<128x128xf32, #tpu.memory_space<vmem>>, vector<128x128xf32>
    %dot_general3A = arith.constant dense<0.000000e+00> : vector<10000x128xf32>
    %dot_general3A_5 = tpu.matmul %get3A_1, %get3A_4, %dot_general3A {dimension_numbers = #tpu.dot_dimension_numbers<[1], [1], [0], [0], [0, 0, 1, 0], [], []>, transpose_lhs_hint = false} : vector<10000x128xf32>, vector<128x128xf32>, vector<10000x128xf32> -> vector<10000x128xf32>
    %swap3A = arith.constant 0 : index
    %swap3A_6 = arith.constant 0 : index
    %swap3A_7 = vector.load %arg2[%swap3A, %swap3A_6] : memref<10000x128xf32, #tpu.memory_space<vmem>>, vector<10000x128xf32>
    tpu.vector_store %arg2[%swap3A, %swap3A_6], %dot_general3A_5 {strides = array<i32>} : memref<10000x128xf32, #tpu.memory_space<vmem>>, vector<10000x128xf32>,
    return
  }
}

module attributes {stable_mosaic.version = 14 : i64} {
  func.func @_emlp_body(%arg0: i32, %arg1: memref<64x6400xf32, #tpu.memory_space<vmem>>, %arg2: memref<128x64xf32, #tpu.memory_space<vmem>>, %arg3: memref<1x128xf32, #tpu.memory_space<vmem>>, %arg4: memref<128x128xf32, #tpu.memory_space<vmem>>, %arg5: memref<1x128xf32, #tpu.memory_space<vmem>>, %arg6: memref<6400x128xf32, #tpu.memory_space<vmem>>) attributes {dimension_semantics = [#tpu.dimension_semantics<arbitrary>], iteration_bounds = array<i64: 25>, scalar_prefetch = 0 : i64, scratch_operands = 0 : i64, tpu.core_type = #tpu.core_type<tc>, window_params = [{transform_indices = @transform_0, window_bounds = array<i64: 64, 6400>}, {pipeline_mode = #tpu.pipeline_mode<synchronous>, transform_indices = @transform_1, window_bounds = array<i64: 128, 64>}, {pipeline_mode = #tpu.pipeline_mode<synchronous>, transform_indices = @transform_2, window_bounds = array<i64: 1, 128>}, {pipeline_mode = #tpu.pipeline_mode<synchronous>, transform_indices = @transform_3, window_bounds = array<i64: 128, 128>}, {pipeline_mode = #tpu.pipeline_mode<synchronous>, transform_indices = @transform_4, window_bounds = array<i64: 1, 128>}, {transform_indices = @transform_5, window_bounds = array<i64: 6400, 128>}]} {
    %get3A = arith.constant 0 : index
    %get3A_0 = arith.constant 0 : index
    %get3A_1 = vector.load %arg1[%get3A, %get3A_0] : memref<64x6400xf32, #tpu.memory_space<vmem>>, vector<64x6400xf32>
    %get3A_2 = arith.constant 0 : index
    %get3A_3 = arith.constant 0 : index
    %get3A_4 = vector.load %arg2[%get3A_2, %get3A_3] : memref<128x64xf32, #tpu.memory_space<vmem>>, vector<128x64xf32>
    %dot_general3A = arith.constant dense<0.000000e+00> : vector<6400x128xf32>
    %dot_general3A_5 = tpu.matmul %get3A_1, %get3A_4, %dot_general3A {dimension_numbers = #tpu.dot_dimension_numbers<[0], [1], [1], [0], [0, 1, 1, 0], [], []>, transpose_lhs_hint = false} : vector<64x6400xf32>, vector<128x64xf32>, vector<6400x128xf32> -> vector<6400x128xf32>
    %get3A_6 = arith.constant 0 : index
    %get3A_7 = arith.constant 0 : index
    %get3A_8 = vector.load %arg3[%get3A_6, %get3A_7] : memref<1x128xf32, #tpu.memory_space<vmem>>, vector<1x128xf32>
    %add3A = vector.broadcast %get3A_8 : vector<1x128xf32> to vector<6400x128xf32>
    %add3A_9 = arith.addf %dot_general3A_5, %add3A : vector<6400x128xf32>
    %mul3A = arith.constant 5.000000e-01 : f32
    %mul3A_10 = vector.broadcast %mul3A : f32 to vector<6400x128xf32>
    %mul3A_11 = arith.mulf %mul3A_10, %add3A_9 : vector<6400x128xf32>
    %custom_jvp_call3A = arith.constant 0.000000e+00 : f32
    %max3A = vector.broadcast %custom_jvp_call3A : f32 to vector<6400x128xf32>
    %max3A_12 = arith.maximumf %max3A, %mul3A_11 : vector<6400x128xf32>
    %sub3A = vector.broadcast %custom_jvp_call3A : f32 to vector<6400x128xf32>
    %sub3A_13 = arith.subf %sub3A, %mul3A_11 : vector<6400x128xf32>
    %ne3A = arith.cmpf one, %sub3A_13, %sub3A_13 : vector<6400x128xf32>
    %add3A_14 = vector.broadcast %custom_jvp_call3A : f32 to vector<6400x128xf32>
    %add3A_15 = arith.addf %add3A_14, %mul3A_11 : vector<6400x128xf32>
    %abs3A = math.absf %sub3A_13 : vector<6400x128xf32>
    %neg3A = arith.constant 0.000000e+00 : f32
    %neg3A_16 = vector.broadcast %neg3A : f32 to vector<6400x128xf32>
    %neg3A_17 = arith.subf %neg3A_16, %abs3A : vector<6400x128xf32>
    %exp3A = math.exp %neg3A_17 : vector<6400x128xf32>
    %log1p3A = math.log1p %exp3A : vector<6400x128xf32>
    %add3A_18 = arith.addf %max3A_12, %log1p3A : vector<6400x128xf32>
    %select_n3A = arith.select %ne3A, %add3A_15, %add3A_18 : vector<6400x128xi1>, vector<6400x128xf32>
    %mul3A_19 = arith.constant 2.000000e+00 : f32
    %mul3A_20 = vector.broadcast %mul3A_19 : f32 to vector<6400x128xf32>
    %mul3A_21 = arith.mulf %mul3A_20, %select_n3A : vector<6400x128xf32>
    %get3A_22 = arith.constant 0 : index
    %get3A_23 = arith.constant 0 : index
    %get3A_24 = vector.load %arg4[%get3A_22, %get3A_23] : memref<128x128xf32, #tpu.memory_space<vmem>>, vector<128x128xf32>
    %dot_general3A_25 = arith.constant dense<0.000000e+00> : vector<6400x128xf32>
    %dot_general3A_26 = tpu.matmul %mul3A_21, %get3A_24, %dot_general3A_25 {dimension_numbers = #tpu.dot_dimension_numbers<[1], [1], [0], [0], [0, 0, 1, 0], [], []>, transpose_lhs_hint = false} : vector<6400x128xf32>, vector<128x128xf32>, vector<6400x128xf32> -> vector<6400x128xf32>
    %get3A_27 = arith.constant 0 : index
    %get3A_28 = arith.constant 0 : index
    %get3A_29 = vector.load %arg5[%get3A_27, %get3A_28] : memref<1x128xf32, #tpu.memory_space<vmem>>, vector<1x128xf32>
    %add3A_30 = vector.broadcast %get3A_29 : vector<1x128xf32> to vector<6400x128xf32>
    %add3A_31 = arith.addf %dot_general3A_26, %add3A_30 : vector<6400x128xf32>
    %swap3A = arith.constant 0 : index
    %swap3A_32 = arith.constant 0 : index
    %swap3A_33 = vector.load %arg6[%swap3A, %swap3A_32] : memref<6400x128xf32, #tpu.memory_space<vmem>>, vector<6400x128xf32>
    tpu.vector_store %arg6[%swap3A, %swap3A_32], %add3A_31 {strides = array<i32>} : memref<6400x128xf32, #tpu.memory_space<vmem>>, vector<6400x128xf32>,
    return
  }
  func.func @transform_0(%arg0: i32) -> (i32, i32) {
    %add3A = arith.constant 25 : i32
    %add3A_0 = arith.addi %add3A, %arg0 : i32
    %c0_i32 = arith.constant 0 : i32
    %c0_i32_1 = arith.constant 0 : i32
    return %c0_i32, %add3A_0 : i32, i32
  }
  func.func @transform_1(%arg0: i32) -> (i32, i32) {
    %c0_i32 = arith.constant 0 : i32
    %c0_i32_0 = arith.constant 0 : i32
    %c0_i32_1 = arith.constant 0 : i32
    return %c0_i32, %c0_i32_0 : i32, i32
  }
  func.func @transform_2(%arg0: i32) -> (i32, i32) {
    %c0_i32 = arith.constant 0 : i32
    %c0_i32_0 = arith.constant 0 : i32
    %c0_i32_1 = arith.constant 0 : i32
    return %c0_i32, %c0_i32_0 : i32, i32
  }
  func.func @transform_3(%arg0: i32) -> (i32, i32) {
    %c0_i32 = arith.constant 0 : i32
    %c0_i32_0 = arith.constant 0 : i32
    %c0_i32_1 = arith.constant 0 : i32
    return %c0_i32, %c0_i32_0 : i32, i32
  }
  func.func @transform_4(%arg0: i32) -> (i32, i32) {
    %c0_i32 = arith.constant 0 : i32
    %c0_i32_0 = arith.constant 0 : i32
    %c0_i32_1 = arith.constant 0 : i32
    return %c0_i32, %c0_i32_0 : i32, i32
  }
  func.func @transform_5(%arg0: i32) -> (i32, i32) {
    %c0_i32 = arith.constant 0 : i32
    %c0_i32_0 = arith.constant 0 : i32
    return %arg0, %c0_i32 : i32, i32
  }
}

module attributes {stable_mosaic.version = 14 : i64} {
  func.func @_emlp_body(%arg0: i32, %arg1: memref<64x6400xf32, #tpu.memory_space<vmem>>, %arg2: memref<128x64xf32, #tpu.memory_space<vmem>>, %arg3: memref<1x128xf32, #tpu.memory_space<vmem>>, %arg4: memref<128x128xf32, #tpu.memory_space<vmem>>, %arg5: memref<1x128xf32, #tpu.memory_space<vmem>>, %arg6: memref<6400x128xf32, #tpu.memory_space<vmem>>) attributes {dimension_semantics = [#tpu.dimension_semantics<arbitrary>], iteration_bounds = array<i64: 25>, scalar_prefetch = 0 : i64, scratch_operands = 0 : i64, tpu.core_type = #tpu.core_type<tc>, window_params = [{transform_indices = @transform_0, window_bounds = array<i64: 64, 6400>}, {pipeline_mode = #tpu.pipeline_mode<synchronous>, transform_indices = @transform_1, window_bounds = array<i64: 128, 64>}, {pipeline_mode = #tpu.pipeline_mode<synchronous>, transform_indices = @transform_2, window_bounds = array<i64: 1, 128>}, {pipeline_mode = #tpu.pipeline_mode<synchronous>, transform_indices = @transform_3, window_bounds = array<i64: 128, 128>}, {pipeline_mode = #tpu.pipeline_mode<synchronous>, transform_indices = @transform_4, window_bounds = array<i64: 1, 128>}, {transform_indices = @transform_5, window_bounds = array<i64: 6400, 128>}]} {
    %get3A = arith.constant 0 : index
    %get3A_0 = arith.constant 0 : index
    %get3A_1 = vector.load %arg1[%get3A, %get3A_0] : memref<64x6400xf32, #tpu.memory_space<vmem>>, vector<64x6400xf32>
    %get3A_2 = arith.constant 0 : index
    %get3A_3 = arith.constant 0 : index
    %get3A_4 = vector.load %arg2[%get3A_2, %get3A_3] : memref<128x64xf32, #tpu.memory_space<vmem>>, vector<128x64xf32>
    %dot_general3A = arith.constant dense<0.000000e+00> : vector<6400x128xf32>
    %dot_general3A_5 = tpu.matmul %get3A_1, %get3A_4, %dot_general3A {dimension_numbers = #tpu.dot_dimension_numbers<[0], [1], [1], [0], [0, 1, 1, 0], [], []>, transpose_lhs_hint = false} : vector<64x6400xf32>, vector<128x64xf32>, vector<6400x128xf32> -> vector<6400x128xf32>
    %get3A_6 = arith.constant 0 : index
    %get3A_7 = arith.constant 0 : index
    %get3A_8 = vector.load %arg3[%get3A_6, %get3A_7] : memref<1x128xf32, #tpu.memory_space<vmem>>, vector<1x128xf32>
    %add3A = vector.broadcast %get3A_8 : vector<1x128xf32> to vector<6400x128xf32>
    %add3A_9 = arith.addf %dot_general3A_5, %add3A : vector<6400x128xf32>
    %mul3A = arith.constant 5.000000e-01 : f32
    %mul3A_10 = vector.broadcast %mul3A : f32 to vector<6400x128xf32>
    %mul3A_11 = arith.mulf %mul3A_10, %add3A_9 : vector<6400x128xf32>
    %custom_jvp_call3A = arith.constant 0.000000e+00 : f32
    %max3A = vector.broadcast %custom_jvp_call3A : f32 to vector<6400x128xf32>
    %max3A_12 = arith.maximumf %max3A, %mul3A_11 : vector<6400x128xf32>
    %sub3A = vector.broadcast %custom_jvp_call3A : f32 to vector<6400x128xf32>
    %sub3A_13 = arith.subf %sub3A, %mul3A_11 : vector<6400x128xf32>
    %ne3A = arith.cmpf one, %sub3A_13, %sub3A_13 : vector<6400x128xf32>
    %add3A_14 = vector.broadcast %custom_jvp_call3A : f32 to vector<6400x128xf32>
    %add3A_15 = arith.addf %add3A_14, %mul3A_11 : vector<6400x128xf32>
    %abs3A = math.absf %sub3A_13 : vector<6400x128xf32>
    %neg3A = arith.constant 0.000000e+00 : f32
    %neg3A_16 = vector.broadcast %neg3A : f32 to vector<6400x128xf32>
    %neg3A_17 = arith.subf %neg3A_16, %abs3A : vector<6400x128xf32>
    %exp3A = math.exp %neg3A_17 : vector<6400x128xf32>
    %log1p3A = math.log1p %exp3A : vector<6400x128xf32>
    %add3A_18 = arith.addf %max3A_12, %log1p3A : vector<6400x128xf32>
    %select_n3A = arith.select %ne3A, %add3A_15, %add3A_18 : vector<6400x128xi1>, vector<6400x128xf32>
    %mul3A_19 = arith.constant 2.000000e+00 : f32
    %mul3A_20 = vector.broadcast %mul3A_19 : f32 to vector<6400x128xf32>
    %mul3A_21 = arith.mulf %mul3A_20, %select_n3A : vector<6400x128xf32>
    %get3A_22 = arith.constant 0 : index
    %get3A_23 = arith.constant 0 : index
    %get3A_24 = vector.load %arg4[%get3A_22, %get3A_23] : memref<128x128xf32, #tpu.memory_space<vmem>>, vector<128x128xf32>
    %dot_general3A_25 = arith.constant dense<0.000000e+00> : vector<6400x128xf32>
    %dot_general3A_26 = tpu.matmul %mul3A_21, %get3A_24, %dot_general3A_25 {dimension_numbers = #tpu.dot_dimension_numbers<[1], [1], [0], [0], [0, 0, 1, 0], [], []>, transpose_lhs_hint = false} : vector<6400x128xf32>, vector<128x128xf32>, vector<6400x128xf32> -> vector<6400x128xf32>
    %get3A_27 = arith.constant 0 : index
    %get3A_28 = arith.constant 0 : index
    %get3A_29 = vector.load %arg5[%get3A_27, %get3A_28] : memref<1x128xf32, #tpu.memory_space<vmem>>, vector<1x128xf32>
    %add3A_30 = vector.broadcast %get3A_29 : vector<1x128xf32> to vector<6400x128xf32>
    %add3A_31 = arith.addf %dot_general3A_26, %add3A_30 : vector<6400x128xf32>
    %swap3A = arith.constant 0 : index
    %swap3A_32 = arith.constant 0 : index
    %swap3A_33 = vector.load %arg6[%swap3A, %swap3A_32] : memref<6400x128xf32, #tpu.memory_space<vmem>>, vector<6400x128xf32>
    tpu.vector_store %arg6[%swap3A, %swap3A_32], %add3A_31 {strides = array<i32>} : memref<6400x128xf32, #tpu.memory_space<vmem>>, vector<6400x128xf32>,
    return
  }
  func.func @transform_0(%arg0: i32) -> (i32, i32) {
    %add3A = arith.constant 0 : i32
    %add3A_0 = arith.addi %add3A, %arg0 : i32
    %c0_i32 = arith.constant 0 : i32
    %c0_i32_1 = arith.constant 0 : i32
    return %c0_i32, %add3A_0 : i32, i32
  }
  func.func @transform_1(%arg0: i32) -> (i32, i32) {
    %c0_i32 = arith.constant 0 : i32
    %c0_i32_0 = arith.constant 0 : i32
    %c0_i32_1 = arith.constant 0 : i32
    return %c0_i32, %c0_i32_0 : i32, i32
  }
  func.func @transform_2(%arg0: i32) -> (i32, i32) {
    %c0_i32 = arith.constant 0 : i32
    %c0_i32_0 = arith.constant 0 : i32
    %c0_i32_1 = arith.constant 0 : i32
    return %c0_i32, %c0_i32_0 : i32, i32
  }
  func.func @transform_3(%arg0: i32) -> (i32, i32) {
    %c0_i32 = arith.constant 0 : i32
    %c0_i32_0 = arith.constant 0 : i32
    %c0_i32_1 = arith.constant 0 : i32
    return %c0_i32, %c0_i32_0 : i32, i32
  }
  func.func @transform_4(%arg0: i32) -> (i32, i32) {
    %c0_i32 = arith.constant 0 : i32
    %c0_i32_0 = arith.constant 0 : i32
    %c0_i32_1 = arith.constant 0 : i32
    return %c0_i32, %c0_i32_0 : i32, i32
  }
  func.func @transform_5(%arg0: i32) -> (i32, i32) {
    %c0_i32 = arith.constant 0 : i32
    %c0_i32_0 = arith.constant 0 : i32
    return %arg0, %c0_i32 : i32, i32
  }
}

module attributes {stable_mosaic.version = 14 : i64} {
  func.func @_out_body(%arg0: i32, %arg1: memref<2x2000x128xf32, #tpu.memory_space<vmem>>, %arg2: memref<2x2000x128xf32, #tpu.memory_space<vmem>>, %arg3: memref<2000x128xf32, #tpu.memory_space<vmem>>, %arg4: memref<128x128xf32, #tpu.memory_space<vmem>>, %arg5: memref<1x128xf32, #tpu.memory_space<vmem>>, %arg6: memref<128x128xf32, #tpu.memory_space<vmem>>, %arg7: memref<1x128xf32, #tpu.memory_space<vmem>>, %arg8: memref<2000x128xf32, #tpu.memory_space<vmem>>) attributes {dimension_semantics = [#tpu.dimension_semantics<arbitrary>], iteration_bounds = array<i64: 5>, scalar_prefetch = 0 : i64, scratch_operands = 0 : i64, tpu.core_type = #tpu.core_type<tc>, window_params = [{transform_indices = @transform_0, window_bounds = array<i64: 2, 2000, 128>}, {transform_indices = @transform_1, window_bounds = array<i64: 2, 2000, 128>}, {transform_indices = @transform_2, window_bounds = array<i64: 2000, 128>}, {pipeline_mode = #tpu.pipeline_mode<synchronous>, transform_indices = @transform_3, window_bounds = array<i64: 128, 128>}, {pipeline_mode = #tpu.pipeline_mode<synchronous>, transform_indices = @transform_4, window_bounds = array<i64: 1, 128>}, {pipeline_mode = #tpu.pipeline_mode<synchronous>, transform_indices = @transform_5, window_bounds = array<i64: 128, 128>}, {pipeline_mode = #tpu.pipeline_mode<synchronous>, transform_indices = @transform_6, window_bounds = array<i64: 1, 128>}, {transform_indices = @transform_7, window_bounds = array<i64: 2000, 128>}]} {
    %get3A = arith.constant 0 : index
    %get3A_0 = arith.constant 0 : index
    %get3A_1 = arith.constant 0 : index
    %get3A_2 = vector.load %arg1[%get3A, %get3A_0, %get3A_1] : memref<2x2000x128xf32, #tpu.memory_space<vmem>>, vector<1x2000x128xf32>
    %get3A_3 = vector.shape_cast %get3A_2 : vector<1x2000x128xf32> to vector<2000x128xf32>
    %get3A_4 = arith.constant 1 : index
    %get3A_5 = arith.constant 0 : index
    %get3A_6 = arith.constant 0 : index
    %get3A_7 = vector.load %arg1[%get3A_4, %get3A_5, %get3A_6] : memref<2x2000x128xf32, #tpu.memory_space<vmem>>, vector<1x2000x128xf32>
    %get3A_8 = vector.shape_cast %get3A_7 : vector<1x2000x128xf32> to vector<2000x128xf32>
    %add3A = arith.addf %get3A_3, %get3A_8 : vector<2000x128xf32>
    %get3A_9 = arith.constant 0 : index
    %get3A_10 = arith.constant 0 : index
    %get3A_11 = arith.constant 0 : index
    %get3A_12 = vector.load %arg2[%get3A_9, %get3A_10, %get3A_11] : memref<2x2000x128xf32, #tpu.memory_space<vmem>>, vector<1x2000x128xf32>
    %get3A_13 = vector.shape_cast %get3A_12 : vector<1x2000x128xf32> to vector<2000x128xf32>
    %get3A_14 = arith.constant 1 : index
    %get3A_15 = arith.constant 0 : index
    %get3A_16 = arith.constant 0 : index
    %get3A_17 = vector.load %arg2[%get3A_14, %get3A_15, %get3A_16] : memref<2x2000x128xf32, #tpu.memory_space<vmem>>, vector<1x2000x128xf32>
    %get3A_18 = vector.shape_cast %get3A_17 : vector<1x2000x128xf32> to vector<2000x128xf32>
    %add3A_19 = arith.addf %get3A_13, %get3A_18 : vector<2000x128xf32>
    %add3A_20 = arith.addf %add3A, %add3A_19 : vector<2000x128xf32>
    %get3A_21 = arith.constant 0 : index
    %get3A_22 = arith.constant 0 : index
    %get3A_23 = vector.load %arg4[%get3A_21, %get3A_22] : memref<128x128xf32, #tpu.memory_space<vmem>>, vector<128x128xf32>
    %dot_general3A = arith.constant dense<0.000000e+00> : vector<2000x128xf32>
    %dot_general3A_24 = tpu.matmul %add3A_20, %get3A_23, %dot_general3A {dimension_numbers = #tpu.dot_dimension_numbers<[1], [1], [0], [0], [0, 0, 1, 0], [], []>, transpose_lhs_hint = false} : vector<2000x128xf32>, vector<128x128xf32>, vector<2000x128xf32> -> vector<2000x128xf32>
    %get3A_25 = arith.constant 0 : index
    %get3A_26 = arith.constant 0 : index
    %get3A_27 = vector.load %arg5[%get3A_25, %get3A_26] : memref<1x128xf32, #tpu.memory_space<vmem>>, vector<1x128xf32>
    %add3A_28 = vector.broadcast %get3A_27 : vector<1x128xf32> to vector<2000x128xf32>
    %add3A_29 = arith.addf %dot_general3A_24, %add3A_28 : vector<2000x128xf32>
    %mul3A = arith.constant 5.000000e-01 : f32
    %mul3A_30 = vector.broadcast %mul3A : f32 to vector<2000x128xf32>
    %mul3A_31 = arith.mulf %mul3A_30, %add3A_29 : vector<2000x128xf32>
    %custom_jvp_call3A = arith.constant 0.000000e+00 : f32
    %max3A = vector.broadcast %custom_jvp_call3A : f32 to vector<2000x128xf32>
    %max3A_32 = arith.maximumf %max3A, %mul3A_31 : vector<2000x128xf32>
    %sub3A = vector.broadcast %custom_jvp_call3A : f32 to vector<2000x128xf32>
    %sub3A_33 = arith.subf %sub3A, %mul3A_31 : vector<2000x128xf32>
    %ne3A = arith.cmpf one, %sub3A_33, %sub3A_33 : vector<2000x128xf32>
    %add3A_34 = vector.broadcast %custom_jvp_call3A : f32 to vector<2000x128xf32>
    %add3A_35 = arith.addf %add3A_34, %mul3A_31 : vector<2000x128xf32>
    %abs3A = math.absf %sub3A_33 : vector<2000x128xf32>
    %neg3A = arith.constant 0.000000e+00 : f32
    %neg3A_36 = vector.broadcast %neg3A : f32 to vector<2000x128xf32>
    %neg3A_37 = arith.subf %neg3A_36, %abs3A : vector<2000x128xf32>
    %exp3A = math.exp %neg3A_37 : vector<2000x128xf32>
    %log1p3A = math.log1p %exp3A : vector<2000x128xf32>
    %add3A_38 = arith.addf %max3A_32, %log1p3A : vector<2000x128xf32>
    %select_n3A = arith.select %ne3A, %add3A_35, %add3A_38 : vector<2000x128xi1>, vector<2000x128xf32>
    %mul3A_39 = arith.constant 2.000000e+00 : f32
    %mul3A_40 = vector.broadcast %mul3A_39 : f32 to vector<2000x128xf32>
    %mul3A_41 = arith.mulf %mul3A_40, %select_n3A : vector<2000x128xf32>
    %get3A_42 = arith.constant 0 : index
    %get3A_43 = arith.constant 0 : index
    %get3A_44 = vector.load %arg3[%get3A_42, %get3A_43] : memref<2000x128xf32, #tpu.memory_space<vmem>>, vector<2000x128xf32>
    %get3A_45 = arith.constant 0 : index
    %get3A_46 = arith.constant 0 : index
    %get3A_47 = vector.load %arg6[%get3A_45, %get3A_46] : memref<128x128xf32, #tpu.memory_space<vmem>>, vector<128x128xf32>
    %dot_general3A_48 = arith.constant dense<0.000000e+00> : vector<2000x128xf32>
    %dot_general3A_49 = tpu.matmul %mul3A_41, %get3A_47, %dot_general3A_48 {dimension_numbers = #tpu.dot_dimension_numbers<[1], [1], [0], [0], [0, 0, 1, 0], [], []>, transpose_lhs_hint = false} : vector<2000x128xf32>, vector<128x128xf32>, vector<2000x128xf32> -> vector<2000x128xf32>
    %add3A_50 = arith.addf %get3A_44, %dot_general3A_49 : vector<2000x128xf32>
    %get3A_51 = arith.constant 0 : index
    %get3A_52 = arith.constant 0 : index
    %get3A_53 = vector.load %arg7[%get3A_51, %get3A_52] : memref<1x128xf32, #tpu.memory_space<vmem>>, vector<1x128xf32>
    %add3A_54 = vector.broadcast %get3A_53 : vector<1x128xf32> to vector<2000x128xf32>
    %add3A_55 = arith.addf %add3A_50, %add3A_54 : vector<2000x128xf32>
    %swap3A = arith.constant 0 : index
    %swap3A_56 = arith.constant 0 : index
    %swap3A_57 = vector.load %arg8[%swap3A, %swap3A_56] : memref<2000x128xf32, #tpu.memory_space<vmem>>, vector<2000x128xf32>
    tpu.vector_store %arg8[%swap3A, %swap3A_56], %add3A_55 {strides = array<i32>} : memref<2000x128xf32, #tpu.memory_space<vmem>>, vector<2000x128xf32>,
    return
  }
  func.func @transform_0(%arg0: i32) -> (i32, i32, i32) {
    %c0_i32 = arith.constant 0 : i32
    %c0_i32_0 = arith.constant 0 : i32
    %c0_i32_1 = arith.constant 0 : i32
    return %c0_i32, %arg0, %c0_i32_0 : i32, i32, i32
  }
  func.func @transform_1(%arg0: i32) -> (i32, i32, i32) {
    %c0_i32 = arith.constant 0 : i32
    %c0_i32_0 = arith.constant 0 : i32
    %c0_i32_1 = arith.constant 0 : i32
    return %c0_i32, %arg0, %c0_i32_0 : i32, i32, i32
  }
  func.func @transform_2(%arg0: i32) -> (i32, i32) {
    %c0_i32 = arith.constant 0 : i32
    %c0_i32_0 = arith.constant 0 : i32
    return %arg0, %c0_i32 : i32, i32
  }
  func.func @transform_3(%arg0: i32) -> (i32, i32) {
    %c0_i32 = arith.constant 0 : i32
    %c0_i32_0 = arith.constant 0 : i32
    %c0_i32_1 = arith.constant 0 : i32
    return %c0_i32, %c0_i32_0 : i32, i32
  }
  func.func @transform_4(%arg0: i32) -> (i32, i32) {
    %c0_i32 = arith.constant 0 : i32
    %c0_i32_0 = arith.constant 0 : i32
    %c0_i32_1 = arith.constant 0 : i32
    return %c0_i32, %c0_i32_0 : i32, i32
  }
  func.func @transform_5(%arg0: i32) -> (i32, i32) {
    %c0_i32 = arith.constant 0 : i32
    %c0_i32_0 = arith.constant 0 : i32
    %c0_i32_1 = arith.constant 0 : i32
    return %c0_i32, %c0_i32_0 : i32, i32
  }
  func.func @transform_6(%arg0: i32) -> (i32, i32) {
    %c0_i32 = arith.constant 0 : i32
    %c0_i32_0 = arith.constant 0 : i32
    %c0_i32_1 = arith.constant 0 : i32
    return %c0_i32, %c0_i32_0 : i32, i32
  }
  func.func @transform_7(%arg0: i32) -> (i32, i32) {
    %c0_i32 = arith.constant 0 : i32
    %c0_i32_0 = arith.constant 0 : i32
    return %arg0, %c0_i32 : i32, i32
  }
}

</mosaic_0001>

<sc_bundles>
// kernel: kernel.11.cloned.1.call-start
scs
__scs_entry_jumppad:
0x0: {  	(pc) =	sbr.rel $0x88, $3  }
0x1: {  	(tag) =	ssettag $0x0;
	lr =	simm.s32 $0x1  }
0x2: {  	[smem:$0x3F95] =	sst lr;
	_ =	strace $0xD0000000  }
0x3: {  	_ = 	snop  }
0x4: {  	_ = 	snop  }
0x5: {  	_ = 	snop  }
0x6: {  	_ = 	snop  }
0x7: {  	_ = 	snop  }
__scs_overlays_trampoline_lowered:
0x8: {  	[smem:$0x3FA4] =	sst s0  }
0x9: {  	[smem:$0x3FA5] =	sst s1  }
0xa: {  	[smem:$0x3FA6] =	sst s2  }
0xb: {  	[smem:$0x3FA7] =	sst s3  }
0xc: {  	[smem:$0x3FA8] =	sst s4  }
0xd: {  	[smem:$0x3FA9] =	sst s5  }
0xe: {  	[smem:$0x3FAA] =	sst s6  }
0xf: {  	[smem:$0x3FAB] =	sst s7  }
0x10: {  	[smem:$0x3FAC] =	sst s8  }
0x11: {  	[smem:$0x3FAD] =	sst s9;
	s0 =	simm.s32 @!p0 $0x0  }
0x12: {  	s1 =	sld [smem:$0x3F93];
	s0 =	simm.s32 @p0 $0x1  }
0x13: {  	[smem:$0x3FAE] =	sst s0;
	s0 =	simm.s32 @!p1 $0x0  }
0x14: {  	s2 =	sld [smem:$0x3F92];
	s0 =	simm.s32 @p1 $0x1  }
0x15: {  	[smem:$0x3FAF] =	sst s0;
	s0 =	simm.s32 @!p2 $0x0  }
0x16: {  	s3 =	sld [smem:$0x3FDB];
	s0 =	simm.s32 @p2 $0x1  }
0x17: {  	s4 =	simm.s32 $0x1BF5;
	[smem:$0x3FB1] =	sst s0  }
0x18: {  	s0 =	sld [smem:$0x3F94];
	_ =	swait.ge [sflag:s4], $0x0  }
0x19: {  	s7 =	sld [smem:$0x3F95]  }
0x1a: {  	s8 =	sadd.s32 $0xFFFFE003, lr  }
0x1b: {  	s9 =	sadd.s32 $0xFFFFFEF7, lr;
	s5 =	simm.s32 $0xFFFFFFFF;
	p2 =	slt.u32 s8, $0xFFFFF086  }
0x1c: {  	p1 =	slt.u32 s9, $0xF7A;
	s5 =	simm.s32 @!p2 $0x0  }
0x1d: {  	s5 =	simm.s32 @p1 $0x1;
	p0 =	seq.s32 s7, s2  }
0x1e: {  	s7 =	smul.u32 @!p0 $0xF7A, s2;
	p2 =	seq.s32 @!p0 s5, $0x0  }
0x1f: {  	s9 =	smul.u32 $0xF7A, s1;
	s8 =	simm.s32 @!p0 $0x1BF5;
	p2 =	por !p2, p0  }
0x20: {  	[sflag:s8] =	ssyncset.s32 @!p0 $0xFFFFF086;
	s6 =	sadd.s32 @!p0 s3, s7;
	s7 =	simm.s32 @!p0 $0x108  }
0x21: {  	s3 =	sadd.s32 s3, s9;
	s6 =	sadd.s32 @!p0 $0x88, s6;
	s7 =	simm.s32 @p2 $0x1082  }
0x22: {  	[simem:s7], [sflag:s8] =	dma.local @!p0 [hbm:s6], $0xF7A  }
0x23: {  	s9 =	sor.u32 $0xD0000000, s2;
	s6 =	simm.s32 $0x108;
	_ =	swait.ge @!p0 [sflag:s8], $0x0  }
0x24: {  	s3 =	sadd.s32 $0x88, s3;
	s6 =	simm.s32 @!p1 $0x1082;
	[sflag:s4] =	ssyncset.s32 $0xFFFFF086  }
0x25: {  	[simem:s6], [sflag:s4] =	dma.local [hbm:s3], $0xF7A  }
0x26: {  	[smem:$0x3F95] =	sst s1;
	(tag) =	ssettag s2;
	_ =	strace s9  }
0x27: {  	s1 =	sld [smem:$0x3FA5]  }
0x28: {  	s2 =	sld [smem:$0x3FA6]  }
0x29: {  	s4 =	sld [smem:$0x3FA8]  }
0x2a: {  	p0 =	seq.s32 s5, $0x0;
	s5 =	sld [smem:$0x3FA9]  }
0x2b: {  	s6 =	sld [smem:$0x3FAA]  }
0x2c: {  	s7 =	sld [smem:$0x3FAB]  }
0x2d: {  	s3 =	simm.s32 $0x108;
	s8 =	sld [smem:$0x3FAC]  }
0x2e: {  	s3 =	simm.s32 @!p0 $0x1082;
	s9 =	sld [smem:$0x3FAD]  }
0x2f: {  	lr =	sadd.s32 s0, s3;
	s0 =	sld [smem:$0x3FA4]  }
0x30: {  	s3 =	sld [smem:$0x3FA7]  }
0x31: {  	[smem:$0x3FB0] =	sst s10  }
0x32: {  	s10 =	sld [smem:$0x3FAE];
	_ =	sdelay $0x3  }
0x33: {  	p0 =	seq.s32 s10, $0x1;
	s10 =	sld [smem:$0x3FB0];
	_ =	sdelay $0x3  }
0x34: {  	[smem:$0x3FB0] =	sst s10  }
0x35: {  	s10 =	sld [smem:$0x3FAF];
	_ =	sdelay $0x3  }
0x36: {  	p1 =	seq.s32 s10, $0x1;
	s10 =	sld [smem:$0x3FB0];
	_ =	sdelay $0x3  }
0x37: {  	[smem:$0x3FB0] =	sst s10  }
0x38: {  	s10 =	sld [smem:$0x3FB1]  }
0x39: {  	_ = 	snop;
	(pc) =	sbr.ind lr, $3  }
0x3a: {  	_ = 	snop  }
0x3b: {  	_ = 	snop  }
0x3c: {  	p2 =	seq.s32 s10, $0x1;
	s10 =	sld [smem:$0x3FB0]  }
0x3d: {  	_ =	shalt  }
0x3e: {  	_ =	shalt  }
0x3f: {  	_ =	shalt  }
0x40: {  	_ =	shalt  }
0x41: {  	_ =	shalt  }
0x42: {  	_ =	shalt  }
0x43: {  	_ =	shalt  }
0x44: {  	_ =	shalt  }
0x45: {  	_ =	shalt  }
0x46: {  	_ =	shalt  }
0x47: {  	_ =	shalt  }
0x48: {  	_ =	shalt  }
0x49: {  	_ =	shalt  }
0x4a: {  	_ =	shalt  }
0x4b: {  	_ =	shalt  }
0x4c: {  	_ =	shalt  }
0x4d: {  	_ =	shalt  }
0x4e: {  	_ =	shalt  }
0x4f: {  	_ =	shalt  }
0x50: {  	_ =	shalt  }
0x51: {  	_ =	shalt  }
0x52: {  	_ =	shalt  }
0x53: {  	_ =	shalt  }
0x54: {  	_ =	shalt  }
0x55: {  	_ =	shalt  }
0x56: {  	_ =	shalt  }
0x57: {  	_ =	shalt  }
0x58: {  	_ =	shalt  }
0x59: {  	_ =	shalt  }
0x5a: {  	_ =	shalt  }
0x5b: {  	_ =	shalt  }
0x5c: {  	_ =	shalt  }
0x5d: {  	_ =	shalt  }
0x5e: {  	_ =	shalt  }
0x5f: {  	_ =	shalt  }
0x60: {  	_ =	shalt  }
0x61: {  	_ =	shalt  }
0x62: {  	_ =	shalt  }
0x63: {  	_ =	shalt  }
0x64: {  	_ =	shalt  }
0x65: {  	_ =	shalt  }
0x66: {  	_ =	shalt  }
0x67: {  	_ =	shalt  }
0x68: {  	_ =	shalt  }
0x69: {  	_ =	shalt  }
0x6a: {  	_ =	shalt  }
0x6b: {  	_ =	shalt  }
0x6c: {  	_ =	shalt  }
0x6d: {  	_ =	shalt  }
0x6e: {  	_ =	shalt  }
0x6f: {  	_ =	shalt  }
0x70: {  	_ =	shalt  }
0x71: {  	_ =	shalt  }
0x72: {  	_ =	shalt  }
0x73: {  	_ =	shalt  }
0x74: {  	_ =	shalt  }
0x75: {  	_ =	shalt  }
0x76: {  	_ =	shalt  }
0x77: {  	_ =	shalt  }
0x78: {  	_ =	shalt  }
0x79: {  	_ =	shalt  }
0x7a: {  	_ =	shalt  }
0x7b: {  	_ =	shalt  }
0x7c: {  	_ =	shalt  }
0x7d: {  	_ =	shalt  }
0x7e: {  	_ =	shalt  }
0x7f: {  	_ =	shalt  }
0x80: {  	_ =	shalt  }
0x81: {  	_ =	shalt  }
0x82: {  	_ =	shalt  }
0x83: {  	_ =	shalt  }
0x84: {  	_ =	shalt  }
0x85: {  	_ =	shalt  }
0x86: {  	_ =	shalt  }
0x87: {  	_ =	shalt  }
.Lfunc_end0:
.L_simem_size_0:
called_computation.1_lowered:
.L_overlay_start_0:
0x88: {  	s2 =	sld [smem:$0x3FD9]  }
0x89: {  	s3 =	sld [smem:$0x3FFE];
	_ =	sdelay $0x1  }
0x8a: {  	s1 =	srdreg.scid  }
0x8b: {  	s0 =	sand.u32 $0x1, s1  }
0x8c: {  	s17 =	sshll.u32 s0, $0xA;
	s2 =	sadd.s32 s3, s2  }
0x8d: {  	s2 =	sadd.s32 s2, s17  }
0x8e: {  	[smem:$0x3FBC] =	sst s2  }
0x8f: {  	_ = 	snop  }
0x90: {  	s2 =	sld [smem:$0x3FD0];
	(tm) =	ssettm $0x1  }
0x91: {  	s18 =	sld [smem:$0x3FFB];
	_ =	sdelay $0x3  }
0x92: {  	_ =	strace s18  }
0x93: {  	s3 =	sld [smem:$0x3FFC];
	_ =	sdelay $0x3  }
0x94: {  	_ =	strace s3  }
0x95: {  	s3 =	sld [smem:$0x3FFD];
	_ =	sdelay $0x3  }
0x96: {  	_ =	strace s3  }
0x97: {  	_ =	strace $0x8FFFFFFF  }
0x98: {  	s19 =	sld [smem:$0x3FDB];
	_ =	sdelay $0x1  }
0x99: {  	s4 =	simm.s32 $_scs_section_size  }
0x9a: {  	s5 =	simm.s32 $_size__tile_overlayer_lowered;
	s6 =	simm.s32 $_tile_overlayer_lowered  }
0x9b: {  	s22 =	simm.s32 $0x1BFF;
	s21 =	sshll.u32 s6, $0x1;
	s3 =	sadd.s32 s4, s19  }
0x9c: {  	s7 =	simm.s32 $0x0;
	s20 =	sshll.u32 s5, $0x1;
	s5 =	sadd.s32 s21, s3  }
0x9d: {  	[timem:s7], [sflag:s22] =	dma.local [hbm:s5], s20  }
0x9e: {  	_ =	swait.ge [sflag:s22], s20  }
0x9f: {  	s4 =	ssub.s32 $0x0, s20;
	[sflag:s22] =	ssyncset.done $0x0  }
0xa0: {  	[sflag:s22] =	ssyncadd.s32 s4;
	_ =	sdelay $0x1  }
0xa1: {  	s23 =	simm.s32 $0x1B8B  }
0xa2: {  	_ =	swait.ge [sflag:s23], $0x1  }
0xa3: {  	[sflag:s23] =	ssyncset.done $0x0  }
0xa4: {  	s25 =	simm.s32 $0x1B8E;
	s24 =	sld [smem:$0x3FFE];
	[sflag:s23] =	ssyncadd.s32 $0xFFFFFFFF  }
0xa5: {  	s26 =	simm.s32 $execute0_lowered;
	[smem:$0x3FD2] =	sst s25  }
0xa6: {  	s5 =	sshll.u32 s26, $0x1;
	_ =	strace $0x80000046;
	[dreg:$0x1] =	wrdreg $0xFFFFFFFF  }
0xa7: {  	s28 =	simm.s32 $_size_execute0_lowered;
	s3 =	sadd.s32 s3, s5;
	[dreg:$0x0] =	wrdreg $0x0  }
0xa8: {  	s5 =	sshll.u32 s28, $0x1;
	[dreg:$0x2] =	wrdreg s3  }
0xa9: {  	[dreg:$0x3] =	wrdreg s5  }
0xaa: {  	[dreg:$0x4] =	wrdreg $0xC0  }
0xab: {  	_ =	task [dreg:s7], $0x5FFFF  }
0xac: {  	[dreg:$0x1] =	wrdreg $0xFFFFFFFF  }
0xad: {  	[dreg:$0x0] =	wrdreg $0x60  }
0xae: {  	[dreg:$0x2] =	wrdreg s2  }
0xaf: {  	[dreg:$0x3] =	wrdreg s24  }
0xb0: {  	[dreg:$0x4] =	wrdreg $0x65000  }
0xb1: {  	[dreg:$0x5] =	wrdreg $0xA  }
0xb2: {  	_ =	task.clear_ibuf [dreg:s7], $0x6FFFF;
	_ =	strace $0x90000046  }
0xb3: {  	s29 =	simm.s32 $0xA;
	_ =	strace $0x80000048  }
0xb4: {  	_ =	swait.ge [sflag:s29], $0x1  }
0xb5: {  	[sflag:s29] =	ssyncadd.s32 $0xFFFFFFFF  }
0xb6: {  	_ =	strace $0x90000048  }
0xb7: {  	_ =	sfence  }
0xb8: {  	s30 =	sld [smem:$0x0];
	_ =	sdelay $0x2  }
0xb9: {  	s31 =	sshll.u32 s1, $0xD;
	s1 =	sshrl.u32 s1, $0x2  }
0xba: {  	s3 =	sand.u32 $0x4000, s31;
	s1 =	sadd.s32 s1, s30  }
0xbb: {  	s0 =	sor.u32 s3, s0;
	s1 =	sshll.u32 s1, $0x11  }
0xbc: {  	s0 =	sor.u32 s1, s0  }
0xbd: {  	s0 =	sadd.s32 $0x8F2B, s0  }
0xbe: {  	[sflag:s0] =	ssyncadd.remote.s32 $0x1  }
0xbf: {  	_ =	sfence.sel $0xFFFF  }
0xc0: {  	[dreg:$0x0] =	wrdreg $0xFFFFFFFF;
	(pc) =	sbr.abs _section_cstart, $3  }
0xc1: {  	[dreg:$0x1] =	wrdreg $0xFFFFFFFF  }
0xc2: {  	_ =	task.clear_ibuf [dreg:s7], $0x2FFFF;
	_ =	strace $0x9FFFFFFF  }
0xc3: {  	(tm) =	ssettm $0x7FFFFFFF  }
tec
execute0_lowered:
.L_overlay_start_1:
0x0: {  	(tag) =	ssettag $0x1  }
0x1: {  	s1 =	rddreg [dreg:$0x0]  }
0x2: {  	s0 =	srdreg.scid;
	s2 =	rddreg [dreg:$0x1]  }
0x3: {  	s17 =	stileid.u32;
	s3 =	rddreg [dreg:$0x2];
	s19 =	simm.s32 $0x9  }
0x4: {  	s28 =	simm.s32 $0x2900;
	s29 =	simm.s32 $0x5;
	s30 =	simm.s32 $0x3  }
0x5: {  	s31 =	simm.s32 $0x1;
	s0 =	sand.u32 $0x1, s0;
	s11 =	smul.u32 $0x13800, s17  }
0x6: {  	s6 =	sadd.s32 $0x16600, s2;
	s9 =	smul.u32 $0x4E000, s17;
	s15 =	sadd.s32 $0x2AE800, s2  }
0x7: {  	s22 =	sshll.u32 s17, $0x6;
	s16 =	sadd.s32 $0x138000, s3;
	p0 =	sne.s32 s17, $0xF  }
0x8: {  	s4 =	sshll.u32 s0, $0x4;
	s13 =	ssub.s32 $0x2, s0;
	s0 =	smul.u32 $0x138800, s0  }
0x9: {  	s8 =	sor.u32 s17, s4;
	s4 =	simm.s32 $0x0;
	s10 =	sshrl.u32 s11, $0x3  }
0xa: {  	s14 =	sshrl.u32 s13, $0x1;
	s9 =	sshrl.u32 s9, $0x2;
	s5 =	smul.u32 $0x1388, s8  }
0xb: {  	[smem:$0x7FF] =	sst s4;
	s20 =	sadd.s32 s9, s3;
	s9 =	smul.u32 $0x7D, s8  }
0xc: {  	s10 =	sadd.s32 s10, s2;
	s13 =	ssub.s32 s13, s14;
	s24 =	smul.u32 $0x7D0, s8  }
0xd: {  	s8 =	smul.u32 $0x13880, s8;
	s11 =	sadd.s32 s11, s0;
	_ =	strace $0x80000047  }
0xe: {  	s0 =	sshrl.u32 s0, $0x3;
	s21 =	sadd.s32 $0x287600, s10;
	s10 =	sor.u32 $0x1C09, s22  }
0xf: {  	s25 =	sshrl.u32 s11, $0x3;
	s0 =	sadd.s32 s15, s0;
	s26 =	smax.u32 s13, $0x1  }
0x10: {  	s18 =	sshrl.u32 s20, $0x3;
	s20 =	sshrl.u32 @!p0 s16, $0x3;
	s22 =	simm.s32 $0x3D00  }
0x11: {  	s11 =	simm.s32 $0x2;
	s13 =	simm.s32 $0x0;
	s7 =	sshrl.u32 s5, $0x3  }
0x12: {  	[dreg:$0x4] =	wrdreg s21;
	s8 =	sadd.s32 s6, s8;
	s0 =	sadd.s32 $0x27000, s0  }
0x13: {  	[dreg:$0xb] =	wrdreg s26;
	s21 =	simm.s32 $0x1400;
	s26 =	simm.s32 $0x5100  }
0x14: {  	s12 =	sadd.s32 s7, s2;
	s7 =	sadd.s32 $0x6C00, s2;
	[dreg:$0x8] =	wrdreg s8  }
0x15: {  	s2 =	sadd.s32 $0x2AE600, s2;
	[dreg:$0xa] =	wrdreg s0;
	s0 =	simm.s32 $0x6  }
0x16: {  	s8 =	simm.s32 $0x4;
	[dreg:$0x5] =	wrdreg s2;
	s23 =	sadd.s32 $0x1C00, s12  }
0x17: {  	s2 =	sadd.s32 s7, s24;
	s24 =	simm.s32 $0x1500;
	[dreg:$0x6] =	wrdreg s23  }
0x18: {  	[dreg:$0x7] =	wrdreg s2;
	s2 =	sadd.s32 s15, s25;
	s23 =	simm.s32 $0x28  }
0x19: {  	s25 =	simm.s32 $0x1480;
	[dreg:$0x9] =	wrdreg s2;
	s2 =	simm.s32 $0x7  }
.LBB2_1:
0x1a: {  	s12 =	rddreg [dreg:$0x4]  }
0x1b: {  	[spmem:s18], [sflag:s10] =	dma.local [hbm:s12], $0x2700  }
0x1c: {  	_ =	swait.ge [sflag:s19], $0x2700  }
0x1d: {  	[sflag:s19] =	ssyncset.done $0x0  }
0x1e: {  	s14 =	simm.s32 @!p0 $0x9;
	s12 =	rddreg [dreg:$0x5];
	[sflag:s19] =	ssyncadd.s32 $0xFFFFD900  }
0x1f: {  	[spmem:s20], [sflag:s10] =	dma.local @!p0 [hbm:s12], $0x100  }
0x20: {  	_ =	swait.ge @!p0 [sflag:s14], $0x100  }
0x21: {  	[sflag:s14] =	ssyncset.done @!p0 $0x0  }
0x22: {  	s15 =	rddreg [dreg:$0x6];
	[sflag:s14] =	ssyncadd.s32 @!p0 $0xFFFFFF00  }
0x23: {  	[tilespmem:s4], [sflag:$0x9] =	stream.linear.gather [hbm4b:s15+s4], $0x1388, $0x38;
	[tilespmem:$0x19D80] =	vst v63  }
0x24: {  	_ =	swait.ge [sflag:s19], $0x1388  }
0x25: {  	[sflag:s19] =	ssyncset.done $0x0  }
0x26: {  	[sflag:s19] =	ssyncadd.s32 $0xFFFFEC78  }
0x27: {  	[bflag:$0x0] =	sbarrier.arrive $0xFFFF  }
0x28: {  	s16 =	rddreg [dreg:$0x7]  }
0x29: {  	[tilespmem:s21], [sflag:$0x1] =	stream.linear.gather [hbm4b:s16+s4], $0x80, $0x38;
	[tilespmem:$0x19D80] =	vst v63  }
0x2a: {  	s17 =	rddreg [dreg:$0x8]  }
0x2b: {  	[tilespmem:s22], [sflag:$0x5] =	stream.linear.gather [hbm4b:s17+s4], $0x1400, $0x38;
	[tilespmem:$0x19D80] =	vst v63  }
0x2c: {  	s14 =	simm.s32 $0x0  }
0x2d: {  	[tilespmem:s24], [sflag:$0x3] =	stream.indirect.gather [hbm4b:s1+s23], $0x80, s4, s23, $0xb8;
	[tilespmem:$0x19D80] =	vst v63  }
.LBB2_2:
0x2e: {  	p1 =	seq.s32 s14, $0x0;
	s15 =	sshllo.u32 s14, $0x1  }
0x2f: {  	s16 =	simm.s32 @!p1 $0x8;
	s17 =	sadd.s32 s9, s15;
	s15 =	smul.u32 $0x28, s15  }
0x30: {  	_ =	swait.ge @!p1 [sflag:s16], $0x1400;
	s17 =	sshll.u32 s17, $0x4  }
0x31: {  	[sflag:s16] =	ssyncset.done @!p1 $0x0;
	s17 =	sand.u32 $0x1FFFFFF0, s17;
	s12 =	sadd.s32 s5, s15  }
0x32: {  	[sflag:s16] =	ssyncadd.s32 @!p1 $0xFFFFEC00;
	s16 =	sadd.s32 s7, s17;
	s17 =	simm.s32 $0x0  }
0x33: {  	[tilespmem:s25], [sflag:$0x2] =	stream.linear.gather [hbm4b:s16+s17], $0x80, $0x38;
	[tilespmem:$0x19D80] =	vst v63  }
0x34: {  	s16 =	sshll.u32 s12, $0x4  }
0x35: {  	s16 =	sadd.s32 s6, s16  }
0x36: {  	[tilespmem:s26], [sflag:$0x6] =	stream.linear.gather [hbm4b:s16+s17], $0x1400, $0x38;
	[tilespmem:$0x19D80] =	vst v63  }
0x37: {  	_ = 	snop  }
0x38: {  	[tilespmem:s28], [sflag:$0x4] =	stream.indirect.gather [hbm4b:s1+s23], $0x80, s15, s23, $0xb8;
	[tilespmem:$0x19D80] =	vst v63  }
0x39: {  	_ =	swait.ge [sflag:s29], $0x1400  }
0x3a: {  	[sflag:s29] =	ssyncset.done $0x0  }
0x3b: {  	[sflag:s29] =	ssyncadd.s32 $0xFFFFEC00  }
0x3c: {  	_ =	swait.ge [sflag:s30], $0x1400  }
0x3d: {  	[sflag:s30] =	ssyncset.done $0x0  }
0x3e: {  	s15 =	simm.s32 $0x0;
	[sflag:s30] =	ssyncadd.s32 $0xFFFFEC00  }
0x3f: {  	v7 =	vld [tilespmem:s15+$0x3D00]  }
0x40: {  	v11 =	vld [tilespmem:s15+$0x3D10]  }
0x41: {  	v5 =	vld [tilespmem:s15+$0x3D20]  }
0x42: {  	v4 =	vld [tilespmem:s15+$0x3D30]  }
0x43: {  	v3 =	vld [tilespmem:s15+$0x3D40]  }
0x44: {  	v2 =	vld [tilespmem:s15+$0x3D50]  }
0x45: {  	v1 =	vld [tilespmem:s15+$0x3D60]  }
0x46: {  	v0 =	vld [tilespmem:s15+$0x3D70]  }
0x47: {  	v12 =	vld [tilespmem:s15+$0x1500]  }
0x48: {  	v13 =	vld [tilespmem:s15+$0x1510]  }
0x49: {  	v10 =	vld [tilespmem:s15+$0x1520]  }
0x4a: {  	v9 =	vld [tilespmem:s15+$0x1530]  }
0x4b: {  	v8 =	vld [tilespmem:s15+$0x1540]  }
0x4c: {  	v6 =	vld [tilespmem:s15+$0x1550];
	v12 =	vmul.f32 v7, v12  }
0x4d: {  	s16 =	sshll.u32 s14, $0x1;
	s17 =	simm.s32 $0x200;
	v11 =	vmul.f32 v11, v13;
	v7 =	vld [tilespmem:s15+$0x1560]  }
.LBB2_3:
0x4e: {  	s12 =	sshra.s32 s17, $0x2;
	p1 =	sne.s32 s17, $0x4E00;
	[tilespmem:s15+$0x1500] =	vst v12;
	v5 =	vmul.f32 v5, v10;
	v10 =	vld [tilespmem:s15+$0x1570]  }
0x4f: {  	v12 =	vld [tilespmem:s12+$0x3D00];
	[tilespmem:s15+$0x1510] =	vst v11;
	v4 =	vmul.f32 v4, v9  }
0x50: {  	v11 =	vld [tilespmem:s12+$0x3D10];
	[tilespmem:s15+$0x1520] =	vst v5;
	v3 =	vmul.f32 v3, v8  }
0x51: {  	v5 =	vld [tilespmem:s12+$0x3D20];
	[tilespmem:s15+$0x1530] =	vst v4;
	v2 =	vmul.f32 v2, v6  }
0x52: {  	v4 =	vld [tilespmem:s12+$0x3D30];
	[tilespmem:s15+$0x1540] =	vst v3;
	v1 =	vmul.f32 v1, v7  }
0x53: {  	v3 =	vld [tilespmem:s12+$0x3D40];
	[tilespmem:s15+$0x1550] =	vst v2;
	v0 =	vmul.f32 v0, v10  }
0x54: {  	v2 =	vld [tilespmem:s12+$0x3D50];
	[tilespmem:s15+$0x1560] =	vst v1  }
0x55: {  	v1 =	vld [tilespmem:s12+$0x3D60];
	[tilespmem:s15+$0x1570] =	vst v0;
	s15 =	smov.u32 s12  }
0x56: {  	v0 =	vld [tilespmem:s15+$0x3D70]  }
0x57: {  	v6 =	vld [tilespmem:s15+$0x1500]  }
0x58: {  	v7 =	vld [tilespmem:s15+$0x1510]  }
.Ltmp0:
0x59: {  	v10 =	vld [tilespmem:s15+$0x1520];
	(pc) =	sbr.rel @p1 .LBB2_3-.Ltmp0, $4  }
0x5a: {  	v9 =	vld [tilespmem:s15+$0x1530]  }
0x5b: {  	v8 =	vld [tilespmem:s15+$0x1540]  }
0x5c: {  	v12 =	vmul.f32 v12, v6;
	v6 =	vld [tilespmem:s15+$0x1550]  }
0x5d: {  	s17 =	sadd.s32 $0x200, s17;
	v11 =	vmul.f32 v11, v7;
	v7 =	vld [tilespmem:s15+$0x1560]  }
0x5e: {  	[tilespmem:s15+$0x1500] =	vst v12;
	v5 =	vmul.f32 v5, v10;
	v10 =	vld [tilespmem:s15+$0x1570]  }
0x5f: {  	[tilespmem:s15+$0x1510] =	vst v11;
	v4 =	vmul.f32 v4, v9  }
0x60: {  	[tilespmem:s15+$0x1520] =	vst v5;
	v3 =	vmul.f32 v3, v8  }
0x61: {  	[tilespmem:s15+$0x1530] =	vst v4;
	v2 =	vmul.f32 v2, v6  }
0x62: {  	[tilespmem:s15+$0x1540] =	vst v3;
	v1 =	vmul.f32 v1, v7  }
0x63: {  	[tilespmem:s15+$0x1550] =	vst v2;
	v0 =	vmul.f32 v0, v10  }
0x64: {  	[tilespmem:s15+$0x1560] =	vst v1  }
0x65: {  	[tilespmem:s15+$0x1570] =	vst v0  }
0x66: {  	_ =	swait.ge [sflag:s31], $0x80  }
0x67: {  	s12 =	sadd.s32 $0x2, s16;
	[sflag:s31] =	ssyncset.done $0x0  }
0x68: {  	s16 =	sadd.s32 s9, s12;
	s12 =	smul.u32 $0x28, s12;
	[sflag:s31] =	ssyncadd.s32 $0xFFFFFF80  }
0x69: {  	[spmem:s3] =	stream.indirect.scatter.add.f32 [tilespmem:s24], [sflag:$0x7], $0x80, s21, s23, $0xb8;
	[tilespmem:$0x19D80] =	vst v63  }
0x6a: {  	s15 =	sshll.u32 s16, $0x4;
	_ =	swait.ge [sflag:s2], $0x1400  }
0x6b: {  	s17 =	sadd.s32 s5, s12;
	s15 =	sand.u32 $0x1FFFFFF0, s15;
	[sflag:s2] =	ssyncset.done $0x0  }
0x6c: {  	s16 =	simm.s32 $0x0;
	s15 =	sadd.s32 s7, s15;
	[sflag:s2] =	ssyncadd.s32 $0xFFFFEC00  }
0x6d: {  	[tilespmem:s21], [sflag:$0x1] =	stream.linear.gather [hbm4b:s15+s16], $0x80, $0x38;
	[tilespmem:$0x19D80] =	vst v63  }
0x6e: {  	s15 =	sshll.u32 s17, $0x4  }
0x6f: {  	s15 =	sadd.s32 s6, s15  }
0x70: {  	[tilespmem:s22], [sflag:$0x5] =	stream.linear.gather [hbm4b:s15+s16], $0x1400, $0x38;
	[tilespmem:$0x19D80] =	vst v63  }
0x71: {  	_ = 	snop  }
0x72: {  	[tilespmem:s24], [sflag:$0x3] =	stream.indirect.gather [hbm4b:s1+s23], $0x80, s12, s23, $0xb8;
	[tilespmem:$0x19D80] =	vst v63  }
0x73: {  	_ =	swait.ge [sflag:s0], $0x1400  }
0x74: {  	[sflag:s0] =	ssyncset.done $0x0  }
0x75: {  	[sflag:s0] =	ssyncadd.s32 $0xFFFFEC00  }
0x76: {  	_ =	swait.ge [sflag:s8], $0x1400  }
0x77: {  	[sflag:s8] =	ssyncset.done $0x0  }
0x78: {  	s15 =	simm.s32 $0x0;
	[sflag:s8] =	ssyncadd.s32 $0xFFFFEC00  }
0x79: {  	v7 =	vld [tilespmem:s15+$0x5100]  }
0x7a: {  	v11 =	vld [tilespmem:s15+$0x5110]  }
0x7b: {  	v5 =	vld [tilespmem:s15+$0x5120]  }
0x7c: {  	v4 =	vld [tilespmem:s15+$0x5130]  }
0x7d: {  	v3 =	vld [tilespmem:s15+$0x5140]  }
0x7e: {  	v2 =	vld [tilespmem:s15+$0x5150]  }
0x7f: {  	v1 =	vld [tilespmem:s15+$0x5160]  }
0x80: {  	v0 =	vld [tilespmem:s15+$0x5170]  }
0x81: {  	v12 =	vld [tilespmem:s15+$0x2900]  }
0x82: {  	v13 =	vld [tilespmem:s15+$0x2910]  }
0x83: {  	v10 =	vld [tilespmem:s15+$0x2920]  }
0x84: {  	v9 =	vld [tilespmem:s15+$0x2930]  }
0x85: {  	v8 =	vld [tilespmem:s15+$0x2940]  }
0x86: {  	v6 =	vld [tilespmem:s15+$0x2950];
	v12 =	vmul.f32 v7, v12  }
0x87: {  	s16 =	simm.s32 $0x200;
	v11 =	vmul.f32 v11, v13;
	v7 =	vld [tilespmem:s15+$0x2960]  }
.LBB2_5:
0x88: {  	s12 =	sshra.s32 s16, $0x2;
	p1 =	sne.s32 s16, $0x4E00;
	[tilespmem:s15+$0x2900] =	vst v12;
	v5 =	vmul.f32 v5, v10;
	v10 =	vld [tilespmem:s15+$0x2970]  }
0x89: {  	v12 =	vld [tilespmem:s12+$0x5100];
	[tilespmem:s15+$0x2910] =	vst v11;
	v4 =	vmul.f32 v4, v9  }
0x8a: {  	v11 =	vld [tilespmem:s12+$0x5110];
	[tilespmem:s15+$0x2920] =	vst v5;
	v3 =	vmul.f32 v3, v8  }
0x8b: {  	v5 =	vld [tilespmem:s12+$0x5120];
	[tilespmem:s15+$0x2930] =	vst v4;
	v2 =	vmul.f32 v2, v6  }
0x8c: {  	v4 =	vld [tilespmem:s12+$0x5130];
	[tilespmem:s15+$0x2940] =	vst v3;
	v1 =	vmul.f32 v1, v7  }
0x8d: {  	v3 =	vld [tilespmem:s12+$0x5140];
	[tilespmem:s15+$0x2950] =	vst v2;
	v0 =	vmul.f32 v0, v10  }
0x8e: {  	v2 =	vld [tilespmem:s12+$0x5150];
	[tilespmem:s15+$0x2960] =	vst v1  }
0x8f: {  	v1 =	vld [tilespmem:s12+$0x5160];
	[tilespmem:s15+$0x2970] =	vst v0;
	s15 =	smov.u32 s12  }
0x90: {  	v0 =	vld [tilespmem:s15+$0x5170]  }
0x91: {  	v6 =	vld [tilespmem:s15+$0x2900]  }
0x92: {  	v7 =	vld [tilespmem:s15+$0x2910]  }
.Ltmp1:
0x93: {  	v10 =	vld [tilespmem:s15+$0x2920];
	(pc) =	sbr.rel @p1 .LBB2_5-.Ltmp1, $4  }
0x94: {  	v9 =	vld [tilespmem:s15+$0x2930]  }
0x95: {  	v8 =	vld [tilespmem:s15+$0x2940]  }
0x96: {  	v12 =	vmul.f32 v12, v6;
	v6 =	vld [tilespmem:s15+$0x2950]  }
0x97: {  	s16 =	sadd.s32 $0x200, s16;
	v11 =	vmul.f32 v11, v7;
	v7 =	vld [tilespmem:s15+$0x2960]  }
0x98: {  	[tilespmem:s15+$0x2900] =	vst v12;
	v5 =	vmul.f32 v5, v10;
	v63 =	vld [tilespmem:s15+$0x2970]  }
0x99: {  	[tilespmem:s15+$0x2910] =	vst v11;
	v4 =	vmul.f32 v4, v9  }
0x9a: {  	[tilespmem:s15+$0x2920] =	vst v5;
	v3 =	vmul.f32 v3, v8  }
0x9b: {  	[tilespmem:s15+$0x2930] =	vst v4;
	v2 =	vmul.f32 v2, v6  }
0x9c: {  	[tilespmem:s15+$0x2940] =	vst v3;
	v1 =	vmul.f32 v1, v7  }
0x9d: {  	s14 =	sadd.s32 $0x1, s14;
	[tilespmem:s15+$0x2950] =	vst v2;
	v0 =	vmul.f32 v0, v63  }
0x9e: {  	p1 =	sne.s32 s14, $0x3E;
	[tilespmem:s15+$0x2960] =	vst v1  }
.Ltmp2:
0x9f: {  	[tilespmem:s15+$0x2970] =	vst v0;
	(pc) =	sbr.rel @p1 .LBB2_2-.Ltmp2, $4  }
0xa0: {  	_ =	swait.ge [sflag:s11], $0x80  }
0xa1: {  	[sflag:s11] =	ssyncset.done $0x0  }
0xa2: {  	[sflag:s11] =	ssyncadd.s32 $0xFFFFFF80  }
0xa3: {  	[spmem:s3] =	stream.indirect.scatter.add.f32 [tilespmem:s28], [sflag:$0x8], $0x80, s25, s23, $0xb8;
	[tilespmem:$0x19D80] =	vst v63  }
0xa4: {  	_ =	swait.ge [sflag:s29], $0x1400  }
0xa5: {  	[sflag:s29] =	ssyncset.done $0x0  }
0xa6: {  	[sflag:s29] =	ssyncadd.s32 $0xFFFFEC00  }
0xa7: {  	_ =	swait.ge [sflag:s30], $0x1400  }
0xa8: {  	[sflag:s30] =	ssyncset.done $0x0  }
0xa9: {  	s14 =	simm.s32 $0x0;
	[sflag:s30] =	ssyncadd.s32 $0xFFFFEC00  }
0xaa: {  	v7 =	vld [tilespmem:s14+$0x3D00]  }
0xab: {  	v11 =	vld [tilespmem:s14+$0x3D10]  }
0xac: {  	v5 =	vld [tilespmem:s14+$0x3D20]  }
0xad: {  	v4 =	vld [tilespmem:s14+$0x3D30]  }
0xae: {  	v3 =	vld [tilespmem:s14+$0x3D40]  }
0xaf: {  	v2 =	vld [tilespmem:s14+$0x3D50]  }
0xb0: {  	v1 =	vld [tilespmem:s14+$0x3D60]  }
0xb1: {  	v0 =	vld [tilespmem:s14+$0x3D70]  }
0xb2: {  	v12 =	vld [tilespmem:s14+$0x1500]  }
0xb3: {  	v13 =	vld [tilespmem:s14+$0x1510]  }
0xb4: {  	v10 =	vld [tilespmem:s14+$0x1520]  }
0xb5: {  	v9 =	vld [tilespmem:s14+$0x1530]  }
0xb6: {  	v8 =	vld [tilespmem:s14+$0x1540]  }
0xb7: {  	v6 =	vld [tilespmem:s14+$0x1550];
	v12 =	vmul.f32 v7, v12  }
0xb8: {  	s15 =	simm.s32 $0x200;
	v11 =	vmul.f32 v11, v13;
	v7 =	vld [tilespmem:s14+$0x1560]  }
.LBB2_8:
0xb9: {  	s12 =	sshra.s32 s15, $0x2;
	p1 =	sne.s32 s15, $0x4E00;
	[tilespmem:s14+$0x1500] =	vst v12;
	v5 =	vmul.f32 v5, v10;
	v10 =	vld [tilespmem:s14+$0x1570]  }
0xba: {  	v12 =	vld [tilespmem:s12+$0x3D00];
	[tilespmem:s14+$0x1510] =	vst v11;
	v4 =	vmul.f32 v4, v9  }
0xbb: {  	v11 =	vld [tilespmem:s12+$0x3D10];
	[tilespmem:s14+$0x1520] =	vst v5;
	v3 =	vmul.f32 v3, v8  }
0xbc: {  	v5 =	vld [tilespmem:s12+$0x3D20];
	[tilespmem:s14+$0x1530] =	vst v4;
	v2 =	vmul.f32 v2, v6  }
0xbd: {  	v4 =	vld [tilespmem:s12+$0x3D30];
	[tilespmem:s14+$0x1540] =	vst v3;
	v1 =	vmul.f32 v1, v7  }
0xbe: {  	v3 =	vld [tilespmem:s12+$0x3D40];
	[tilespmem:s14+$0x1550] =	vst v2;
	v0 =	vmul.f32 v0, v10  }
0xbf: {  	v2 =	vld [tilespmem:s12+$0x3D50];
	[tilespmem:s14+$0x1560] =	vst v1  }
0xc0: {  	v1 =	vld [tilespmem:s12+$0x3D60];
	[tilespmem:s14+$0x1570] =	vst v0;
	s14 =	smov.u32 s12  }
0xc1: {  	v0 =	vld [tilespmem:s14+$0x3D70]  }
0xc2: {  	v6 =	vld [tilespmem:s14+$0x1500]  }
0xc3: {  	v7 =	vld [tilespmem:s14+$0x1510]  }
.Ltmp3:
0xc4: {  	v10 =	vld [tilespmem:s14+$0x1520];
	(pc) =	sbr.rel @p1 .LBB2_8-.Ltmp3, $4  }
0xc5: {  	v9 =	vld [tilespmem:s14+$0x1530]  }
0xc6: {  	v8 =	vld [tilespmem:s14+$0x1540]  }
0xc7: {  	v12 =	vmul.f32 v12, v6;
	v6 =	vld [tilespmem:s14+$0x1550]  }
0xc8: {  	s15 =	sadd.s32 $0x200, s15;
	v11 =	vmul.f32 v11, v7;
	v7 =	vld [tilespmem:s14+$0x1560]  }
0xc9: {  	[tilespmem:s14+$0x1500] =	vst v12;
	v5 =	vmul.f32 v5, v10;
	v63 =	vld [tilespmem:s14+$0x1570]  }
0xca: {  	[tilespmem:s14+$0x1510] =	vst v11;
	v4 =	vmul.f32 v4, v9  }
0xcb: {  	[tilespmem:s14+$0x1520] =	vst v5;
	v3 =	vmul.f32 v3, v8  }
0xcc: {  	[tilespmem:s14+$0x1530] =	vst v4;
	v2 =	vmul.f32 v2, v6  }
0xcd: {  	[tilespmem:s14+$0x1540] =	vst v3;
	v1 =	vmul.f32 v1, v7  }
0xce: {  	[tilespmem:s14+$0x1550] =	vst v2;
	v0 =	vmul.f32 v0, v63  }
0xcf: {  	[tilespmem:s14+$0x1560] =	vst v1  }
0xd0: {  	[tilespmem:s14+$0x1570] =	vst v0  }
0xd1: {  	_ =	swait.ge [sflag:s31], $0x80  }
0xd2: {  	[sflag:s31] =	ssyncset.done $0x0  }
0xd3: {  	[sflag:s31] =	ssyncadd.s32 $0xFFFFFF80  }
0xd4: {  	[spmem:s3] =	stream.indirect.scatter.add.f32 [tilespmem:s24], [sflag:$0x7], $0x80, s21, s23, $0xb8;
	[tilespmem:$0x19D80] =	vst v63  }
0xd5: {  	_ =	swait.ge [sflag:s2], $0x1400  }
0xd6: {  	[sflag:s2] =	ssyncset.done $0x0  }
0xd7: {  	s12 =	simm.s32 $0x8;
	[sflag:s2] =	ssyncadd.s32 $0xFFFFEC00  }
0xd8: {  	_ =	swait.ge [sflag:s12], $0x1400  }
0xd9: {  	[sflag:s12] =	ssyncset.done $0x0  }
0xda: {  	[sflag:s12] =	ssyncadd.s32 $0xFFFFEC00  }
0xdb: {  	[bflag:$0x0] =	sbarrier.arrive $0xFFFF  }
0xdc: {  	s16 =	rddreg [dreg:$0x9]  }
0xdd: {  	[hbm:s16], [sflag:s10] =	dma.local [spmem:s18], $0x2700  }
0xde: {  	_ =	swait.ge [sflag:s19], $0x2700  }
0xdf: {  	[sflag:s19] =	ssyncset.done $0x0  }
0xe0: {  	s12 =	rddreg [dreg:$0xa];
	[sflag:s19] =	ssyncadd.s32 $0xFFFFD900  }
0xe1: {  	[hbm:s12], [sflag:s10] =	dma.local @!p0 [spmem:s20], $0x100  }
0xe2: {  	s12 =	simm.s32 @!p0 $0x9  }
0xe3: {  	_ =	swait.ge @!p0 [sflag:s12], $0x100  }
0xe4: {  	s13 =	sadd.s32 $0x1, s13;
	s17 =	rddreg [dreg:$0xb]  }
0xe5: {  	p1 =	sne.s32 s13, s17  }
.Ltmp4:
0xe6: {  	_ = 	snop;
	(pc) =	sbr.rel @p1 .LBB2_1-.Ltmp4, $3  }
0xe7: {  	_ =	sdelay $0x1  }
0xe8: {  	[sflag:s12] =	ssyncset.done @!p0 $0x0  }
0xe9: {  	[sflag:s12] =	ssyncadd.s32 @!p0 $0xFFFFFF00  }
0xea: {  	_ =	sfence.sel $0x180000  }
0xeb: {  	[bflag:$0x0] =	sbarrier.arrive $0xFFFF  }
0xec: {  	_ =	strace $0x90000047  }
0xed: {  	s0 =	stileid.u32;
	[bflag:$0x2] =	sbarrier.arrive $0xFFFF  }
0xee: {  	p0 =	sne.s32 s0, $0x0;
	s0 =	rddreg [dreg:$0x3]  }
0xef: {  	s0 =	sadd.s32 @!p0 $0x100000, s0  }
0xf0: {  	[sflag:s0] =	ssyncadd.tile.s32 @!p0 $0x1;
	_ =	shalt  }
.Lfunc_end2:
_tile_overlayer_lowered:
.L_overlay_start_2:
0xf1: {  	(tag) =	ssettag $0x2  }
0xf2: {  	s0 =	rddreg [dreg:$0x0];
	s2 =	stileid.u32  }
0xf3: {  	s1 =	rddreg [dreg:$0x1];
	p0 =	sne.s32 s2, $0x0  }
0xf4: {  	s3 =	rddreg [dreg:$0x2];
	[bflag:$0x3] =	sbarrier.arrive $0xFFFF;
	s2 =	simm.s32 @!p0 $0x1C09  }
0xf5: {  	[timem:s3], [sflag:s2] =	dma.local @!p0 [hbm:s0], s1  }
0xf6: {  	s0 =	simm.s32 @!p0 $0x9  }
0xf7: {  	_ =	swait.ge @!p0 [sflag:s0], s1  }
0xf8: {  	s1 =	ssub.s32 @!p0 $0x0, s1;
	[sflag:s0] =	ssyncset.done @!p0 $0x0  }
0xf9: {  	[sflag:s0] =	ssyncadd.s32 @!p0 s1  }
0xfa: {  	[bflag:$0x3] =	sbarrier.arrive $0xFFFF  }
0xfb: {  	_ =	shalt  }

// kernel: kernel.8.cloned.1.call-start
scs
__scs_entry_jumppad:
0x0: {  	(pc) =	sbr.rel $0x88, $3  }
0x1: {  	(tag) =	ssettag $0x0;
	lr =	simm.s32 $0x1  }
0x2: {  	[smem:$0x3F95] =	sst lr;
	_ =	strace $0xD0000000  }
0x3: {  	_ = 	snop  }
0x4: {  	_ = 	snop  }
0x5: {  	_ = 	snop  }
0x6: {  	_ = 	snop  }
0x7: {  	_ = 	snop  }
__scs_overlays_trampoline_lowered:
0x8: {  	[smem:$0x3FA4] =	sst s0  }
0x9: {  	[smem:$0x3FA5] =	sst s1  }
0xa: {  	[smem:$0x3FA6] =	sst s2  }
0xb: {  	[smem:$0x3FA7] =	sst s3  }
0xc: {  	[smem:$0x3FA8] =	sst s4  }
0xd: {  	[smem:$0x3FA9] =	sst s5  }
0xe: {  	[smem:$0x3FAA] =	sst s6  }
0xf: {  	[smem:$0x3FAB] =	sst s7  }
0x10: {  	[smem:$0x3FAC] =	sst s8  }
0x11: {  	[smem:$0x3FAD] =	sst s9;
	s0 =	simm.s32 @!p0 $0x0  }
0x12: {  	s1 =	sld [smem:$0x3F93];
	s0 =	simm.s32 @p0 $0x1  }
0x13: {  	[smem:$0x3FAE] =	sst s0;
	s0 =	simm.s32 @!p1 $0x0  }
0x14: {  	s2 =	sld [smem:$0x3F92];
	s0 =	simm.s32 @p1 $0x1  }
0x15: {  	[smem:$0x3FAF] =	sst s0;
	s0 =	simm.s32 @!p2 $0x0  }
0x16: {  	s3 =	sld [smem:$0x3FDB];
	s0 =	simm.s32 @p2 $0x1  }
0x17: {  	s4 =	simm.s32 $0x1BF5;
	[smem:$0x3FB1] =	sst s0  }
0x18: {  	s0 =	sld [smem:$0x3F94];
	_ =	swait.ge [sflag:s4], $0x0  }
0x19: {  	s7 =	sld [smem:$0x3F95]  }
0x1a: {  	s8 =	sadd.s32 $0xFFFFE003, lr  }
0x1b: {  	s9 =	sadd.s32 $0xFFFFFEF7, lr;
	s5 =	simm.s32 $0xFFFFFFFF;
	p2 =	slt.u32 s8, $0xFFFFF086  }
0x1c: {  	p1 =	slt.u32 s9, $0xF7A;
	s5 =	simm.s32 @!p2 $0x0  }
0x1d: {  	s5 =	simm.s32 @p1 $0x1;
	p0 =	seq.s32 s7, s2  }
0x1e: {  	s7 =	smul.u32 @!p0 $0xF7A, s2;
	p2 =	seq.s32 @!p0 s5, $0x0  }
0x1f: {  	s9 =	smul.u32 $0xF7A, s1;
	s8 =	simm.s32 @!p0 $0x1BF5;
	p2 =	por !p2, p0  }
0x20: {  	[sflag:s8] =	ssyncset.s32 @!p0 $0xFFFFF086;
	s6 =	sadd.s32 @!p0 s3, s7;
	s7 =	simm.s32 @!p0 $0x108  }
0x21: {  	s3 =	sadd.s32 s3, s9;
	s6 =	sadd.s32 @!p0 $0x88, s6;
	s7 =	simm.s32 @p2 $0x1082  }
0x22: {  	[simem:s7], [sflag:s8] =	dma.local @!p0 [hbm:s6], $0xF7A  }
0x23: {  	s9 =	sor.u32 $0xD0000000, s2;
	s6 =	simm.s32 $0x108;
	_ =	swait.ge @!p0 [sflag:s8], $0x0  }
0x24: {  	s3 =	sadd.s32 $0x88, s3;
	s6 =	simm.s32 @!p1 $0x1082;
	[sflag:s4] =	ssyncset.s32 $0xFFFFF086  }
0x25: {  	[simem:s6], [sflag:s4] =	dma.local [hbm:s3], $0xF7A  }
0x26: {  	[smem:$0x3F95] =	sst s1;
	(tag) =	ssettag s2;
	_ =	strace s9  }
0x27: {  	s1 =	sld [smem:$0x3FA5]  }
0x28: {  	s2 =	sld [smem:$0x3FA6]  }
0x29: {  	s4 =	sld [smem:$0x3FA8]  }
0x2a: {  	p0 =	seq.s32 s5, $0x0;
	s5 =	sld [smem:$0x3FA9]  }
0x2b: {  	s6 =	sld [smem:$0x3FAA]  }
0x2c: {  	s7 =	sld [smem:$0x3FAB]  }
0x2d: {  	s3 =	simm.s32 $0x108;
	s8 =	sld [smem:$0x3FAC]  }
0x2e: {  	s3 =	simm.s32 @!p0 $0x1082;
	s9 =	sld [smem:$0x3FAD]  }
0x2f: {  	lr =	sadd.s32 s0, s3;
	s0 =	sld [smem:$0x3FA4]  }
0x30: {  	s3 =	sld [smem:$0x3FA7]  }
0x31: {  	[smem:$0x3FB0] =	sst s10  }
0x32: {  	s10 =	sld [smem:$0x3FAE];
	_ =	sdelay $0x3  }
0x33: {  	p0 =	seq.s32 s10, $0x1;
	s10 =	sld [smem:$0x3FB0];
	_ =	sdelay $0x3  }
0x34: {  	[smem:$0x3FB0] =	sst s10  }
0x35: {  	s10 =	sld [smem:$0x3FAF];
	_ =	sdelay $0x3  }
0x36: {  	p1 =	seq.s32 s10, $0x1;
	s10 =	sld [smem:$0x3FB0];
	_ =	sdelay $0x3  }
0x37: {  	[smem:$0x3FB0] =	sst s10  }
0x38: {  	s10 =	sld [smem:$0x3FB1]  }
0x39: {  	_ = 	snop;
	(pc) =	sbr.ind lr, $3  }
0x3a: {  	_ = 	snop  }
0x3b: {  	_ = 	snop  }
0x3c: {  	p2 =	seq.s32 s10, $0x1;
	s10 =	sld [smem:$0x3FB0]  }
0x3d: {  	_ =	shalt  }
0x3e: {  	_ =	shalt  }
0x3f: {  	_ =	shalt  }
0x40: {  	_ =	shalt  }
0x41: {  	_ =	shalt  }
0x42: {  	_ =	shalt  }
0x43: {  	_ =	shalt  }
0x44: {  	_ =	shalt  }
0x45: {  	_ =	shalt  }
0x46: {  	_ =	shalt  }
0x47: {  	_ =	shalt  }
0x48: {  	_ =	shalt  }
0x49: {  	_ =	shalt  }
0x4a: {  	_ =	shalt  }
0x4b: {  	_ =	shalt  }
0x4c: {  	_ =	shalt  }
0x4d: {  	_ =	shalt  }
0x4e: {  	_ =	shalt  }
0x4f: {  	_ =	shalt  }
0x50: {  	_ =	shalt  }
0x51: {  	_ =	shalt  }
0x52: {  	_ =	shalt  }
0x53: {  	_ =	shalt  }
0x54: {  	_ =	shalt  }
0x55: {  	_ =	shalt  }
0x56: {  	_ =	shalt  }
0x57: {  	_ =	shalt  }
0x58: {  	_ =	shalt  }
0x59: {  	_ =	shalt  }
0x5a: {  	_ =	shalt  }
0x5b: {  	_ =	shalt  }
0x5c: {  	_ =	shalt  }
0x5d: {  	_ =	shalt  }
0x5e: {  	_ =	shalt  }
0x5f: {  	_ =	shalt  }
0x60: {  	_ =	shalt  }
0x61: {  	_ =	shalt  }
0x62: {  	_ =	shalt  }
0x63: {  	_ =	shalt  }
0x64: {  	_ =	shalt  }
0x65: {  	_ =	shalt  }
0x66: {  	_ =	shalt  }
0x67: {  	_ =	shalt  }
0x68: {  	_ =	shalt  }
0x69: {  	_ =	shalt  }
0x6a: {  	_ =	shalt  }
0x6b: {  	_ =	shalt  }
0x6c: {  	_ =	shalt  }
0x6d: {  	_ =	shalt  }
0x6e: {  	_ =	shalt  }
0x6f: {  	_ =	shalt  }
0x70: {  	_ =	shalt  }
0x71: {  	_ =	shalt  }
0x72: {  	_ =	shalt  }
0x73: {  	_ =	shalt  }
0x74: {  	_ =	shalt  }
0x75: {  	_ =	shalt  }
0x76: {  	_ =	shalt  }
0x77: {  	_ =	shalt  }
0x78: {  	_ =	shalt  }
0x79: {  	_ =	shalt  }
0x7a: {  	_ =	shalt  }
0x7b: {  	_ =	shalt  }
0x7c: {  	_ =	shalt  }
0x7d: {  	_ =	shalt  }
0x7e: {  	_ =	shalt  }
0x7f: {  	_ =	shalt  }
0x80: {  	_ =	shalt  }
0x81: {  	_ =	shalt  }
0x82: {  	_ =	shalt  }
0x83: {  	_ =	shalt  }
0x84: {  	_ =	shalt  }
0x85: {  	_ =	shalt  }
0x86: {  	_ =	shalt  }
0x87: {  	_ =	shalt  }
.Lfunc_end0:
.L_simem_size_0:
called_computation_lowered:
.L_overlay_start_0:
0x88: {  	s2 =	sld [smem:$0x3FD9]  }
0x89: {  	s3 =	sld [smem:$0x3FFE];
	_ =	sdelay $0x1  }
0x8a: {  	s1 =	srdreg.scid  }
0x8b: {  	s0 =	sand.u32 $0x1, s1  }
0x8c: {  	s17 =	sshll.u32 s0, $0xA;
	s2 =	sadd.s32 s3, s2  }
0x8d: {  	s2 =	sadd.s32 s2, s17  }
0x8e: {  	[smem:$0x3FBC] =	sst s2  }
0x8f: {  	_ = 	snop  }
0x90: {  	s18 =	sld [smem:$0x3FD0];
	(tm) =	ssettm $0x1  }
0x91: {  	s19 =	sld [smem:$0x3FFB];
	_ =	sdelay $0x3  }
0x92: {  	_ =	strace s19  }
0x93: {  	s2 =	sld [smem:$0x3FFC];
	_ =	sdelay $0x3  }
0x94: {  	_ =	strace s2  }
0x95: {  	s2 =	sld [smem:$0x3FFD];
	_ =	sdelay $0x3  }
0x96: {  	_ =	strace s2  }
0x97: {  	_ =	strace $0x8FFFFFFF  }
0x98: {  	s20 =	sld [smem:$0x3FDB];
	_ =	sdelay $0x1  }
0x99: {  	s4 =	simm.s32 $_scs_section_size  }
0x9a: {  	s5 =	simm.s32 $_size__tile_overlayer_lowered;
	s6 =	simm.s32 $_tile_overlayer_lowered  }
0x9b: {  	s7 =	simm.s32 $0x1BFF;
	s21 =	sshll.u32 s6, $0x1;
	s4 =	sadd.s32 s4, s20  }
0x9c: {  	s22 =	simm.s32 $0x0;
	s5 =	sshll.u32 s5, $0x1;
	s6 =	sadd.s32 s21, s4  }
0x9d: {  	[timem:s22], [sflag:s7] =	dma.local [hbm:s6], s5  }
0x9e: {  	_ =	swait.ge [sflag:s7], s5  }
0x9f: {  	s5 =	ssub.s32 $0x0, s5;
	[sflag:s7] =	ssyncset.done $0x0  }
0xa0: {  	[sflag:s7] =	ssyncadd.s32 s5;
	_ =	sdelay $0x1  }
0xa1: {  	s23 =	simm.s32 $0x1B8B  }
0xa2: {  	_ =	swait.ge [sflag:s23], $0x1  }
0xa3: {  	[sflag:s23] =	ssyncset.done $0x0  }
0xa4: {  	[sflag:s23] =	ssyncadd.s32 $0xFFFFFFFF  }
0xa5: {  	s5 =	sld [smem:$0x0]  }
0xa6: {  	s6 =	sand.u32 $0xFFFFFFFE, s1  }
0xa7: {  	p0 =	sne.s32 s1, s6  }
0xa8: {  	s6 =	sshll.u32 @p0 s6, $0xE  }
0xa9: {  	s6 =	sadd.s32 @p0 $0x11B8D, s6;
	s7 =	sshll.u32 @p0 s5, $0x11  }
0xaa: {  	s6 =	sor.u32 @p0 s7, s6  }
0xab: {  	[sflag:s6] =	ssyncadd.remote.s32 @p0 $0x1;
	_ =	sdelay $0x1  }
0xac: {  	s6 =	simm.s32 @p0 $0x1B8D  }
0xad: {  	_ =	swait.eq @p0 [sflag:s6], $0x1  }
0xae: {  	[sflag:s6] =	ssyncadd.s32 @p0 $0xFFFFFFFF  }
0xaf: {  	s7 =	sshll.u32 @!p0 s1, $0xE  }
0xb0: {  	s7 =	sor.u32 @!p0 $0x4000, s7;
	s6 =	simm.s32 @!p0 $0x1B8D  }
0xb1: {  	s5 =	sshll.u32 @!p0 s5, $0x11;
	s7 =	sadd.s32 @!p0 $0x11B8D, s7;
	_ =	swait.eq @!p0 [sflag:s6], $0x1  }
0xb2: {  	s5 =	sor.u32 @!p0 s5, s7;
	[sflag:s6] =	ssyncadd.s32 @!p0 $0xFFFFFFFF  }
0xb3: {  	s25 =	simm.s32 $0x1B8E;
	s24 =	sld [smem:$0x3FFE];
	[sflag:s5] =	ssyncadd.remote.s32 @!p0 $0x1  }
0xb4: {  	s26 =	simm.s32 $execute0_lowered;
	[smem:$0x3FD2] =	sst s25  }
0xb5: {  	s6 =	sshll.u32 s26, $0x1;
	_ =	strace $0x80000049;
	[dreg:$0x1] =	wrdreg $0xFFFFFFFF  }
0xb6: {  	s28 =	simm.s32 $_size_execute0_lowered;
	s4 =	sadd.s32 s4, s6;
	[dreg:$0x0] =	wrdreg $0x0  }
0xb7: {  	s6 =	sshll.u32 s28, $0x1;
	[dreg:$0x2] =	wrdreg s4  }
0xb8: {  	[dreg:$0x3] =	wrdreg s6  }
0xb9: {  	[dreg:$0x4] =	wrdreg $0xC0  }
0xba: {  	_ =	task [dreg:s22], $0x5FFFF  }
0xbb: {  	[dreg:$0x1] =	wrdreg $0xFFFFFFFF  }
0xbc: {  	[dreg:$0x0] =	wrdreg $0x60  }
0xbd: {  	[dreg:$0x2] =	wrdreg s18  }
0xbe: {  	[dreg:$0x3] =	wrdreg s24  }
0xbf: {  	[dreg:$0x4] =	wrdreg $0x65000  }
0xc0: {  	[dreg:$0x5] =	wrdreg $0x9  }
0xc1: {  	_ =	task.clear_ibuf [dreg:s22], $0x6FFFF;
	_ =	strace $0x90000049  }
0xc2: {  	s29 =	simm.s32 $0x9;
	_ =	strace $0x8000004B  }
0xc3: {  	_ =	swait.ge [sflag:s29], $0x1  }
0xc4: {  	[sflag:s29] =	ssyncadd.s32 $0xFFFFFFFF  }
0xc5: {  	_ =	strace $0x9000004B  }
0xc6: {  	_ =	sfence  }
0xc7: {  	s30 =	sld [smem:$0x0];
	_ =	sdelay $0x2  }
0xc8: {  	s31 =	sshll.u32 s1, $0xD;
	s1 =	sshrl.u32 s1, $0x2  }
0xc9: {  	s4 =	sand.u32 $0x4000, s31;
	s1 =	sadd.s32 s1, s30  }
0xca: {  	s0 =	sor.u32 s4, s0;
	s1 =	sshll.u32 s1, $0x11  }
0xcb: {  	s0 =	sor.u32 s1, s0  }
0xcc: {  	s0 =	sadd.s32 $0x8F2B, s0  }
0xcd: {  	[sflag:s0] =	ssyncadd.remote.s32 $0x1  }
0xce: {  	_ =	sfence.sel $0xFFFF  }
0xcf: {  	[dreg:$0x0] =	wrdreg $0xFFFFFFFF;
	(pc) =	sbr.abs _section_cstart, $3  }
0xd0: {  	[dreg:$0x1] =	wrdreg $0xFFFFFFFF  }
0xd1: {  	_ =	task.clear_ibuf [dreg:s22], $0x2FFFF;
	_ =	strace $0x9FFFFFFF  }
0xd2: {  	(tm) =	ssettm $0x7FFFFFFF  }
0xd3: {  	_ =	shalt  }
tec
execute0_lowered:
.L_overlay_start_1:
0x0: {  	(tag) =	ssettag $0x1  }
0x1: {  	s1 =	rddreg [dreg:$0x0]  }
0x2: {  	s0 =	srdreg.scid;
	s2 =	rddreg [dreg:$0x1]  }
0x3: {  	s16 =	stileid.u32;
	s3 =	rddreg [dreg:$0x2];
	s19 =	simm.s32 $0x9  }
0x4: {  	s21 =	simm.s32 $0x1400;
	s22 =	simm.s32 $0x3D00;
	s28 =	simm.s32 $0x2900  }
0x5: {  	s29 =	simm.s32 $0x5;
	s30 =	simm.s32 $0x3;
	s31 =	simm.s32 $0x1  }
0x6: {  	s0 =	sand.u32 $0x1, s0;
	s11 =	smul.u32 $0x13800, s16;
	s6 =	sadd.s32 $0x2FCA00, s2  }
0x7: {  	s13 =	smul.u32 $0x4E000, s16;
	s14 =	sadd.s32 $0x582400, s2;
	s23 =	sshll.u32 s16, $0x6  }
0x8: {  	p0 =	sne.s32 s16, $0xF;
	s4 =	sshll.u32 s0, $0x4;
	s10 =	ssub.s32 $0x2, s0  }
0x9: {  	s0 =	smul.u32 $0x138800, s0;
	s8 =	sor.u32 s16, s4;
	s4 =	simm.s32 $0x0  }
0xa: {  	s9 =	sshrl.u32 s11, $0x3;
	s15 =	sshrl.u32 s10, $0x1;
	s5 =	smul.u32 $0x1388, s8  }
0xb: {  	s13 =	sshrl.u32 s13, $0x2;
	s15 =	ssub.s32 s10, s15;
	s10 =	smul.u32 $0x7D, s8  }
0xc: {  	[smem:$0x7FF] =	sst s4;
	s9 =	sadd.s32 s9, s2;
	s24 =	smul.u32 $0x7D0, s8  }
0xd: {  	s13 =	sadd.s32 s13, s3;
	s8 =	smul.u32 $0x13880, s8;
	s11 =	sadd.s32 s11, s0  }
0xe: {  	s0 =	sshrl.u32 s0, $0x3;
	_ =	strace $0x8000004A;
	s9 =	sadd.s32 $0x287600, s9  }
0xf: {  	s11 =	sshrl.u32 s11, $0x3;
	s0 =	sadd.s32 s14, s0;
	s26 =	smax.u32 s15, $0x1  }
0x10: {  	s18 =	sshrl.u32 s13, $0x3;
	s13 =	simm.s32 $0x0;
	s7 =	sshrl.u32 s5, $0x3  }
0x11: {  	[dreg:$0x4] =	wrdreg s9;
	s9 =	sor.u32 $0x1C09, s23;
	s8 =	sadd.s32 s6, s8  }
0x12: {  	s25 =	sadd.s32 s14, s11;
	s0 =	sadd.s32 $0x27000, s0;
	[dreg:$0xb] =	wrdreg s26  }
0x13: {  	s23 =	simm.s32 $0x28;
	s26 =	simm.s32 $0x5100;
	[dreg:$0x8] =	wrdreg s8  }
0x14: {  	s11 =	simm.s32 $0x2;
	s12 =	sadd.s32 s7, s2;
	[dreg:$0x9] =	wrdreg s25  }
0x15: {  	s7 =	sadd.s32 $0x572A00, s2;
	s2 =	sadd.s32 $0x2AE600, s2;
	[dreg:$0xa] =	wrdreg s0  }
0x16: {  	s25 =	simm.s32 $0x1480;
	s0 =	simm.s32 $0x6;
	s8 =	simm.s32 $0x4  }
0x17: {  	[dreg:$0x5] =	wrdreg s2;
	s2 =	sadd.s32 $0x138000, s3;
	s12 =	sadd.s32 $0x56DA00, s12  }
0x18: {  	[dreg:$0x6] =	wrdreg s12;
	s12 =	sadd.s32 s7, s24;
	s20 =	sshrl.u32 @!p0 s2, $0x3  }
0x19: {  	s24 =	simm.s32 $0x1500;
	s2 =	simm.s32 $0x7;
	[dreg:$0x7] =	wrdreg s12  }
.LBB2_1:
0x1a: {  	s12 =	rddreg [dreg:$0x4]  }
0x1b: {  	[spmem:s18], [sflag:s9] =	dma.local [hbm:s12], $0x2700  }
0x1c: {  	_ =	swait.ge [sflag:s19], $0x2700  }
0x1d: {  	[sflag:s19] =	ssyncset.done $0x0  }
0x1e: {  	s14 =	simm.s32 @!p0 $0x9;
	s12 =	rddreg [dreg:$0x5];
	[sflag:s19] =	ssyncadd.s32 $0xFFFFD900  }
0x1f: {  	[spmem:s20], [sflag:s9] =	dma.local @!p0 [hbm:s12], $0x100  }
0x20: {  	_ =	swait.ge @!p0 [sflag:s14], $0x100  }
0x21: {  	[sflag:s14] =	ssyncset.done @!p0 $0x0  }
0x22: {  	s15 =	rddreg [dreg:$0x6];
	[sflag:s14] =	ssyncadd.s32 @!p0 $0xFFFFFF00  }
0x23: {  	[tilespmem:s4], [sflag:$0x9] =	stream.linear.gather [hbm4b:s15+s4], $0x1388, $0x38;
	[tilespmem:$0x19D80] =	vst v63  }
0x24: {  	_ =	swait.ge [sflag:s19], $0x1388  }
0x25: {  	[sflag:s19] =	ssyncset.done $0x0  }
0x26: {  	[sflag:s19] =	ssyncadd.s32 $0xFFFFEC78  }
0x27: {  	[bflag:$0x0] =	sbarrier.arrive $0xFFFF  }
0x28: {  	s16 =	rddreg [dreg:$0x7]  }
0x29: {  	[tilespmem:s21], [sflag:$0x1] =	stream.linear.gather [hbm4b:s16+s4], $0x80, $0x38;
	[tilespmem:$0x19D80] =	vst v63  }
0x2a: {  	s17 =	rddreg [dreg:$0x8]  }
0x2b: {  	[tilespmem:s22], [sflag:$0x5] =	stream.linear.gather [hbm4b:s17+s4], $0x1400, $0x38;
	[tilespmem:$0x19D80] =	vst v63  }
0x2c: {  	s14 =	simm.s32 $0x0  }
0x2d: {  	[tilespmem:s24], [sflag:$0x3] =	stream.indirect.gather [hbm4b:s1+s23], $0x80, s4, s23, $0xb8;
	[tilespmem:$0x19D80] =	vst v63  }
.LBB2_2:
0x2e: {  	p1 =	seq.s32 s14, $0x0;
	s15 =	sshllo.u32 s14, $0x1  }
0x2f: {  	s16 =	simm.s32 @!p1 $0x8;
	s17 =	sadd.s32 s10, s15;
	s15 =	smul.u32 $0x28, s15  }
0x30: {  	_ =	swait.ge @!p1 [sflag:s16], $0x1400;
	s17 =	sshll.u32 s17, $0x4  }
0x31: {  	[sflag:s16] =	ssyncset.done @!p1 $0x0;
	s17 =	sand.u32 $0x1FFFFFF0, s17;
	s12 =	sadd.s32 s5, s15  }
0x32: {  	[sflag:s16] =	ssyncadd.s32 @!p1 $0xFFFFEC00;
	s16 =	sadd.s32 s7, s17;
	s17 =	simm.s32 $0x0  }
0x33: {  	[tilespmem:s25], [sflag:$0x2] =	stream.linear.gather [hbm4b:s16+s17], $0x80, $0x38;
	[tilespmem:$0x19D80] =	vst v63  }
0x34: {  	s16 =	sshll.u32 s12, $0x4  }
0x35: {  	s16 =	sadd.s32 s6, s16  }
0x36: {  	[tilespmem:s26], [sflag:$0x6] =	stream.linear.gather [hbm4b:s16+s17], $0x1400, $0x38;
	[tilespmem:$0x19D80] =	vst v63  }
0x37: {  	_ = 	snop  }
0x38: {  	[tilespmem:s28], [sflag:$0x4] =	stream.indirect.gather [hbm4b:s1+s23], $0x80, s15, s23, $0xb8;
	[tilespmem:$0x19D80] =	vst v63  }
0x39: {  	_ =	swait.ge [sflag:s29], $0x1400  }
0x3a: {  	[sflag:s29] =	ssyncset.done $0x0  }
0x3b: {  	[sflag:s29] =	ssyncadd.s32 $0xFFFFEC00  }
0x3c: {  	_ =	swait.ge [sflag:s30], $0x1400  }
0x3d: {  	[sflag:s30] =	ssyncset.done $0x0  }
0x3e: {  	s15 =	simm.s32 $0x0;
	[sflag:s30] =	ssyncadd.s32 $0xFFFFEC00  }
0x3f: {  	v7 =	vld [tilespmem:s15+$0x3D00]  }
0x40: {  	v11 =	vld [tilespmem:s15+$0x3D10]  }
0x41: {  	v5 =	vld [tilespmem:s15+$0x3D20]  }
0x42: {  	v4 =	vld [tilespmem:s15+$0x3D30]  }
0x43: {  	v3 =	vld [tilespmem:s15+$0x3D40]  }
0x44: {  	v2 =	vld [tilespmem:s15+$0x3D50]  }
0x45: {  	v1 =	vld [tilespmem:s15+$0x3D60]  }
0x46: {  	v0 =	vld [tilespmem:s15+$0x3D70]  }
0x47: {  	v12 =	vld [tilespmem:s15+$0x1500]  }
0x48: {  	v13 =	vld [tilespmem:s15+$0x1510]  }
0x49: {  	v10 =	vld [tilespmem:s15+$0x1520]  }
0x4a: {  	v9 =	vld [tilespmem:s15+$0x1530]  }
0x4b: {  	v8 =	vld [tilespmem:s15+$0x1540]  }
0x4c: {  	v6 =	vld [tilespmem:s15+$0x1550];
	v12 =	vmul.f32 v7, v12  }
0x4d: {  	s16 =	sshll.u32 s14, $0x1;
	s17 =	simm.s32 $0x200;
	v11 =	vmul.f32 v11, v13;
	v7 =	vld [tilespmem:s15+$0x1560]  }
.LBB2_3:
0x4e: {  	s12 =	sshra.s32 s17, $0x2;
	p1 =	sne.s32 s17, $0x4E00;
	[tilespmem:s15+$0x1500] =	vst v12;
	v5 =	vmul.f32 v5, v10;
	v10 =	vld [tilespmem:s15+$0x1570]  }
0x4f: {  	v12 =	vld [tilespmem:s12+$0x3D00];
	[tilespmem:s15+$0x1510] =	vst v11;
	v4 =	vmul.f32 v4, v9  }
0x50: {  	v11 =	vld [tilespmem:s12+$0x3D10];
	[tilespmem:s15+$0x1520] =	vst v5;
	v3 =	vmul.f32 v3, v8  }
0x51: {  	v5 =	vld [tilespmem:s12+$0x3D20];
	[tilespmem:s15+$0x1530] =	vst v4;
	v2 =	vmul.f32 v2, v6  }
0x52: {  	v4 =	vld [tilespmem:s12+$0x3D30];
	[tilespmem:s15+$0x1540] =	vst v3;
	v1 =	vmul.f32 v1, v7  }
0x53: {  	v3 =	vld [tilespmem:s12+$0x3D40];
	[tilespmem:s15+$0x1550] =	vst v2;
	v0 =	vmul.f32 v0, v10  }
0x54: {  	v2 =	vld [tilespmem:s12+$0x3D50];
	[tilespmem:s15+$0x1560] =	vst v1  }
0x55: {  	v1 =	vld [tilespmem:s12+$0x3D60];
	[tilespmem:s15+$0x1570] =	vst v0;
	s15 =	smov.u32 s12  }
0x56: {  	v0 =	vld [tilespmem:s15+$0x3D70]  }
0x57: {  	v6 =	vld [tilespmem:s15+$0x1500]  }
0x58: {  	v7 =	vld [tilespmem:s15+$0x1510]  }
.Ltmp0:
0x59: {  	v10 =	vld [tilespmem:s15+$0x1520];
	(pc) =	sbr.rel @p1 .LBB2_3-.Ltmp0, $4  }
0x5a: {  	v9 =	vld [tilespmem:s15+$0x1530]  }
0x5b: {  	v8 =	vld [tilespmem:s15+$0x1540]  }
0x5c: {  	v12 =	vmul.f32 v12, v6;
	v6 =	vld [tilespmem:s15+$0x1550]  }
0x5d: {  	s17 =	sadd.s32 $0x200, s17;
	v11 =	vmul.f32 v11, v7;
	v7 =	vld [tilespmem:s15+$0x1560]  }
0x5e: {  	[tilespmem:s15+$0x1500] =	vst v12;
	v5 =	vmul.f32 v5, v10;
	v10 =	vld [tilespmem:s15+$0x1570]  }
0x5f: {  	[tilespmem:s15+$0x1510] =	vst v11;
	v4 =	vmul.f32 v4, v9  }
0x60: {  	[tilespmem:s15+$0x1520] =	vst v5;
	v3 =	vmul.f32 v3, v8  }
0x61: {  	[tilespmem:s15+$0x1530] =	vst v4;
	v2 =	vmul.f32 v2, v6  }
0x62: {  	[tilespmem:s15+$0x1540] =	vst v3;
	v1 =	vmul.f32 v1, v7  }
0x63: {  	[tilespmem:s15+$0x1550] =	vst v2;
	v0 =	vmul.f32 v0, v10  }
0x64: {  	[tilespmem:s15+$0x1560] =	vst v1  }
0x65: {  	[tilespmem:s15+$0x1570] =	vst v0  }
0x66: {  	_ =	swait.ge [sflag:s31], $0x80  }
0x67: {  	s12 =	sadd.s32 $0x2, s16;
	[sflag:s31] =	ssyncset.done $0x0  }
0x68: {  	s16 =	sadd.s32 s10, s12;
	s12 =	smul.u32 $0x28, s12;
	[sflag:s31] =	ssyncadd.s32 $0xFFFFFF80  }
0x69: {  	[spmem:s3] =	stream.indirect.scatter.add.f32 [tilespmem:s24], [sflag:$0x7], $0x80, s21, s23, $0xb8;
	[tilespmem:$0x19D80] =	vst v63  }
0x6a: {  	s15 =	sshll.u32 s16, $0x4;
	_ =	swait.ge [sflag:s2], $0x1400  }
0x6b: {  	s17 =	sadd.s32 s5, s12;
	s15 =	sand.u32 $0x1FFFFFF0, s15;
	[sflag:s2] =	ssyncset.done $0x0  }
0x6c: {  	s16 =	simm.s32 $0x0;
	s15 =	sadd.s32 s7, s15;
	[sflag:s2] =	ssyncadd.s32 $0xFFFFEC00  }
0x6d: {  	[tilespmem:s21], [sflag:$0x1] =	stream.linear.gather [hbm4b:s15+s16], $0x80, $0x38;
	[tilespmem:$0x19D80] =	vst v63  }
0x6e: {  	s15 =	sshll.u32 s17, $0x4  }
0x6f: {  	s15 =	sadd.s32 s6, s15  }
0x70: {  	[tilespmem:s22], [sflag:$0x5] =	stream.linear.gather [hbm4b:s15+s16], $0x1400, $0x38;
	[tilespmem:$0x19D80] =	vst v63  }
0x71: {  	_ = 	snop  }
0x72: {  	[tilespmem:s24], [sflag:$0x3] =	stream.indirect.gather [hbm4b:s1+s23], $0x80, s12, s23, $0xb8;
	[tilespmem:$0x19D80] =	vst v63  }
0x73: {  	_ =	swait.ge [sflag:s0], $0x1400  }
0x74: {  	[sflag:s0] =	ssyncset.done $0x0  }
0x75: {  	[sflag:s0] =	ssyncadd.s32 $0xFFFFEC00  }
0x76: {  	_ =	swait.ge [sflag:s8], $0x1400  }
0x77: {  	[sflag:s8] =	ssyncset.done $0x0  }
0x78: {  	s15 =	simm.s32 $0x0;
	[sflag:s8] =	ssyncadd.s32 $0xFFFFEC00  }
0x79: {  	v7 =	vld [tilespmem:s15+$0x5100]  }
0x7a: {  	v11 =	vld [tilespmem:s15+$0x5110]  }
0x7b: {  	v5 =	vld [tilespmem:s15+$0x5120]  }
0x7c: {  	v4 =	vld [tilespmem:s15+$0x5130]  }
0x7d: {  	v3 =	vld [tilespmem:s15+$0x5140]  }
0x7e: {  	v2 =	vld [tilespmem:s15+$0x5150]  }
0x7f: {  	v1 =	vld [tilespmem:s15+$0x5160]  }
0x80: {  	v0 =	vld [tilespmem:s15+$0x5170]  }
0x81: {  	v12 =	vld [tilespmem:s15+$0x2900]  }
0x82: {  	v13 =	vld [tilespmem:s15+$0x2910]  }
0x83: {  	v10 =	vld [tilespmem:s15+$0x2920]  }
0x84: {  	v9 =	vld [tilespmem:s15+$0x2930]  }
0x85: {  	v8 =	vld [tilespmem:s15+$0x2940]  }
0x86: {  	v6 =	vld [tilespmem:s15+$0x2950];
	v12 =	vmul.f32 v7, v12  }
0x87: {  	s16 =	simm.s32 $0x200;
	v11 =	vmul.f32 v11, v13;
	v7 =	vld [tilespmem:s15+$0x2960]  }
.LBB2_5:
0x88: {  	s12 =	sshra.s32 s16, $0x2;
	p1 =	sne.s32 s16, $0x4E00;
	[tilespmem:s15+$0x2900] =	vst v12;
	v5 =	vmul.f32 v5, v10;
	v10 =	vld [tilespmem:s15+$0x2970]  }
0x89: {  	v12 =	vld [tilespmem:s12+$0x5100];
	[tilespmem:s15+$0x2910] =	vst v11;
	v4 =	vmul.f32 v4, v9  }
0x8a: {  	v11 =	vld [tilespmem:s12+$0x5110];
	[tilespmem:s15+$0x2920] =	vst v5;
	v3 =	vmul.f32 v3, v8  }
0x8b: {  	v5 =	vld [tilespmem:s12+$0x5120];
	[tilespmem:s15+$0x2930] =	vst v4;
	v2 =	vmul.f32 v2, v6  }
0x8c: {  	v4 =	vld [tilespmem:s12+$0x5130];
	[tilespmem:s15+$0x2940] =	vst v3;
	v1 =	vmul.f32 v1, v7  }
0x8d: {  	v3 =	vld [tilespmem:s12+$0x5140];
	[tilespmem:s15+$0x2950] =	vst v2;
	v0 =	vmul.f32 v0, v10  }
0x8e: {  	v2 =	vld [tilespmem:s12+$0x5150];
	[tilespmem:s15+$0x2960] =	vst v1  }
0x8f: {  	v1 =	vld [tilespmem:s12+$0x5160];
	[tilespmem:s15+$0x2970] =	vst v0;
	s15 =	smov.u32 s12  }
0x90: {  	v0 =	vld [tilespmem:s15+$0x5170]  }
0x91: {  	v6 =	vld [tilespmem:s15+$0x2900]  }
0x92: {  	v7 =	vld [tilespmem:s15+$0x2910]  }
.Ltmp1:
0x93: {  	v10 =	vld [tilespmem:s15+$0x2920];
	(pc) =	sbr.rel @p1 .LBB2_5-.Ltmp1, $4  }
0x94: {  	v9 =	vld [tilespmem:s15+$0x2930]  }
0x95: {  	v8 =	vld [tilespmem:s15+$0x2940]  }
0x96: {  	v12 =	vmul.f32 v12, v6;
	v6 =	vld [tilespmem:s15+$0x2950]  }
0x97: {  	s16 =	sadd.s32 $0x200, s16;
	v11 =	vmul.f32 v11, v7;
	v7 =	vld [tilespmem:s15+$0x2960]  }
0x98: {  	[tilespmem:s15+$0x2900] =	vst v12;
	v5 =	vmul.f32 v5, v10;
	v63 =	vld [tilespmem:s15+$0x2970]  }
0x99: {  	[tilespmem:s15+$0x2910] =	vst v11;
	v4 =	vmul.f32 v4, v9  }
0x9a: {  	[tilespmem:s15+$0x2920] =	vst v5;
	v3 =	vmul.f32 v3, v8  }
0x9b: {  	[tilespmem:s15+$0x2930] =	vst v4;
	v2 =	vmul.f32 v2, v6  }
0x9c: {  	[tilespmem:s15+$0x2940] =	vst v3;
	v1 =	vmul.f32 v1, v7  }
0x9d: {  	s14 =	sadd.s32 $0x1, s14;
	[tilespmem:s15+$0x2950] =	vst v2;
	v0 =	vmul.f32 v0, v63  }
0x9e: {  	p1 =	sne.s32 s14, $0x3E;
	[tilespmem:s15+$0x2960] =	vst v1  }
.Ltmp2:
0x9f: {  	[tilespmem:s15+$0x2970] =	vst v0;
	(pc) =	sbr.rel @p1 .LBB2_2-.Ltmp2, $4  }
0xa0: {  	_ =	swait.ge [sflag:s11], $0x80  }
0xa1: {  	[sflag:s11] =	ssyncset.done $0x0  }
0xa2: {  	[sflag:s11] =	ssyncadd.s32 $0xFFFFFF80  }
0xa3: {  	[spmem:s3] =	stream.indirect.scatter.add.f32 [tilespmem:s28], [sflag:$0x8], $0x80, s25, s23, $0xb8;
	[tilespmem:$0x19D80] =	vst v63  }
0xa4: {  	_ =	swait.ge [sflag:s29], $0x1400  }
0xa5: {  	[sflag:s29] =	ssyncset.done $0x0  }
0xa6: {  	[sflag:s29] =	ssyncadd.s32 $0xFFFFEC00  }
0xa7: {  	_ =	swait.ge [sflag:s30], $0x1400  }
0xa8: {  	[sflag:s30] =	ssyncset.done $0x0  }
0xa9: {  	s14 =	simm.s32 $0x0;
	[sflag:s30] =	ssyncadd.s32 $0xFFFFEC00  }
0xaa: {  	v7 =	vld [tilespmem:s14+$0x3D00]  }
0xab: {  	v11 =	vld [tilespmem:s14+$0x3D10]  }
0xac: {  	v5 =	vld [tilespmem:s14+$0x3D20]  }
0xad: {  	v4 =	vld [tilespmem:s14+$0x3D30]  }
0xae: {  	v3 =	vld [tilespmem:s14+$0x3D40]  }
0xaf: {  	v2 =	vld [tilespmem:s14+$0x3D50]  }
0xb0: {  	v1 =	vld [tilespmem:s14+$0x3D60]  }
0xb1: {  	v0 =	vld [tilespmem:s14+$0x3D70]  }
0xb2: {  	v12 =	vld [tilespmem:s14+$0x1500]  }
0xb3: {  	v13 =	vld [tilespmem:s14+$0x1510]  }
0xb4: {  	v10 =	vld [tilespmem:s14+$0x1520]  }
0xb5: {  	v9 =	vld [tilespmem:s14+$0x1530]  }
0xb6: {  	v8 =	vld [tilespmem:s14+$0x1540]  }
0xb7: {  	v6 =	vld [tilespmem:s14+$0x1550];
	v12 =	vmul.f32 v7, v12  }
0xb8: {  	s15 =	simm.s32 $0x200;
	v11 =	vmul.f32 v11, v13;
	v7 =	vld [tilespmem:s14+$0x1560]  }
.LBB2_8:
0xb9: {  	s12 =	sshra.s32 s15, $0x2;
	p1 =	sne.s32 s15, $0x4E00;
	[tilespmem:s14+$0x1500] =	vst v12;
	v5 =	vmul.f32 v5, v10;
	v10 =	vld [tilespmem:s14+$0x1570]  }
0xba: {  	v12 =	vld [tilespmem:s12+$0x3D00];
	[tilespmem:s14+$0x1510] =	vst v11;
	v4 =	vmul.f32 v4, v9  }
0xbb: {  	v11 =	vld [tilespmem:s12+$0x3D10];
	[tilespmem:s14+$0x1520] =	vst v5;
	v3 =	vmul.f32 v3, v8  }
0xbc: {  	v5 =	vld [tilespmem:s12+$0x3D20];
	[tilespmem:s14+$0x1530] =	vst v4;
	v2 =	vmul.f32 v2, v6  }
0xbd: {  	v4 =	vld [tilespmem:s12+$0x3D30];
	[tilespmem:s14+$0x1540] =	vst v3;
	v1 =	vmul.f32 v1, v7  }
0xbe: {  	v3 =	vld [tilespmem:s12+$0x3D40];
	[tilespmem:s14+$0x1550] =	vst v2;
	v0 =	vmul.f32 v0, v10  }
0xbf: {  	v2 =	vld [tilespmem:s12+$0x3D50];
	[tilespmem:s14+$0x1560] =	vst v1  }
0xc0: {  	v1 =	vld [tilespmem:s12+$0x3D60];
	[tilespmem:s14+$0x1570] =	vst v0;
	s14 =	smov.u32 s12  }
0xc1: {  	v0 =	vld [tilespmem:s14+$0x3D70]  }
0xc2: {  	v6 =	vld [tilespmem:s14+$0x1500]  }
0xc3: {  	v7 =	vld [tilespmem:s14+$0x1510]  }
.Ltmp3:
0xc4: {  	v10 =	vld [tilespmem:s14+$0x1520];
	(pc) =	sbr.rel @p1 .LBB2_8-.Ltmp3, $4  }
0xc5: {  	v9 =	vld [tilespmem:s14+$0x1530]  }
0xc6: {  	v8 =	vld [tilespmem:s14+$0x1540]  }
0xc7: {  	v12 =	vmul.f32 v12, v6;
	v6 =	vld [tilespmem:s14+$0x1550]  }
0xc8: {  	s15 =	sadd.s32 $0x200, s15;
	v11 =	vmul.f32 v11, v7;
	v7 =	vld [tilespmem:s14+$0x1560]  }
0xc9: {  	[tilespmem:s14+$0x1500] =	vst v12;
	v5 =	vmul.f32 v5, v10;
	v63 =	vld [tilespmem:s14+$0x1570]  }
0xca: {  	[tilespmem:s14+$0x1510] =	vst v11;
	v4 =	vmul.f32 v4, v9  }
0xcb: {  	[tilespmem:s14+$0x1520] =	vst v5;
	v3 =	vmul.f32 v3, v8  }
0xcc: {  	[tilespmem:s14+$0x1530] =	vst v4;
	v2 =	vmul.f32 v2, v6  }
0xcd: {  	[tilespmem:s14+$0x1540] =	vst v3;
	v1 =	vmul.f32 v1, v7  }
0xce: {  	[tilespmem:s14+$0x1550] =	vst v2;
	v0 =	vmul.f32 v0, v63  }
0xcf: {  	[tilespmem:s14+$0x1560] =	vst v1  }
0xd0: {  	[tilespmem:s14+$0x1570] =	vst v0  }
0xd1: {  	_ =	swait.ge [sflag:s31], $0x80  }
0xd2: {  	[sflag:s31] =	ssyncset.done $0x0  }
0xd3: {  	[sflag:s31] =	ssyncadd.s32 $0xFFFFFF80  }
0xd4: {  	[spmem:s3] =	stream.indirect.scatter.add.f32 [tilespmem:s24], [sflag:$0x7], $0x80, s21, s23, $0xb8;
	[tilespmem:$0x19D80] =	vst v63  }
0xd5: {  	_ =	swait.ge [sflag:s2], $0x1400  }
0xd6: {  	[sflag:s2] =	ssyncset.done $0x0  }
0xd7: {  	s12 =	simm.s32 $0x8;
	[sflag:s2] =	ssyncadd.s32 $0xFFFFEC00  }
0xd8: {  	_ =	swait.ge [sflag:s12], $0x1400  }
0xd9: {  	[sflag:s12] =	ssyncset.done $0x0  }
0xda: {  	[sflag:s12] =	ssyncadd.s32 $0xFFFFEC00  }
0xdb: {  	[bflag:$0x0] =	sbarrier.arrive $0xFFFF  }
0xdc: {  	s16 =	rddreg [dreg:$0x9]  }
0xdd: {  	[hbm:s16], [sflag:s9] =	dma.local [spmem:s18], $0x2700  }
0xde: {  	_ =	swait.ge [sflag:s19], $0x2700  }
0xdf: {  	[sflag:s19] =	ssyncset.done $0x0  }
0xe0: {  	s12 =	rddreg [dreg:$0xa];
	[sflag:s19] =	ssyncadd.s32 $0xFFFFD900  }
0xe1: {  	[hbm:s12], [sflag:s9] =	dma.local @!p0 [spmem:s20], $0x100  }
0xe2: {  	s12 =	simm.s32 @!p0 $0x9  }
0xe3: {  	_ =	swait.ge @!p0 [sflag:s12], $0x100  }
0xe4: {  	s13 =	sadd.s32 $0x1, s13;
	s17 =	rddreg [dreg:$0xb]  }
0xe5: {  	p1 =	sne.s32 s13, s17  }
.Ltmp4:
0xe6: {  	_ = 	snop;
	(pc) =	sbr.rel @p1 .LBB2_1-.Ltmp4, $3  }
0xe7: {  	_ =	sdelay $0x1  }
0xe8: {  	[sflag:s12] =	ssyncset.done @!p0 $0x0  }
0xe9: {  	[sflag:s12] =	ssyncadd.s32 @!p0 $0xFFFFFF00  }
0xea: {  	_ =	sfence.sel $0x180000  }
0xeb: {  	[bflag:$0x0] =	sbarrier.arrive $0xFFFF  }
0xec: {  	_ =	strace $0x9000004A  }
0xed: {  	s0 =	stileid.u32;
	[bflag:$0x2] =	sbarrier.arrive $0xFFFF  }
0xee: {  	p0 =	sne.s32 s0, $0x0;
	s0 =	rddreg [dreg:$0x3]  }
0xef: {  	s0 =	sadd.s32 @!p0 $0x100000, s0  }
0xf0: {  	[sflag:s0] =	ssyncadd.tile.s32 @!p0 $0x1;
	_ =	shalt  }
.Lfunc_end2:
_tile_overlayer_lowered:
.L_overlay_start_2:
0xf1: {  	(tag) =	ssettag $0x2  }
0xf2: {  	s0 =	rddreg [dreg:$0x0];
	s2 =	stileid.u32  }
0xf3: {  	s1 =	rddreg [dreg:$0x1];
	p0 =	sne.s32 s2, $0x0  }
0xf4: {  	s3 =	rddreg [dreg:$0x2];
	[bflag:$0x3] =	sbarrier.arrive $0xFFFF;
	s2 =	simm.s32 @!p0 $0x1C09  }
0xf5: {  	[timem:s3], [sflag:s2] =	dma.local @!p0 [hbm:s0], s1  }
0xf6: {  	s0 =	simm.s32 @!p0 $0x9  }
0xf7: {  	_ =	swait.ge @!p0 [sflag:s0], s1  }
0xf8: {  	s1 =	ssub.s32 @!p0 $0x0, s1;
	[sflag:s0] =	ssyncset.done @!p0 $0x0  }
0xf9: {  	[sflag:s0] =	ssyncadd.s32 @!p0 s1  }
0xfa: {  	[bflag:$0x3] =	sbarrier.arrive $0xFFFF  }
0xfb: {  	_ =	shalt  }

</sc_bundles>
